<compile_context>
chip_gen: v7x
topology: tpu7x:2x2x1
jax: 0.10.2.dev20260603
libtpu: 0.0.44.dev20260713+nightly
codegen_flags: <defaults>
</compile_context>

<pallas_src>
import dataclasses
import functools

import jax
import jax.numpy as jnp
from jax import lax
from jax.experimental import pallas as pl
from jax.experimental.pallas import tpu as pltpu
from jax.experimental.pallas import tpu_sc as plsc

N_NODES = 10000
N_EDGES = 320000
D = 128
L = 16

NC = 2
NS = 16
NW = NC * NS
K = 64
NBI = 6
NBR = 4
UNR = 12
NCHUNK = N_EDGES // K
CPW = NCHUNK // NW
XTRA = NCHUNK - CPW * NW
NP = 10240
RPS = NP // NS
DR = NP // D

_mesh = plsc.VectorSubcoreMesh(core_axis_name="c", subcore_axis_name="s")

_cp = pltpu.CompilerParams()
if "needs_layout_passes" in pltpu.CompilerParams.__dataclass_fields__:
    _cp = dataclasses.replace(_cp, needs_layout_passes=False)


@functools.partial(
    pl.kernel,
    out_type=(
        jax.ShapeDtypeStruct((NC, NP, D), jnp.float32),
        jax.ShapeDtypeStruct((NC, NS, DR, D), jnp.float32),
    ),
    mesh=_mesh,
    scratch_types=[
        [pltpu.VMEM((2, K), jnp.int32)] * NBI,
        [pltpu.VMEM((K, D), jnp.float32)] * NBR,
        pltpu.VMEM((DR, D), jnp.float32),
        pltpu.VMEM_SHARED((NP, D), jnp.float32),
        [pltpu.SemaphoreType.DMA] * NBI,
        [pltpu.SemaphoreType.DMA] * NBR,
        [pltpu.SemaphoreType.DMA] * NBR,
        [pltpu.SemaphoreType.DMA] * 2,
    ],
    compiler_params=_cp,
)
def _sc_aggregate(x_hbm, sidi_hbm, zh_hbm, zd_hbm,
                  ph_hbm, pd_hbm,
                  sidi, rows, dl_v, acc_h, semi, semg, sems, semz):
    c = lax.axis_index("c")
    s = lax.axis_index("s")
    wid = c * NS + s
    r0 = s * RPS
    cbase = wid * CPW

    pltpu.async_copy(zh_hbm, acc_h.at[pl.ds(r0, RPS)], semz[0])
    pltpu.async_copy(zd_hbm, dl_v, semz[1])

    ones16 = jnp.full((L,), 1.0, jnp.float32)

    def start_idx(g, bi):
        pltpu.async_copy(sidi_hbm.at[:, g], sidi[bi], semi[bi])

    def wait_idx(bi):
        pltpu.make_async_copy(sidi_hbm.at[:, 0], sidi[bi], semi[bi]).wait()

    def start_gather(bi, br):
        pltpu.async_copy(x_hbm.at[sidi[bi].at[0]], rows[br], semg[br])

    def wait_gather(bi, br):
        pltpu.make_async_copy(x_hbm.at[sidi[bi].at[0]], rows[br],
                              semg[br]).wait()

    def start_scatter(bi, br):
        pltpu.async_copy(rows[br], acc_h.at[sidi[bi].at[1]], sems[br],
                         add=True)

    def drain_scatter(bi, br):
        pltpu.make_async_copy(rows[br], acc_h.at[sidi[bi].at[1]],
                              sems[br]).wait()

    def deg(bi):
        for t in range(K // L):
            idx16 = sidi[bi][1, pl.ds(t * L, L)]
            plsc.addupdate_scatter(
                dl_v, [lax.shift_right_logical(idx16, 7),
                       lax.bitwise_and(idx16, 127)], ones16)

    for i in range(5):
        start_idx(cbase + i, i)
    for i in range(3):
        wait_idx(i)
        start_gather(i, i)

    pltpu.make_async_copy(zh_hbm, acc_h.at[pl.ds(r0, RPS)], semz[0]).wait()
    pltpu.make_async_copy(zd_hbm, dl_v, semz[1]).wait()
    plsc.subcore_barrier()

    @pl.loop(0, CPW // UNR)
    def _(jj):
        t0 = jj * UNR
        for u in range(UNR):
            t = t0 + u

            @pl.when(t >= 1)
            def _():
                drain_scatter((u + NBI - 1) % NBI, (u + NBR - 1) % NBR)

            @pl.when(t + 5 < CPW)
            def _():
                start_idx(cbase + t + 5, (u + 5) % NBI)

            @pl.when(t + 3 < CPW)
            def _():
                wait_idx((u + 3) % NBI)
                start_gather((u + 3) % NBI, (u + 3) % NBR)

            wait_gather(u % NBI, u % NBR)
            start_scatter(u % NBI, u % NBR)
            deg(u % NBI)

    drain_scatter((CPW - 1) % NBI, (CPW - 1) % NBR)

    @pl.when(wid < XTRA)
    def _():
        g = NW * CPW + wid
        start_idx(g, 0)
        wait_idx(0)
        start_gather(0, 0)
        wait_gather(0, 0)
        pltpu.sync_copy(rows[0], acc_h.at[sidi[0].at[1]], add=True)
        deg(0)

    plsc.subcore_barrier()

    pltpu.sync_copy(acc_h.at[pl.ds(r0, RPS)], ph_hbm.at[c].at[pl.ds(r0, RPS)])
    pltpu.sync_copy(dl_v, pd_hbm.at[c].at[s])


_RB = 1024
_SB = _RB // D


def _tc_body(ph_ref, pd_ref, wt_ref, b_ref, o_ref):
    h = ph_ref[0] + ph_ref[1]
    dall = jnp.sum(pd_ref[...], axis=(0, 1))
    ri = lax.broadcasted_iota(jnp.int32, (D, D), 0)
    ci = lax.broadcasted_iota(jnp.int32, (D, D), 1)
    eye = ri == ci
    wt = wt_ref[...]
    bb = b_ref[...]
    for r in range(_SB):
        recip = 1.0 / jnp.maximum(dall[r], 1.0)
        diag = jnp.where(eye, recip, 0.0)
        hr = h[r * D:(r + 1) * D]
        hn = jnp.dot(diag, hr, preferred_element_type=jnp.float32)
        o_ref[pl.ds(r * D, D), :] = (
            jnp.dot(hn, wt, preferred_element_type=jnp.float32) + bb)


def _tc_linear(ph, pd5, wt, b2):
    return pl.pallas_call(
        _tc_body,
        grid=(pl.cdiv(N_NODES, _RB),),
        in_specs=[
            pl.BlockSpec((NC, _RB, D), lambda i: (0, i, 0)),
            pl.BlockSpec((NC, NS, _SB, 1, D), lambda i: (0, 0, i, 0, 0)),
            pl.BlockSpec((D, D), lambda i: (0, 0)),
            pl.BlockSpec((1, D), lambda i: (0, 0)),
        ],
        out_specs=pl.BlockSpec((_RB, D), lambda i: (i, 0)),
        out_shape=jax.ShapeDtypeStruct((N_NODES, D), jnp.float32),
    )(ph, pd5, wt, b2)


def kernel(inputs, edge_index, W, b):
    ei = edge_index.astype(jnp.int32)
    sidi = ei.reshape(2, NCHUNK, K)
    zh = jnp.zeros((RPS, D), jnp.float32)
    zd = jnp.zeros((DR, D), jnp.float32)
    ph, pd = _sc_aggregate(inputs, sidi, zh, zd)
    pd5 = pd.reshape(NC, NS, DR, 1, D)
    return _tc_linear(ph, pd5, W.T, b.reshape(1, D))

# --- scband reference (transcript-rebuilt; emitter-appended) ---
"""Pipeline reference for scband-degree-gcnplus-layer-27642409517695 (READ-ONLY COPY).

The authoritative reference and input builder live on the scoring server;
editing this copy changes nothing except your own understanding.
"""

import jax, jax.numpy as jnp
import numpy as np

N_NODES = 10000
N_EDGES = 320000
D_IN = 128
D_OUT = 128


def setup_inputs(seed: int = 0) -> dict:
    key = jax.random.key(seed)
    k1, k2, k3, k4 = jax.random.split(key, 4)
    inputs = jax.random.normal(k1, (N_NODES, D_IN), dtype=jnp.float32)
    edge_index = jax.random.randint(k2, (2, N_EDGES), 0, N_NODES, dtype=jnp.int64)
    # nn.Linear(in_feats, out_feats): W [out, in], b [out]
    bound = 1.0 / np.sqrt(D_IN)
    W = jax.random.uniform(k3, (D_OUT, D_IN), minval=-bound, maxval=bound, dtype=jnp.float32)
    b = jax.random.uniform(k4, (D_OUT,), minval=-bound, maxval=bound, dtype=jnp.float32)
    return {"inputs": inputs, "edge_index": edge_index, "W": W, "b": b}


def reference(inputs, edge_index, W, b):
    src = edge_index[0]
    dst = edge_index[1]
    # message: copy src 'h'; reduce: sum over incoming edges at dst
    msgs = jnp.take(inputs, src, axis=0)
    h = jax.ops.segment_sum(msgs, dst, num_segments=N_NODES)
    # node 'degree' data: in-degree of each node
    deg = jax.ops.segment_sum(jnp.ones((N_EDGES,), dtype=jnp.float32), dst, num_segments=N_NODES)
    deg = jnp.maximum(deg, 1.0)  # avoid div-by-zero for isolated nodes
    h = h / deg[:, None]
    h = h @ W.T + b
    return h

if __name__ == "__main__":
    import jax
    _d = setup_inputs()
    print(jax.jit(kernel)(*tuple(_d.values())))

</pallas_src>

<mosaic_0001>
#map = affine_map<(d0, d1) -> (0, 0)>
#map1 = affine_map<(d0, d1) -> (0, 0, 0)>
#map2 = affine_map<(d0, d1) -> (0, 0, 0, 0)>
module attributes {stable_mosaic.version = 14 : i64} {
  func.func @_sc_aggregate(%arg0: i32, %arg1: i32, %arg2: memref<10000x128xf32, #tpu.memory_space<hbm>>, %arg3: memref<2x5000x64xi32, #tpu.memory_space<hbm>>, %arg4: memref<640x128xf32, #tpu.memory_space<hbm>>, %arg5: memref<80x128xf32, #tpu.memory_space<hbm>>, %arg6: memref<2x10240x128xf32, #tpu.memory_space<hbm>>, %arg7: memref<2x16x80x128xf32, #tpu.memory_space<hbm>>, %arg8: memref<2x64xi32, #tpu.memory_space<vmem>>, %arg9: memref<2x64xi32, #tpu.memory_space<vmem>>, %arg10: memref<2x64xi32, #tpu.memory_space<vmem>>, %arg11: memref<2x64xi32, #tpu.memory_space<vmem>>, %arg12: memref<2x64xi32, #tpu.memory_space<vmem>>, %arg13: memref<2x64xi32, #tpu.memory_space<vmem>>, %arg14: memref<64x128xf32, #tpu.memory_space<vmem>>, %arg15: memref<64x128xf32, #tpu.memory_space<vmem>>, %arg16: memref<64x128xf32, #tpu.memory_space<vmem>>, %arg17: memref<64x128xf32, #tpu.memory_space<vmem>>, %arg18: memref<80x128xf32, #tpu.memory_space<vmem>>, %arg19: memref<10240x128xf32, #tpu.memory_space<vmem_shared>>, %arg20: memref<!tpu.dma_semaphore, #tpu.memory_space<semaphore_mem>>, %arg21: memref<!tpu.dma_semaphore, #tpu.memory_space<semaphore_mem>>, %arg22: memref<!tpu.dma_semaphore, #tpu.memory_space<semaphore_mem>>, %arg23: memref<!tpu.dma_semaphore, #tpu.memory_space<semaphore_mem>>, %arg24: memref<!tpu.dma_semaphore, #tpu.memory_space<semaphore_mem>>, %arg25: memref<!tpu.dma_semaphore, #tpu.memory_space<semaphore_mem>>, %arg26: memref<!tpu.dma_semaphore, #tpu.memory_space<semaphore_mem>>, %arg27: memref<!tpu.dma_semaphore, #tpu.memory_space<semaphore_mem>>, %arg28: memref<!tpu.dma_semaphore, #tpu.memory_space<semaphore_mem>>, %arg29: memref<!tpu.dma_semaphore, #tpu.memory_space<semaphore_mem>>, %arg30: memref<!tpu.dma_semaphore, #tpu.memory_space<semaphore_mem>>, %arg31: memref<!tpu.dma_semaphore, #tpu.memory_space<semaphore_mem>>, %arg32: memref<!tpu.dma_semaphore, #tpu.memory_space<semaphore_mem>>, %arg33: memref<!tpu.dma_semaphore, #tpu.memory_space<semaphore_mem>>, %arg34: memref<!tpu.dma_semaphore, #tpu.memory_space<semaphore_mem>>, %arg35: memref<!tpu.dma_semaphore, #tpu.memory_space<semaphore_mem>>) attributes {dimension_semantics = [#tpu.dimension_semantics<core_parallel>, #tpu.dimension_semantics<subcore_parallel>], iteration_bounds = array<i64: 2, 16>, scalar_prefetch = 0 : i64, scratch_operands = 28 : i64, tpu.core_type = #tpu.core_type<sc_vector_subcore>, window_params = [{transform_indices = #map}, {transform_indices = #map1}, {transform_indices = #map}, {transform_indices = #map}, {transform_indices = #map1}, {transform_indices = #map2}]} {
    %mul3A = arith.constant 16 : i32
    %mul3A_0 = arith.muli %arg0, %mul3A : i32
    %add3A = arith.addi %mul3A_0, %arg1 : i32
    %mul3A_1 = arith.constant 640 : i32
    %mul3A_2 = arith.muli %arg1, %mul3A_1 : i32
    %mul3A_3 = arith.constant 156 : i32
    %mul3A_4 = arith.muli %add3A, %mul3A_3 : i32
    %dma_start3A = arith.constant 0 : i32
    %dma_start3A_5 = tpu.memref_slice %arg19[%mul3A_2, %dma_start3A] : memref<10240x128xf32, #tpu.memory_space<vmem_shared>> -> memref<640x128xf32, #tpu.memory_space<vmem_shared>>
    tpu.enqueue_dma source(%arg4 : memref<640x128xf32, #tpu.memory_space<hbm>>) target(%dma_start3A_5 : memref<640x128xf32, #tpu.memory_space<vmem_shared>>) target_semaphore(%arg34 : memref<!tpu.dma_semaphore, #tpu.memory_space<semaphore_mem>>)
    tpu.enqueue_dma source(%arg5 : memref<80x128xf32, #tpu.memory_space<hbm>>) target(%arg18 : memref<80x128xf32, #tpu.memory_space<vmem>>) target_semaphore(%arg35 : memref<!tpu.dma_semaphore, #tpu.memory_space<semaphore_mem>>)
    %broadcast_in_dim3A = arith.constant 1.000000e+00 : f32
    %broadcast_in_dim3A_6 = vector.broadcast %broadcast_in_dim3A : f32 to vector<16xf32>
    %add3A_7 = arith.constant 0 : i32
    %add3A_8 = arith.addi %mul3A_4, %add3A_7 : i32
    %dma_start3A_9 = arith.constant 0 : i32
    %dma_start3A_10 = arith.constant 0 : i32
    %dma_start3A_11 = tpu.memref_slice %arg3[%dma_start3A_9, %add3A_8, %dma_start3A_10] : memref<2x5000x64xi32, #tpu.memory_space<hbm>> -> memref<2x1x64xi32, #tpu.memory_space<hbm>>
    %dma_start3A_12 = tpu.memref_squeeze %dma_start3A_11 : memref<2x1x64xi32, #tpu.memory_space<hbm>> -> memref<2x64xi32, #tpu.memory_space<hbm>>
    %dma_start3A_13 = arith.constant 0 : i32
    %dma_start3A_14 = arith.constant 0 : i32
    %dma_start3A_15 = tpu.memref_slice %arg3[%dma_start3A_13, %add3A_8, %dma_start3A_14] : memref<2x5000x64xi32, #tpu.memory_space<hbm>> -> memref<2x1x64xi32, #tpu.memory_space<hbm>>
    %dma_start3A_16 = tpu.memref_squeeze %dma_start3A_15 : memref<2x1x64xi32, #tpu.memory_space<hbm>> -> memref<2x64xi32, #tpu.memory_space<hbm>>
    tpu.enqueue_dma source(%dma_start3A_16 : memref<2x64xi32, #tpu.memory_space<hbm>>) target(%arg8 : memref<2x64xi32, #tpu.memory_space<vmem>>) target_semaphore(%arg20 : memref<!tpu.dma_semaphore, #tpu.memory_space<semaphore_mem>>)
    %add3A_17 = arith.constant 1 : i32
    %add3A_18 = arith.addi %mul3A_4, %add3A_17 : i32
    %dma_start3A_19 = arith.constant 0 : i32
    %dma_start3A_20 = arith.constant 0 : i32
    %dma_start3A_21 = tpu.memref_slice %arg3[%dma_start3A_19, %add3A_18, %dma_start3A_20] : memref<2x5000x64xi32, #tpu.memory_space<hbm>> -> memref<2x1x64xi32, #tpu.memory_space<hbm>>
    %dma_start3A_22 = tpu.memref_squeeze %dma_start3A_21 : memref<2x1x64xi32, #tpu.memory_space<hbm>> -> memref<2x64xi32, #tpu.memory_space<hbm>>
    %dma_start3A_23 = arith.constant 0 : i32
    %dma_start3A_24 = arith.constant 0 : i32
    %dma_start3A_25 = tpu.memref_slice %arg3[%dma_start3A_23, %add3A_18, %dma_start3A_24] : memref<2x5000x64xi32, #tpu.memory_space<hbm>> -> memref<2x1x64xi32, #tpu.memory_space<hbm>>
    %dma_start3A_26 = tpu.memref_squeeze %dma_start3A_25 : memref<2x1x64xi32, #tpu.memory_space<hbm>> -> memref<2x64xi32, #tpu.memory_space<hbm>>
    tpu.enqueue_dma source(%dma_start3A_26 : memref<2x64xi32, #tpu.memory_space<hbm>>) target(%arg9 : memref<2x64xi32, #tpu.memory_space<vmem>>) target_semaphore(%arg21 : memref<!tpu.dma_semaphore, #tpu.memory_space<semaphore_mem>>)
    %add3A_27 = arith.constant 2 : i32
    %add3A_28 = arith.addi %mul3A_4, %add3A_27 : i32
    %dma_start3A_29 = arith.constant 0 : i32
    %dma_start3A_30 = arith.constant 0 : i32
    %dma_start3A_31 = tpu.memref_slice %arg3[%dma_start3A_29, %add3A_28, %dma_start3A_30] : memref<2x5000x64xi32, #tpu.memory_space<hbm>> -> memref<2x1x64xi32, #tpu.memory_space<hbm>>
    %dma_start3A_32 = tpu.memref_squeeze %dma_start3A_31 : memref<2x1x64xi32, #tpu.memory_space<hbm>> -> memref<2x64xi32, #tpu.memory_space<hbm>>
    %dma_start3A_33 = arith.constant 0 : i32
    %dma_start3A_34 = arith.constant 0 : i32
    %dma_start3A_35 = tpu.memref_slice %arg3[%dma_start3A_33, %add3A_28, %dma_start3A_34] : memref<2x5000x64xi32, #tpu.memory_space<hbm>> -> memref<2x1x64xi32, #tpu.memory_space<hbm>>
    %dma_start3A_36 = tpu.memref_squeeze %dma_start3A_35 : memref<2x1x64xi32, #tpu.memory_space<hbm>> -> memref<2x64xi32, #tpu.memory_space<hbm>>
    tpu.enqueue_dma source(%dma_start3A_36 : memref<2x64xi32, #tpu.memory_space<hbm>>) target(%arg10 : memref<2x64xi32, #tpu.memory_space<vmem>>) target_semaphore(%arg22 : memref<!tpu.dma_semaphore, #tpu.memory_space<semaphore_mem>>)
    %add3A_37 = arith.constant 3 : i32
    %add3A_38 = arith.addi %mul3A_4, %add3A_37 : i32
    %dma_start3A_39 = arith.constant 0 : i32
    %dma_start3A_40 = arith.constant 0 : i32
    %dma_start3A_41 = tpu.memref_slice %arg3[%dma_start3A_39, %add3A_38, %dma_start3A_40] : memref<2x5000x64xi32, #tpu.memory_space<hbm>> -> memref<2x1x64xi32, #tpu.memory_space<hbm>>
    %dma_start3A_42 = tpu.memref_squeeze %dma_start3A_41 : memref<2x1x64xi32, #tpu.memory_space<hbm>> -> memref<2x64xi32, #tpu.memory_space<hbm>>
    %dma_start3A_43 = arith.constant 0 : i32
    %dma_start3A_44 = arith.constant 0 : i32
    %dma_start3A_45 = tpu.memref_slice %arg3[%dma_start3A_43, %add3A_38, %dma_start3A_44] : memref<2x5000x64xi32, #tpu.memory_space<hbm>> -> memref<2x1x64xi32, #tpu.memory_space<hbm>>
    %dma_start3A_46 = tpu.memref_squeeze %dma_start3A_45 : memref<2x1x64xi32, #tpu.memory_space<hbm>> -> memref<2x64xi32, #tpu.memory_space<hbm>>
    tpu.enqueue_dma source(%dma_start3A_46 : memref<2x64xi32, #tpu.memory_space<hbm>>) target(%arg11 : memref<2x64xi32, #tpu.memory_space<vmem>>) target_semaphore(%arg23 : memref<!tpu.dma_semaphore, #tpu.memory_space<semaphore_mem>>)
    %add3A_47 = arith.constant 4 : i32
    %add3A_48 = arith.addi %mul3A_4, %add3A_47 : i32
    %dma_start3A_49 = arith.constant 0 : i32
    %dma_start3A_50 = arith.constant 0 : i32
    %dma_start3A_51 = tpu.memref_slice %arg3[%dma_start3A_49, %add3A_48, %dma_start3A_50] : memref<2x5000x64xi32, #tpu.memory_space<hbm>> -> memref<2x1x64xi32, #tpu.memory_space<hbm>>
    %dma_start3A_52 = tpu.memref_squeeze %dma_start3A_51 : memref<2x1x64xi32, #tpu.memory_space<hbm>> -> memref<2x64xi32, #tpu.memory_space<hbm>>
    %dma_start3A_53 = arith.constant 0 : i32
    %dma_start3A_54 = arith.constant 0 : i32
    %dma_start3A_55 = tpu.memref_slice %arg3[%dma_start3A_53, %add3A_48, %dma_start3A_54] : memref<2x5000x64xi32, #tpu.memory_space<hbm>> -> memref<2x1x64xi32, #tpu.memory_space<hbm>>
    %dma_start3A_56 = tpu.memref_squeeze %dma_start3A_55 : memref<2x1x64xi32, #tpu.memory_space<hbm>> -> memref<2x64xi32, #tpu.memory_space<hbm>>
    tpu.enqueue_dma source(%dma_start3A_56 : memref<2x64xi32, #tpu.memory_space<hbm>>) target(%arg12 : memref<2x64xi32, #tpu.memory_space<vmem>>) target_semaphore(%arg24 : memref<!tpu.dma_semaphore, #tpu.memory_space<semaphore_mem>>)
    %dma_wait3A = arith.constant 0 : i32
    %dma_wait3A_57 = arith.constant 0 : i32
    %dma_wait3A_58 = arith.constant 0 : i32
    %dma_wait3A_59 = tpu.memref_slice %arg3[%dma_wait3A_57, %dma_wait3A, %dma_wait3A_58] : memref<2x5000x64xi32, #tpu.memory_space<hbm>> -> memref<2x1x64xi32, #tpu.memory_space<hbm>>
    %dma_wait3A_60 = tpu.memref_squeeze %dma_wait3A_59 : memref<2x1x64xi32, #tpu.memory_space<hbm>> -> memref<2x64xi32, #tpu.memory_space<hbm>>
    %dma_wait3A_61 = arith.constant 0 : i32
    %dma_wait3A_62 = arith.constant 0 : i32
    %dma_wait3A_63 = tpu.memref_slice %arg3[%dma_wait3A_61, %dma_wait3A, %dma_wait3A_62] : memref<2x5000x64xi32, #tpu.memory_space<hbm>> -> memref<2x1x64xi32, #tpu.memory_space<hbm>>
    %dma_wait3A_64 = tpu.memref_squeeze %dma_wait3A_63 : memref<2x1x64xi32, #tpu.memory_space<hbm>> -> memref<2x64xi32, #tpu.memory_space<hbm>>
    tpu.wait_dma2 semaphore(%arg20 : memref<!tpu.dma_semaphore, #tpu.memory_space<semaphore_mem>>) src(%dma_wait3A_64 : memref<2x64xi32, #tpu.memory_space<hbm>>) dst(%arg8 : memref<2x64xi32, #tpu.memory_space<vmem>>)
    %dma_start3A_65 = arith.constant 0 : i32
    %dma_start3A_66 = arith.constant 0 : i32
    %dma_start3A_67 = tpu.memref_slice %arg8[%dma_start3A_65, %dma_start3A_66] : memref<2x64xi32, #tpu.memory_space<vmem>> -> memref<1x64xi32, #tpu.memory_space<vmem>>
    %dma_start3A_68 = tpu.memref_squeeze %dma_start3A_67 : memref<1x64xi32, #tpu.memory_space<vmem>> -> memref<64xi32, #tpu.memory_space<vmem>>
    %dma_start3A_69 = arith.constant 0 : i32
    %dma_start3A_70 = arith.constant 0 : i32
    %dma_start3A_71 = tpu.memref_slice %arg2[%dma_start3A_69, %dma_start3A_70] : memref<10000x128xf32, #tpu.memory_space<hbm>> -> memref<10000x128xf32, #tpu.memory_space<hbm>>
    tpu.enqueue_indirect_dma source(%dma_start3A_71 : memref<10000x128xf32, #tpu.memory_space<hbm>>) target(%arg14 : memref<64x128xf32, #tpu.memory_space<vmem>>) offsets(%dma_start3A_68 : memref<64xi32, #tpu.memory_space<vmem>>) semaphore(%arg26 : memref<!tpu.dma_semaphore, #tpu.memory_space<semaphore_mem>>)
    %dma_wait3A_72 = arith.constant 0 : i32
    %dma_wait3A_73 = arith.constant 0 : i32
    %dma_wait3A_74 = arith.constant 0 : i32
    %dma_wait3A_75 = tpu.memref_slice %arg3[%dma_wait3A_73, %dma_wait3A_72, %dma_wait3A_74] : memref<2x5000x64xi32, #tpu.memory_space<hbm>> -> memref<2x1x64xi32, #tpu.memory_space<hbm>>
    %dma_wait3A_76 = tpu.memref_squeeze %dma_wait3A_75 : memref<2x1x64xi32, #tpu.memory_space<hbm>> -> memref<2x64xi32, #tpu.memory_space<hbm>>
    %dma_wait3A_77 = arith.constant 0 : i32
    %dma_wait3A_78 = arith.constant 0 : i32
    %dma_wait3A_79 = tpu.memref_slice %arg3[%dma_wait3A_77, %dma_wait3A_72, %dma_wait3A_78] : memref<2x5000x64xi32, #tpu.memory_space<hbm>> -> memref<2x1x64xi32, #tpu.memory_space<hbm>>
    %dma_wait3A_80 = tpu.memref_squeeze %dma_wait3A_79 : memref<2x1x64xi32, #tpu.memory_space<hbm>> -> memref<2x64xi32, #tpu.memory_space<hbm>>
    tpu.wait_dma2 semaphore(%arg21 : memref<!tpu.dma_semaphore, #tpu.memory_space<semaphore_mem>>) src(%dma_wait3A_80 : memref<2x64xi32, #tpu.memory_space<hbm>>) dst(%arg9 : memref<2x64xi32, #tpu.memory_space<vmem>>)
    %dma_start3A_81 = arith.constant 0 : i32
    %dma_start3A_82 = arith.constant 0 : i32
    %dma_start3A_83 = tpu.memref_slice %arg9[%dma_start3A_81, %dma_start3A_82] : memref<2x64xi32, #tpu.memory_space<vmem>> -> memref<1x64xi32, #tpu.memory_space<vmem>>
    %dma_start3A_84 = tpu.memref_squeeze %dma_start3A_83 : memref<1x64xi32, #tpu.memory_space<vmem>> -> memref<64xi32, #tpu.memory_space<vmem>>
    %dma_start3A_85 = arith.constant 0 : i32
    %dma_start3A_86 = arith.constant 0 : i32
    %dma_start3A_87 = tpu.memref_slice %arg2[%dma_start3A_85, %dma_start3A_86] : memref<10000x128xf32, #tpu.memory_space<hbm>> -> memref<10000x128xf32, #tpu.memory_space<hbm>>
    tpu.enqueue_indirect_dma source(%dma_start3A_87 : memref<10000x128xf32, #tpu.memory_space<hbm>>) target(%arg15 : memref<64x128xf32, #tpu.memory_space<vmem>>) offsets(%dma_start3A_84 : memref<64xi32, #tpu.memory_space<vmem>>) semaphore(%arg27 : memref<!tpu.dma_semaphore, #tpu.memory_space<semaphore_mem>>)
    %dma_wait3A_88 = arith.constant 0 : i32
    %dma_wait3A_89 = arith.constant 0 : i32
    %dma_wait3A_90 = arith.constant 0 : i32
    %dma_wait3A_91 = tpu.memref_slice %arg3[%dma_wait3A_89, %dma_wait3A_88, %dma_wait3A_90] : memref<2x5000x64xi32, #tpu.memory_space<hbm>> -> memref<2x1x64xi32, #tpu.memory_space<hbm>>
    %dma_wait3A_92 = tpu.memref_squeeze %dma_wait3A_91 : memref<2x1x64xi32, #tpu.memory_space<hbm>> -> memref<2x64xi32, #tpu.memory_space<hbm>>
    %dma_wait3A_93 = arith.constant 0 : i32
    %dma_wait3A_94 = arith.constant 0 : i32
    %dma_wait3A_95 = tpu.memref_slice %arg3[%dma_wait3A_93, %dma_wait3A_88, %dma_wait3A_94] : memref<2x5000x64xi32, #tpu.memory_space<hbm>> -> memref<2x1x64xi32, #tpu.memory_space<hbm>>
    %dma_wait3A_96 = tpu.memref_squeeze %dma_wait3A_95 : memref<2x1x64xi32, #tpu.memory_space<hbm>> -> memref<2x64xi32, #tpu.memory_space<hbm>>
    tpu.wait_dma2 semaphore(%arg22 : memref<!tpu.dma_semaphore, #tpu.memory_space<semaphore_mem>>) src(%dma_wait3A_96 : memref<2x64xi32, #tpu.memory_space<hbm>>) dst(%arg10 : memref<2x64xi32, #tpu.memory_space<vmem>>)
    %dma_start3A_97 = arith.constant 0 : i32
    %dma_start3A_98 = arith.constant 0 : i32
    %dma_start3A_99 = tpu.memref_slice %arg10[%dma_start3A_97, %dma_start3A_98] : memref<2x64xi32, #tpu.memory_space<vmem>> -> memref<1x64xi32, #tpu.memory_space<vmem>>
    %dma_start3A_100 = tpu.memref_squeeze %dma_start3A_99 : memref<1x64xi32, #tpu.memory_space<vmem>> -> memref<64xi32, #tpu.memory_space<vmem>>
    %dma_start3A_101 = arith.constant 0 : i32
    %dma_start3A_102 = arith.constant 0 : i32
    %dma_start3A_103 = tpu.memref_slice %arg2[%dma_start3A_101, %dma_start3A_102] : memref<10000x128xf32, #tpu.memory_space<hbm>> -> memref<10000x128xf32, #tpu.memory_space<hbm>>
    tpu.enqueue_indirect_dma source(%dma_start3A_103 : memref<10000x128xf32, #tpu.memory_space<hbm>>) target(%arg16 : memref<64x128xf32, #tpu.memory_space<vmem>>) offsets(%dma_start3A_100 : memref<64xi32, #tpu.memory_space<vmem>>) semaphore(%arg28 : memref<!tpu.dma_semaphore, #tpu.memory_space<semaphore_mem>>)
    %dma_wait3A_104 = arith.constant 0 : i32
    %dma_wait3A_105 = tpu.memref_slice %arg19[%mul3A_2, %dma_wait3A_104] : memref<10240x128xf32, #tpu.memory_space<vmem_shared>> -> memref<640x128xf32, #tpu.memory_space<vmem_shared>>
    tpu.wait_dma2 semaphore(%arg34 : memref<!tpu.dma_semaphore, #tpu.memory_space<semaphore_mem>>) src(%arg4 : memref<640x128xf32, #tpu.memory_space<hbm>>) dst(%dma_wait3A_105 : memref<640x128xf32, #tpu.memory_space<vmem_shared>>)
    tpu.wait_dma2 semaphore(%arg35 : memref<!tpu.dma_semaphore, #tpu.memory_space<semaphore_mem>>) src(%arg5 : memref<80x128xf32, #tpu.memory_space<hbm>>) dst(%arg18 : memref<80x128xf32, #tpu.memory_space<vmem>>)
    %barrier3A = arith.constant 0 : index
    tpu.barrier barrier_id(%barrier3A)
    %scan3A = arith.constant 0 : i32
    %scan3A_106 = arith.constant 13 : i32
    %scan3A_107 = arith.addi %scan3A, %scan3A_106 : i32
    %scan3A_108 = arith.constant 1 : i32
    scf.for %scan3A_120 = %scan3A to %scan3A_107 step %scan3A_108  : i32 {
      %mul3A_121 = arith.constant 1 : i32
      %mul3A_122 = arith.muli %scan3A_120, %mul3A_121 : i32
      %add3A_123 = arith.constant 0 : i32
      %add3A_124 = arith.addi %add3A_123, %mul3A_122 : i32
      %mul3A_125 = arith.constant 12 : i32
      %mul3A_126 = arith.muli %add3A_124, %mul3A_125 : i32
      %add3A_127 = arith.constant 0 : i32
      %add3A_128 = arith.addi %mul3A_126, %add3A_127 : i32
      %ge3A = arith.constant 1 : i32
      %ge3A_129 = arith.cmpi sge, %add3A_128, %ge3A : i32
      %convert_element_type3A_130 = arith.extui %ge3A_129 : i1 to i32
      %cond3A_131 = arith.constant 0 : i32
      %cond3A_132 = arith.cmpi ne, %convert_element_type3A_130, %cond3A_131 : i32
      scf.if %cond3A_132 {
        %dma_wait3A_1023 = arith.constant 1 : i32
        %dma_wait3A_1024 = arith.constant 0 : i32
        %dma_wait3A_1025 = tpu.memref_slice %arg13[%dma_wait3A_1023, %dma_wait3A_1024] : memref<2x64xi32, #tpu.memory_space<vmem>> -> memref<1x64xi32, #tpu.memory_space<vmem>>
        %dma_wait3A_1026 = tpu.memref_squeeze %dma_wait3A_1025 : memref<1x64xi32, #tpu.memory_space<vmem>> -> memref<64xi32, #tpu.memory_space<vmem>>
        %dma_wait3A_1027 = arith.constant 0 : i32
        %dma_wait3A_1028 = arith.constant 0 : i32
        %dma_wait3A_1029 = tpu.memref_slice %arg19[%dma_wait3A_1027, %dma_wait3A_1028] : memref<10240x128xf32, #tpu.memory_space<vmem_shared>> -> memref<10240x128xf32, #tpu.memory_space<vmem_shared>>
        tpu.wait_indirect_dma semaphore(%arg33 : memref<!tpu.dma_semaphore, #tpu.memory_space<semaphore_mem>>) src(%arg17 : memref<64x128xf32, #tpu.memory_space<vmem>>) dst(%dma_wait3A_1029 : memref<10240x128xf32, #tpu.memory_space<vmem_shared>>)
      } else {
      }
      %add3A_133 = arith.constant 5 : i32
      %add3A_134 = arith.addi %add3A_128, %add3A_133 : i32
      %lt3A_135 = arith.constant 156 : i32
      %lt3A_136 = arith.cmpi slt, %add3A_134, %lt3A_135 : i32
      %convert_element_type3A_137 = arith.extui %lt3A_136 : i1 to i32
      %cond3A_138 = arith.constant 0 : i32
      %cond3A_139 = arith.cmpi ne, %convert_element_type3A_137, %cond3A_138 : i32
      scf.if %cond3A_139 {
        %add3A_1023 = arith.addi %mul3A_4, %add3A_128 : i32
        %add3A_1024 = arith.constant 5 : i32
        %add3A_1025 = arith.addi %add3A_1023, %add3A_1024 : i32
        %dma_start3A_1026 = arith.constant 0 : i32
        %dma_start3A_1027 = arith.constant 0 : i32
        %dma_start3A_1028 = tpu.memref_slice %arg3[%dma_start3A_1026, %add3A_1025, %dma_start3A_1027] : memref<2x5000x64xi32, #tpu.memory_space<hbm>> -> memref<2x1x64xi32, #tpu.memory_space<hbm>>
        %dma_start3A_1029 = tpu.memref_squeeze %dma_start3A_1028 : memref<2x1x64xi32, #tpu.memory_space<hbm>> -> memref<2x64xi32, #tpu.memory_space<hbm>>
        %dma_start3A_1030 = arith.constant 0 : i32
        %dma_start3A_1031 = arith.constant 0 : i32
        %dma_start3A_1032 = tpu.memref_slice %arg3[%dma_start3A_1030, %add3A_1025, %dma_start3A_1031] : memref<2x5000x64xi32, #tpu.memory_space<hbm>> -> memref<2x1x64xi32, #tpu.memory_space<hbm>>
        %dma_start3A_1033 = tpu.memref_squeeze %dma_start3A_1032 : memref<2x1x64xi32, #tpu.memory_space<hbm>> -> memref<2x64xi32, #tpu.memory_space<hbm>>
        tpu.enqueue_dma source(%dma_start3A_1033 : memref<2x64xi32, #tpu.memory_space<hbm>>) target(%arg13 : memref<2x64xi32, #tpu.memory_space<vmem>>) target_semaphore(%arg25 : memref<!tpu.dma_semaphore, #tpu.memory_space<semaphore_mem>>)
      } else {
      }
      %add3A_140 = arith.constant 3 : i32
      %add3A_141 = arith.addi %add3A_128, %add3A_140 : i32
      %lt3A_142 = arith.constant 156 : i32
      %lt3A_143 = arith.cmpi slt, %add3A_141, %lt3A_142 : i32
      %convert_element_type3A_144 = arith.extui %lt3A_143 : i1 to i32
      %cond3A_145 = arith.constant 0 : i32
      %cond3A_146 = arith.cmpi ne, %convert_element_type3A_144, %cond3A_145 : i32
      scf.if %cond3A_146 {
        %dma_wait3A_1023 = arith.constant 0 : i32
        %dma_wait3A_1024 = arith.constant 0 : i32
        %dma_wait3A_1025 = arith.constant 0 : i32
        %dma_wait3A_1026 = tpu.memref_slice %arg3[%dma_wait3A_1024, %dma_wait3A_1023, %dma_wait3A_1025] : memref<2x5000x64xi32, #tpu.memory_space<hbm>> -> memref<2x1x64xi32, #tpu.memory_space<hbm>>
        %dma_wait3A_1027 = tpu.memref_squeeze %dma_wait3A_1026 : memref<2x1x64xi32, #tpu.memory_space<hbm>> -> memref<2x64xi32, #tpu.memory_space<hbm>>
        %dma_wait3A_1028 = arith.constant 0 : i32
        %dma_wait3A_1029 = arith.constant 0 : i32
        %dma_wait3A_1030 = tpu.memref_slice %arg3[%dma_wait3A_1028, %dma_wait3A_1023, %dma_wait3A_1029] : memref<2x5000x64xi32, #tpu.memory_space<hbm>> -> memref<2x1x64xi32, #tpu.memory_space<hbm>>
        %dma_wait3A_1031 = tpu.memref_squeeze %dma_wait3A_1030 : memref<2x1x64xi32, #tpu.memory_space<hbm>> -> memref<2x64xi32, #tpu.memory_space<hbm>>
        tpu.wait_dma2 semaphore(%arg23 : memref<!tpu.dma_semaphore, #tpu.memory_space<semaphore_mem>>) src(%dma_wait3A_1031 : memref<2x64xi32, #tpu.memory_space<hbm>>) dst(%arg11 : memref<2x64xi32, #tpu.memory_space<vmem>>)
        %dma_start3A_1032 = arith.constant 0 : i32
        %dma_start3A_1033 = arith.constant 0 : i32
        %dma_start3A_1034 = tpu.memref_slice %arg11[%dma_start3A_1032, %dma_start3A_1033] : memref<2x64xi32, #tpu.memory_space<vmem>> -> memref<1x64xi32, #tpu.memory_space<vmem>>
        %dma_start3A_1035 = tpu.memref_squeeze %dma_start3A_1034 : memref<1x64xi32, #tpu.memory_space<vmem>> -> memref<64xi32, #tpu.memory_space<vmem>>
        %dma_start3A_1036 = arith.constant 0 : i32
        %dma_start3A_1037 = arith.constant 0 : i32
        %dma_start3A_1038 = tpu.memref_slice %arg2[%dma_start3A_1036, %dma_start3A_1037] : memref<10000x128xf32, #tpu.memory_space<hbm>> -> memref<10000x128xf32, #tpu.memory_space<hbm>>
        tpu.enqueue_indirect_dma source(%dma_start3A_1038 : memref<10000x128xf32, #tpu.memory_space<hbm>>) target(%arg17 : memref<64x128xf32, #tpu.memory_space<vmem>>) offsets(%dma_start3A_1035 : memref<64xi32, #tpu.memory_space<vmem>>) semaphore(%arg29 : memref<!tpu.dma_semaphore, #tpu.memory_space<semaphore_mem>>)
      } else {
      }
      %dma_wait3A_147 = arith.constant 0 : i32
      %dma_wait3A_148 = arith.constant 0 : i32
      %dma_wait3A_149 = tpu.memref_slice %arg8[%dma_wait3A_147, %dma_wait3A_148] : memref<2x64xi32, #tpu.memory_space<vmem>> -> memref<1x64xi32, #tpu.memory_space<vmem>>
      %dma_wait3A_150 = tpu.memref_squeeze %dma_wait3A_149 : memref<1x64xi32, #tpu.memory_space<vmem>> -> memref<64xi32, #tpu.memory_space<vmem>>
      %dma_wait3A_151 = arith.constant 0 : i32
      %dma_wait3A_152 = arith.constant 0 : i32
      %dma_wait3A_153 = tpu.memref_slice %arg2[%dma_wait3A_151, %dma_wait3A_152] : memref<10000x128xf32, #tpu.memory_space<hbm>> -> memref<10000x128xf32, #tpu.memory_space<hbm>>
      tpu.wait_indirect_dma semaphore(%arg26 : memref<!tpu.dma_semaphore, #tpu.memory_space<semaphore_mem>>) src(%dma_wait3A_153 : memref<10000x128xf32, #tpu.memory_space<hbm>>) dst(%arg14 : memref<64x128xf32, #tpu.memory_space<vmem>>)
      %dma_start3A_154 = arith.constant 1 : i32
      %dma_start3A_155 = arith.constant 0 : i32
      %dma_start3A_156 = tpu.memref_slice %arg8[%dma_start3A_154, %dma_start3A_155] : memref<2x64xi32, #tpu.memory_space<vmem>> -> memref<1x64xi32, #tpu.memory_space<vmem>>
      %dma_start3A_157 = tpu.memref_squeeze %dma_start3A_156 : memref<1x64xi32, #tpu.memory_space<vmem>> -> memref<64xi32, #tpu.memory_space<vmem>>
      %dma_start3A_158 = arith.constant 0 : i32
      %dma_start3A_159 = arith.constant 0 : i32
      %dma_start3A_160 = tpu.memref_slice %arg19[%dma_start3A_158, %dma_start3A_159] : memref<10240x128xf32, #tpu.memory_space<vmem_shared>> -> memref<10240x128xf32, #tpu.memory_space<vmem_shared>>
      tpu.enqueue_indirect_dma source(%arg14 : memref<64x128xf32, #tpu.memory_space<vmem>>) target(%dma_start3A_160 : memref<10240x128xf32, #tpu.memory_space<vmem_shared>>) offsets(%dma_start3A_157 : memref<64xi32, #tpu.memory_space<vmem>>) semaphore(%arg30 : memref<!tpu.dma_semaphore, #tpu.memory_space<semaphore_mem>>) {add = true}
      %get3A = arith.constant 1 : i32
      %get3A_161 = arith.index_cast %get3A : i32 to index
      %get3A_162 = arith.constant 0 : index
      %get3A_163 = tpu.vector_load %arg8[%get3A_161, %get3A_162] {strides = array<i32>} : memref<2x64xi32, #tpu.memory_space<vmem>>, vector<16xi32>,
      %shift_right_logical3A = arith.constant 7 : i32
      %shift_right_logical3A_164 = vector.broadcast %shift_right_logical3A : i32 to vector<16xi32>
      %shift_right_logical3A_165 = arith.shrui %get3A_163, %shift_right_logical3A_164 : vector<16xi32>
      %and3A = arith.constant 127 : i32
      %and3A_166 = vector.broadcast %and3A : i32 to vector<16xi32>
      %and3A_167 = arith.andi %get3A_163, %and3A_166 : vector<16xi32>
      tpu.vector_store_idx %arg18[%shift_right_logical3A_165, %and3A_167], %broadcast_in_dim3A_6 {add = true} : memref<80x128xf32, #tpu.memory_space<vmem>>[vector<16xi32>, vector<16xi32>], vector<16xf32>,
      %get3A_168 = arith.constant 1 : i32
      %get3A_169 = arith.index_cast %get3A_168 : i32 to index
      %get3A_170 = arith.constant 16 : index
      %get3A_171 = tpu.vector_load %arg8[%get3A_169, %get3A_170] {strides = array<i32>} : memref<2x64xi32, #tpu.memory_space<vmem>>, vector<16xi32>,
      %shift_right_logical3A_172 = arith.constant 7 : i32
      %shift_right_logical3A_173 = vector.broadcast %shift_right_logical3A_172 : i32 to vector<16xi32>
      %shift_right_logical3A_174 = arith.shrui %get3A_171, %shift_right_logical3A_173 : vector<16xi32>
      %and3A_175 = arith.constant 127 : i32
      %and3A_176 = vector.broadcast %and3A_175 : i32 to vector<16xi32>
      %and3A_177 = arith.andi %get3A_171, %and3A_176 : vector<16xi32>
      tpu.vector_store_idx %arg18[%shift_right_logical3A_174, %and3A_177], %broadcast_in_dim3A_6 {add = true} : memref<80x128xf32, #tpu.memory_space<vmem>>[vector<16xi32>, vector<16xi32>], vector<16xf32>,
      %get3A_178 = arith.constant 1 : i32
      %get3A_179 = arith.index_cast %get3A_178 : i32 to index
      %get3A_180 = arith.constant 32 : index
      %get3A_181 = tpu.vector_load %arg8[%get3A_179, %get3A_180] {strides = array<i32>} : memref<2x64xi32, #tpu.memory_space<vmem>>, vector<16xi32>,
      %shift_right_logical3A_182 = arith.constant 7 : i32
      %shift_right_logical3A_183 = vector.broadcast %shift_right_logical3A_182 : i32 to vector<16xi32>
      %shift_right_logical3A_184 = arith.shrui %get3A_181, %shift_right_logical3A_183 : vector<16xi32>
      %and3A_185 = arith.constant 127 : i32
      %and3A_186 = vector.broadcast %and3A_185 : i32 to vector<16xi32>
      %and3A_187 = arith.andi %get3A_181, %and3A_186 : vector<16xi32>
      tpu.vector_store_idx %arg18[%shift_right_logical3A_184, %and3A_187], %broadcast_in_dim3A_6 {add = true} : memref<80x128xf32, #tpu.memory_space<vmem>>[vector<16xi32>, vector<16xi32>], vector<16xf32>,
      %get3A_188 = arith.constant 1 : i32
      %get3A_189 = arith.index_cast %get3A_188 : i32 to index
      %get3A_190 = arith.constant 48 : index
      %get3A_191 = tpu.vector_load %arg8[%get3A_189, %get3A_190] {strides = array<i32>} : memref<2x64xi32, #tpu.memory_space<vmem>>, vector<16xi32>,
      %shift_right_logical3A_192 = arith.constant 7 : i32
      %shift_right_logical3A_193 = vector.broadcast %shift_right_logical3A_192 : i32 to vector<16xi32>
      %shift_right_logical3A_194 = arith.shrui %get3A_191, %shift_right_logical3A_193 : vector<16xi32>
      %and3A_195 = arith.constant 127 : i32
      %and3A_196 = vector.broadcast %and3A_195 : i32 to vector<16xi32>
      %and3A_197 = arith.andi %get3A_191, %and3A_196 : vector<16xi32>
      tpu.vector_store_idx %arg18[%shift_right_logical3A_194, %and3A_197], %broadcast_in_dim3A_6 {add = true} : memref<80x128xf32, #tpu.memory_space<vmem>>[vector<16xi32>, vector<16xi32>], vector<16xf32>,
      %add3A_198 = arith.constant 1 : i32
      %add3A_199 = arith.addi %mul3A_126, %add3A_198 : i32
      %ge3A_200 = arith.constant 1 : i32
      %ge3A_201 = arith.cmpi sge, %add3A_199, %ge3A_200 : i32
      %convert_element_type3A_202 = arith.extui %ge3A_201 : i1 to i32
      %cond3A_203 = arith.constant 0 : i32
      %cond3A_204 = arith.cmpi ne, %convert_element_type3A_202, %cond3A_203 : i32
      scf.if %cond3A_204 {
        %dma_wait3A_1023 = arith.constant 1 : i32
        %dma_wait3A_1024 = arith.constant 0 : i32
        %dma_wait3A_1025 = tpu.memref_slice %arg8[%dma_wait3A_1023, %dma_wait3A_1024] : memref<2x64xi32, #tpu.memory_space<vmem>> -> memref<1x64xi32, #tpu.memory_space<vmem>>
        %dma_wait3A_1026 = tpu.memref_squeeze %dma_wait3A_1025 : memref<1x64xi32, #tpu.memory_space<vmem>> -> memref<64xi32, #tpu.memory_space<vmem>>
        %dma_wait3A_1027 = arith.constant 0 : i32
        %dma_wait3A_1028 = arith.constant 0 : i32
        %dma_wait3A_1029 = tpu.memref_slice %arg19[%dma_wait3A_1027, %dma_wait3A_1028] : memref<10240x128xf32, #tpu.memory_space<vmem_shared>> -> memref<10240x128xf32, #tpu.memory_space<vmem_shared>>
        tpu.wait_indirect_dma semaphore(%arg30 : memref<!tpu.dma_semaphore, #tpu.memory_space<semaphore_mem>>) src(%arg14 : memref<64x128xf32, #tpu.memory_space<vmem>>) dst(%dma_wait3A_1029 : memref<10240x128xf32, #tpu.memory_space<vmem_shared>>)
      } else {
      }
      %add3A_205 = arith.constant 5 : i32
      %add3A_206 = arith.addi %add3A_199, %add3A_205 : i32
      %lt3A_207 = arith.constant 156 : i32
      %lt3A_208 = arith.cmpi slt, %add3A_206, %lt3A_207 : i32
      %convert_element_type3A_209 = arith.extui %lt3A_208 : i1 to i32
      %cond3A_210 = arith.constant 0 : i32
      %cond3A_211 = arith.cmpi ne, %convert_element_type3A_209, %cond3A_210 : i32
      scf.if %cond3A_211 {
        %add3A_1023 = arith.addi %mul3A_4, %add3A_199 : i32
        %add3A_1024 = arith.constant 5 : i32
        %add3A_1025 = arith.addi %add3A_1023, %add3A_1024 : i32
        %dma_start3A_1026 = arith.constant 0 : i32
        %dma_start3A_1027 = arith.constant 0 : i32
        %dma_start3A_1028 = tpu.memref_slice %arg3[%dma_start3A_1026, %add3A_1025, %dma_start3A_1027] : memref<2x5000x64xi32, #tpu.memory_space<hbm>> -> memref<2x1x64xi32, #tpu.memory_space<hbm>>
        %dma_start3A_1029 = tpu.memref_squeeze %dma_start3A_1028 : memref<2x1x64xi32, #tpu.memory_space<hbm>> -> memref<2x64xi32, #tpu.memory_space<hbm>>
        %dma_start3A_1030 = arith.constant 0 : i32
        %dma_start3A_1031 = arith.constant 0 : i32
        %dma_start3A_1032 = tpu.memref_slice %arg3[%dma_start3A_1030, %add3A_1025, %dma_start3A_1031] : memref<2x5000x64xi32, #tpu.memory_space<hbm>> -> memref<2x1x64xi32, #tpu.memory_space<hbm>>
        %dma_start3A_1033 = tpu.memref_squeeze %dma_start3A_1032 : memref<2x1x64xi32, #tpu.memory_space<hbm>> -> memref<2x64xi32, #tpu.memory_space<hbm>>
        tpu.enqueue_dma source(%dma_start3A_1033 : memref<2x64xi32, #tpu.memory_space<hbm>>) target(%arg8 : memref<2x64xi32, #tpu.memory_space<vmem>>) target_semaphore(%arg20 : memref<!tpu.dma_semaphore, #tpu.memory_space<semaphore_mem>>)
      } else {
      }
      %add3A_212 = arith.constant 3 : i32
      %add3A_213 = arith.addi %add3A_199, %add3A_212 : i32
      %lt3A_214 = arith.constant 156 : i32
      %lt3A_215 = arith.cmpi slt, %add3A_213, %lt3A_214 : i32
      %convert_element_type3A_216 = arith.extui %lt3A_215 : i1 to i32
      %cond3A_217 = arith.constant 0 : i32
      %cond3A_218 = arith.cmpi ne, %convert_element_type3A_216, %cond3A_217 : i32
      scf.if %cond3A_218 {
        %dma_wait3A_1023 = arith.constant 0 : i32
        %dma_wait3A_1024 = arith.constant 0 : i32
        %dma_wait3A_1025 = arith.constant 0 : i32
        %dma_wait3A_1026 = tpu.memref_slice %arg3[%dma_wait3A_1024, %dma_wait3A_1023, %dma_wait3A_1025] : memref<2x5000x64xi32, #tpu.memory_space<hbm>> -> memref<2x1x64xi32, #tpu.memory_space<hbm>>
        %dma_wait3A_1027 = tpu.memref_squeeze %dma_wait3A_1026 : memref<2x1x64xi32, #tpu.memory_space<hbm>> -> memref<2x64xi32, #tpu.memory_space<hbm>>
        %dma_wait3A_1028 = arith.constant 0 : i32
        %dma_wait3A_1029 = arith.constant 0 : i32
        %dma_wait3A_1030 = tpu.memref_slice %arg3[%dma_wait3A_1028, %dma_wait3A_1023, %dma_wait3A_1029] : memref<2x5000x64xi32, #tpu.memory_space<hbm>> -> memref<2x1x64xi32, #tpu.memory_space<hbm>>
        %dma_wait3A_1031 = tpu.memref_squeeze %dma_wait3A_1030 : memref<2x1x64xi32, #tpu.memory_space<hbm>> -> memref<2x64xi32, #tpu.memory_space<hbm>>
        tpu.wait_dma2 semaphore(%arg24 : memref<!tpu.dma_semaphore, #tpu.memory_space<semaphore_mem>>) src(%dma_wait3A_1031 : memref<2x64xi32, #tpu.memory_space<hbm>>) dst(%arg12 : memref<2x64xi32, #tpu.memory_space<vmem>>)
        %dma_start3A_1032 = arith.constant 0 : i32
        %dma_start3A_1033 = arith.constant 0 : i32
        %dma_start3A_1034 = tpu.memref_slice %arg12[%dma_start3A_1032, %dma_start3A_1033] : memref<2x64xi32, #tpu.memory_space<vmem>> -> memref<1x64xi32, #tpu.memory_space<vmem>>
        %dma_start3A_1035 = tpu.memref_squeeze %dma_start3A_1034 : memref<1x64xi32, #tpu.memory_space<vmem>> -> memref<64xi32, #tpu.memory_space<vmem>>
        %dma_start3A_1036 = arith.constant 0 : i32
        %dma_start3A_1037 = arith.constant 0 : i32
        %dma_start3A_1038 = tpu.memref_slice %arg2[%dma_start3A_1036, %dma_start3A_1037] : memref<10000x128xf32, #tpu.memory_space<hbm>> -> memref<10000x128xf32, #tpu.memory_space<hbm>>
        tpu.enqueue_indirect_dma source(%dma_start3A_1038 : memref<10000x128xf32, #tpu.memory_space<hbm>>) target(%arg14 : memref<64x128xf32, #tpu.memory_space<vmem>>) offsets(%dma_start3A_1035 : memref<64xi32, #tpu.memory_space<vmem>>) semaphore(%arg26 : memref<!tpu.dma_semaphore, #tpu.memory_space<semaphore_mem>>)
      } else {
      }
      %dma_wait3A_219 = arith.constant 0 : i32
      %dma_wait3A_220 = arith.constant 0 : i32
      %dma_wait3A_221 = tpu.memref_slice %arg9[%dma_wait3A_219, %dma_wait3A_220] : memref<2x64xi32, #tpu.memory_space<vmem>> -> memref<1x64xi32, #tpu.memory_space<vmem>>
      %dma_wait3A_222 = tpu.memref_squeeze %dma_wait3A_221 : memref<1x64xi32, #tpu.memory_space<vmem>> -> memref<64xi32, #tpu.memory_space<vmem>>
      %dma_wait3A_223 = arith.constant 0 : i32
      %dma_wait3A_224 = arith.constant 0 : i32
      %dma_wait3A_225 = tpu.memref_slice %arg2[%dma_wait3A_223, %dma_wait3A_224] : memref<10000x128xf32, #tpu.memory_space<hbm>> -> memref<10000x128xf32, #tpu.memory_space<hbm>>
      tpu.wait_indirect_dma semaphore(%arg27 : memref<!tpu.dma_semaphore, #tpu.memory_space<semaphore_mem>>) src(%dma_wait3A_225 : memref<10000x128xf32, #tpu.memory_space<hbm>>) dst(%arg15 : memref<64x128xf32, #tpu.memory_space<vmem>>)
      %dma_start3A_226 = arith.constant 1 : i32
      %dma_start3A_227 = arith.constant 0 : i32
      %dma_start3A_228 = tpu.memref_slice %arg9[%dma_start3A_226, %dma_start3A_227] : memref<2x64xi32, #tpu.memory_space<vmem>> -> memref<1x64xi32, #tpu.memory_space<vmem>>
      %dma_start3A_229 = tpu.memref_squeeze %dma_start3A_228 : memref<1x64xi32, #tpu.memory_space<vmem>> -> memref<64xi32, #tpu.memory_space<vmem>>
      %dma_start3A_230 = arith.constant 0 : i32
      %dma_start3A_231 = arith.constant 0 : i32
      %dma_start3A_232 = tpu.memref_slice %arg19[%dma_start3A_230, %dma_start3A_231] : memref<10240x128xf32, #tpu.memory_space<vmem_shared>> -> memref<10240x128xf32, #tpu.memory_space<vmem_shared>>
      tpu.enqueue_indirect_dma source(%arg15 : memref<64x128xf32, #tpu.memory_space<vmem>>) target(%dma_start3A_232 : memref<10240x128xf32, #tpu.memory_space<vmem_shared>>) offsets(%dma_start3A_229 : memref<64xi32, #tpu.memory_space<vmem>>) semaphore(%arg31 : memref<!tpu.dma_semaphore, #tpu.memory_space<semaphore_mem>>) {add = true}
      %get3A_233 = arith.constant 1 : i32
      %get3A_234 = arith.index_cast %get3A_233 : i32 to index
      %get3A_235 = arith.constant 0 : index
      %get3A_236 = tpu.vector_load %arg9[%get3A_234, %get3A_235] {strides = array<i32>} : memref<2x64xi32, #tpu.memory_space<vmem>>, vector<16xi32>,
      %shift_right_logical3A_237 = arith.constant 7 : i32
      %shift_right_logical3A_238 = vector.broadcast %shift_right_logical3A_237 : i32 to vector<16xi32>
      %shift_right_logical3A_239 = arith.shrui %get3A_236, %shift_right_logical3A_238 : vector<16xi32>
      %and3A_240 = arith.constant 127 : i32
      %and3A_241 = vector.broadcast %and3A_240 : i32 to vector<16xi32>
      %and3A_242 = arith.andi %get3A_236, %and3A_241 : vector<16xi32>
      tpu.vector_store_idx %arg18[%shift_right_logical3A_239, %and3A_242], %broadcast_in_dim3A_6 {add = true} : memref<80x128xf32, #tpu.memory_space<vmem>>[vector<16xi32>, vector<16xi32>], vector<16xf32>,
      %get3A_243 = arith.constant 1 : i32
      %get3A_244 = arith.index_cast %get3A_243 : i32 to index
      %get3A_245 = arith.constant 16 : index
      %get3A_246 = tpu.vector_load %arg9[%get3A_244, %get3A_245] {strides = array<i32>} : memref<2x64xi32, #tpu.memory_space<vmem>>, vector<16xi32>,
      %shift_right_logical3A_247 = arith.constant 7 : i32
      %shift_right_logical3A_248 = vector.broadcast %shift_right_logical3A_247 : i32 to vector<16xi32>
      %shift_right_logical3A_249 = arith.shrui %get3A_246, %shift_right_logical3A_248 : vector<16xi32>
      %and3A_250 = arith.constant 127 : i32
      %and3A_251 = vector.broadcast %and3A_250 : i32 to vector<16xi32>
      %and3A_252 = arith.andi %get3A_246, %and3A_251 : vector<16xi32>
      tpu.vector_store_idx %arg18[%shift_right_logical3A_249, %and3A_252], %broadcast_in_dim3A_6 {add = true} : memref<80x128xf32, #tpu.memory_space<vmem>>[vector<16xi32>, vector<16xi32>], vector<16xf32>,
      %get3A_253 = arith.constant 1 : i32
      %get3A_254 = arith.index_cast %get3A_253 : i32 to index
      %get3A_255 = arith.constant 32 : index
      %get3A_256 = tpu.vector_load %arg9[%get3A_254, %get3A_255] {strides = array<i32>} : memref<2x64xi32, #tpu.memory_space<vmem>>, vector<16xi32>,
      %shift_right_logical3A_257 = arith.constant 7 : i32
      %shift_right_logical3A_258 = vector.broadcast %shift_right_logical3A_257 : i32 to vector<16xi32>
      %shift_right_logical3A_259 = arith.shrui %get3A_256, %shift_right_logical3A_258 : vector<16xi32>
      %and3A_260 = arith.constant 127 : i32
      %and3A_261 = vector.broadcast %and3A_260 : i32 to vector<16xi32>
      %and3A_262 = arith.andi %get3A_256, %and3A_261 : vector<16xi32>
      tpu.vector_store_idx %arg18[%shift_right_logical3A_259, %and3A_262], %broadcast_in_dim3A_6 {add = true} : memref<80x128xf32, #tpu.memory_space<vmem>>[vector<16xi32>, vector<16xi32>], vector<16xf32>,
      %get3A_263 = arith.constant 1 : i32
      %get3A_264 = arith.index_cast %get3A_263 : i32 to index
      %get3A_265 = arith.constant 48 : index
      %get3A_266 = tpu.vector_load %arg9[%get3A_264, %get3A_265] {strides = array<i32>} : memref<2x64xi32, #tpu.memory_space<vmem>>, vector<16xi32>,
      %shift_right_logical3A_267 = arith.constant 7 : i32
      %shift_right_logical3A_268 = vector.broadcast %shift_right_logical3A_267 : i32 to vector<16xi32>
      %shift_right_logical3A_269 = arith.shrui %get3A_266, %shift_right_logical3A_268 : vector<16xi32>
      %and3A_270 = arith.constant 127 : i32
      %and3A_271 = vector.broadcast %and3A_270 : i32 to vector<16xi32>
      %and3A_272 = arith.andi %get3A_266, %and3A_271 : vector<16xi32>
      tpu.vector_store_idx %arg18[%shift_right_logical3A_269, %and3A_272], %broadcast_in_dim3A_6 {add = true} : memref<80x128xf32, #tpu.memory_space<vmem>>[vector<16xi32>, vector<16xi32>], vector<16xf32>,
      %add3A_273 = arith.constant 2 : i32
      %add3A_274 = arith.addi %mul3A_126, %add3A_273 : i32
      %ge3A_275 = arith.constant 1 : i32
      %ge3A_276 = arith.cmpi sge, %add3A_274, %ge3A_275 : i32
      %convert_element_type3A_277 = arith.extui %ge3A_276 : i1 to i32
      %cond3A_278 = arith.constant 0 : i32
      %cond3A_279 = arith.cmpi ne, %convert_element_type3A_277, %cond3A_278 : i32
      scf.if %cond3A_279 {
        %dma_wait3A_1023 = arith.constant 1 : i32
        %dma_wait3A_1024 = arith.constant 0 : i32
        %dma_wait3A_1025 = tpu.memref_slice %arg9[%dma_wait3A_1023, %dma_wait3A_1024] : memref<2x64xi32, #tpu.memory_space<vmem>> -> memref<1x64xi32, #tpu.memory_space<vmem>>
        %dma_wait3A_1026 = tpu.memref_squeeze %dma_wait3A_1025 : memref<1x64xi32, #tpu.memory_space<vmem>> -> memref<64xi32, #tpu.memory_space<vmem>>
        %dma_wait3A_1027 = arith.constant 0 : i32
        %dma_wait3A_1028 = arith.constant 0 : i32
        %dma_wait3A_1029 = tpu.memref_slice %arg19[%dma_wait3A_1027, %dma_wait3A_1028] : memref<10240x128xf32, #tpu.memory_space<vmem_shared>> -> memref<10240x128xf32, #tpu.memory_space<vmem_shared>>
        tpu.wait_indirect_dma semaphore(%arg31 : memref<!tpu.dma_semaphore, #tpu.memory_space<semaphore_mem>>) src(%arg15 : memref<64x128xf32, #tpu.memory_space<vmem>>) dst(%dma_wait3A_1029 : memref<10240x128xf32, #tpu.memory_space<vmem_shared>>)
      } else {
      }
      %add3A_280 = arith.constant 5 : i32
      %add3A_281 = arith.addi %add3A_274, %add3A_280 : i32
      %lt3A_282 = arith.constant 156 : i32
      %lt3A_283 = arith.cmpi slt, %add3A_281, %lt3A_282 : i32
      %convert_element_type3A_284 = arith.extui %lt3A_283 : i1 to i32
      %cond3A_285 = arith.constant 0 : i32
      %cond3A_286 = arith.cmpi ne, %convert_element_type3A_284, %cond3A_285 : i32
      scf.if %cond3A_286 {
        %add3A_1023 = arith.addi %mul3A_4, %add3A_274 : i32
        %add3A_1024 = arith.constant 5 : i32
        %add3A_1025 = arith.addi %add3A_1023, %add3A_1024 : i32
        %dma_start3A_1026 = arith.constant 0 : i32
        %dma_start3A_1027 = arith.constant 0 : i32
        %dma_start3A_1028 = tpu.memref_slice %arg3[%dma_start3A_1026, %add3A_1025, %dma_start3A_1027] : memref<2x5000x64xi32, #tpu.memory_space<hbm>> -> memref<2x1x64xi32, #tpu.memory_space<hbm>>
        %dma_start3A_1029 = tpu.memref_squeeze %dma_start3A_1028 : memref<2x1x64xi32, #tpu.memory_space<hbm>> -> memref<2x64xi32, #tpu.memory_space<hbm>>
        %dma_start3A_1030 = arith.constant 0 : i32
        %dma_start3A_1031 = arith.constant 0 : i32
        %dma_start3A_1032 = tpu.memref_slice %arg3[%dma_start3A_1030, %add3A_1025, %dma_start3A_1031] : memref<2x5000x64xi32, #tpu.memory_space<hbm>> -> memref<2x1x64xi32, #tpu.memory_space<hbm>>
        %dma_start3A_1033 = tpu.memref_squeeze %dma_start3A_1032 : memref<2x1x64xi32, #tpu.memory_space<hbm>> -> memref<2x64xi32, #tpu.memory_space<hbm>>
        tpu.enqueue_dma source(%dma_start3A_1033 : memref<2x64xi32, #tpu.memory_space<hbm>>) target(%arg9 : memref<2x64xi32, #tpu.memory_space<vmem>>) target_semaphore(%arg21 : memref<!tpu.dma_semaphore, #tpu.memory_space<semaphore_mem>>)
      } else {
      }
      %add3A_287 = arith.constant 3 : i32
      %add3A_288 = arith.addi %add3A_274, %add3A_287 : i32
      %lt3A_289 = arith.constant 156 : i32
      %lt3A_290 = arith.cmpi slt, %add3A_288, %lt3A_289 : i32
      %convert_element_type3A_291 = arith.extui %lt3A_290 : i1 to i32
      %cond3A_292 = arith.constant 0 : i32
      %cond3A_293 = arith.cmpi ne, %convert_element_type3A_291, %cond3A_292 : i32
      scf.if %cond3A_293 {
        %dma_wait3A_1023 = arith.constant 0 : i32
        %dma_wait3A_1024 = arith.constant 0 : i32
        %dma_wait3A_1025 = arith.constant 0 : i32
        %dma_wait3A_1026 = tpu.memref_slice %arg3[%dma_wait3A_1024, %dma_wait3A_1023, %dma_wait3A_1025] : memref<2x5000x64xi32, #tpu.memory_space<hbm>> -> memref<2x1x64xi32, #tpu.memory_space<hbm>>
        %dma_wait3A_1027 = tpu.memref_squeeze %dma_wait3A_1026 : memref<2x1x64xi32, #tpu.memory_space<hbm>> -> memref<2x64xi32, #tpu.memory_space<hbm>>
        %dma_wait3A_1028 = arith.constant 0 : i32
        %dma_wait3A_1029 = arith.constant 0 : i32
        %dma_wait3A_1030 = tpu.memref_slice %arg3[%dma_wait3A_1028, %dma_wait3A_1023, %dma_wait3A_1029] : memref<2x5000x64xi32, #tpu.memory_space<hbm>> -> memref<2x1x64xi32, #tpu.memory_space<hbm>>
        %dma_wait3A_1031 = tpu.memref_squeeze %dma_wait3A_1030 : memref<2x1x64xi32, #tpu.memory_space<hbm>> -> memref<2x64xi32, #tpu.memory_space<hbm>>
        tpu.wait_dma2 semaphore(%arg25 : memref<!tpu.dma_semaphore, #tpu.memory_space<semaphore_mem>>) src(%dma_wait3A_1031 : memref<2x64xi32, #tpu.memory_space<hbm>>) dst(%arg13 : memref<2x64xi32, #tpu.memory_space<vmem>>)
        %dma_start3A_1032 = arith.constant 0 : i32
        %dma_start3A_1033 = arith.constant 0 : i32
        %dma_start3A_1034 = tpu.memref_slice %arg13[%dma_start3A_1032, %dma_start3A_1033] : memref<2x64xi32, #tpu.memory_space<vmem>> -> memref<1x64xi32, #tpu.memory_space<vmem>>
        %dma_start3A_1035 = tpu.memref_squeeze %dma_start3A_1034 : memref<1x64xi32, #tpu.memory_space<vmem>> -> memref<64xi32, #tpu.memory_space<vmem>>
        %dma_start3A_1036 = arith.constant 0 : i32
        %dma_start3A_1037 = arith.constant 0 : i32
        %dma_start3A_1038 = tpu.memref_slice %arg2[%dma_start3A_1036, %dma_start3A_1037] : memref<10000x128xf32, #tpu.memory_space<hbm>> -> memref<10000x128xf32, #tpu.memory_space<hbm>>
        tpu.enqueue_indirect_dma source(%dma_start3A_1038 : memref<10000x128xf32, #tpu.memory_space<hbm>>) target(%arg15 : memref<64x128xf32, #tpu.memory_space<vmem>>) offsets(%dma_start3A_1035 : memref<64xi32, #tpu.memory_space<vmem>>) semaphore(%arg27 : memref<!tpu.dma_semaphore, #tpu.memory_space<semaphore_mem>>)
      } else {
      }
      %dma_wait3A_294 = arith.constant 0 : i32
      %dma_wait3A_295 = arith.constant 0 : i32
      %dma_wait3A_296 = tpu.memref_slice %arg10[%dma_wait3A_294, %dma_wait3A_295] : memref<2x64xi32, #tpu.memory_space<vmem>> -> memref<1x64xi32, #tpu.memory_space<vmem>>
      %dma_wait3A_297 = tpu.memref_squeeze %dma_wait3A_296 : memref<1x64xi32, #tpu.memory_space<vmem>> -> memref<64xi32, #tpu.memory_space<vmem>>
      %dma_wait3A_298 = arith.constant 0 : i32
      %dma_wait3A_299 = arith.constant 0 : i32
      %dma_wait3A_300 = tpu.memref_slice %arg2[%dma_wait3A_298, %dma_wait3A_299] : memref<10000x128xf32, #tpu.memory_space<hbm>> -> memref<10000x128xf32, #tpu.memory_space<hbm>>
      tpu.wait_indirect_dma semaphore(%arg28 : memref<!tpu.dma_semaphore, #tpu.memory_space<semaphore_mem>>) src(%dma_wait3A_300 : memref<10000x128xf32, #tpu.memory_space<hbm>>) dst(%arg16 : memref<64x128xf32, #tpu.memory_space<vmem>>)
      %dma_start3A_301 = arith.constant 1 : i32
      %dma_start3A_302 = arith.constant 0 : i32
      %dma_start3A_303 = tpu.memref_slice %arg10[%dma_start3A_301, %dma_start3A_302] : memref<2x64xi32, #tpu.memory_space<vmem>> -> memref<1x64xi32, #tpu.memory_space<vmem>>
      %dma_start3A_304 = tpu.memref_squeeze %dma_start3A_303 : memref<1x64xi32, #tpu.memory_space<vmem>> -> memref<64xi32, #tpu.memory_space<vmem>>
      %dma_start3A_305 = arith.constant 0 : i32
      %dma_start3A_306 = arith.constant 0 : i32
      %dma_start3A_307 = tpu.memref_slice %arg19[%dma_start3A_305, %dma_start3A_306] : memref<10240x128xf32, #tpu.memory_space<vmem_shared>> -> memref<10240x128xf32, #tpu.memory_space<vmem_shared>>
      tpu.enqueue_indirect_dma source(%arg16 : memref<64x128xf32, #tpu.memory_space<vmem>>) target(%dma_start3A_307 : memref<10240x128xf32, #tpu.memory_space<vmem_shared>>) offsets(%dma_start3A_304 : memref<64xi32, #tpu.memory_space<vmem>>) semaphore(%arg32 : memref<!tpu.dma_semaphore, #tpu.memory_space<semaphore_mem>>) {add = true}
      %get3A_308 = arith.constant 1 : i32
      %get3A_309 = arith.index_cast %get3A_308 : i32 to index
      %get3A_310 = arith.constant 0 : index
      %get3A_311 = tpu.vector_load %arg10[%get3A_309, %get3A_310] {strides = array<i32>} : memref<2x64xi32, #tpu.memory_space<vmem>>, vector<16xi32>,
      %shift_right_logical3A_312 = arith.constant 7 : i32
      %shift_right_logical3A_313 = vector.broadcast %shift_right_logical3A_312 : i32 to vector<16xi32>
      %shift_right_logical3A_314 = arith.shrui %get3A_311, %shift_right_logical3A_313 : vector<16xi32>
      %and3A_315 = arith.constant 127 : i32
      %and3A_316 = vector.broadcast %and3A_315 : i32 to vector<16xi32>
      %and3A_317 = arith.andi %get3A_311, %and3A_316 : vector<16xi32>
      tpu.vector_store_idx %arg18[%shift_right_logical3A_314, %and3A_317], %broadcast_in_dim3A_6 {add = true} : memref<80x128xf32, #tpu.memory_space<vmem>>[vector<16xi32>, vector<16xi32>], vector<16xf32>,
      %get3A_318 = arith.constant 1 : i32
      %get3A_319 = arith.index_cast %get3A_318 : i32 to index
      %get3A_320 = arith.constant 16 : index
      %get3A_321 = tpu.vector_load %arg10[%get3A_319, %get3A_320] {strides = array<i32>} : memref<2x64xi32, #tpu.memory_space<vmem>>, vector<16xi32>,
      %shift_right_logical3A_322 = arith.constant 7 : i32
      %shift_right_logical3A_323 = vector.broadcast %shift_right_logical3A_322 : i32 to vector<16xi32>
      %shift_right_logical3A_324 = arith.shrui %get3A_321, %shift_right_logical3A_323 : vector<16xi32>
      %and3A_325 = arith.constant 127 : i32
      %and3A_326 = vector.broadcast %and3A_325 : i32 to vector<16xi32>
      %and3A_327 = arith.andi %get3A_321, %and3A_326 : vector<16xi32>
      tpu.vector_store_idx %arg18[%shift_right_logical3A_324, %and3A_327], %broadcast_in_dim3A_6 {add = true} : memref<80x128xf32, #tpu.memory_space<vmem>>[vector<16xi32>, vector<16xi32>], vector<16xf32>,
      %get3A_328 = arith.constant 1 : i32
      %get3A_329 = arith.index_cast %get3A_328 : i32 to index
      %get3A_330 = arith.constant 32 : index
      %get3A_331 = tpu.vector_load %arg10[%get3A_329, %get3A_330] {strides = array<i32>} : memref<2x64xi32, #tpu.memory_space<vmem>>, vector<16xi32>,
      %shift_right_logical3A_332 = arith.constant 7 : i32
      %shift_right_logical3A_333 = vector.broadcast %shift_right_logical3A_332 : i32 to vector<16xi32>
      %shift_right_logical3A_334 = arith.shrui %get3A_331, %shift_right_logical3A_333 : vector<16xi32>
      %and3A_335 = arith.constant 127 : i32
      %and3A_336 = vector.broadcast %and3A_335 : i32 to vector<16xi32>
      %and3A_337 = arith.andi %get3A_331, %and3A_336 : vector<16xi32>
      tpu.vector_store_idx %arg18[%shift_right_logical3A_334, %and3A_337], %broadcast_in_dim3A_6 {add = true} : memref<80x128xf32, #tpu.memory_space<vmem>>[vector<16xi32>, vector<16xi32>], vector<16xf32>,
      %get3A_338 = arith.constant 1 : i32
      %get3A_339 = arith.index_cast %get3A_338 : i32 to index
      %get3A_340 = arith.constant 48 : index
      %get3A_341 = tpu.vector_load %arg10[%get3A_339, %get3A_340] {strides = array<i32>} : memref<2x64xi32, #tpu.memory_space<vmem>>, vector<16xi32>,
      %shift_right_logical3A_342 = arith.constant 7 : i32
      %shift_right_logical3A_343 = vector.broadcast %shift_right_logical3A_342 : i32 to vector<16xi32>
      %shift_right_logical3A_344 = arith.shrui %get3A_341, %shift_right_logical3A_343 : vector<16xi32>
      %and3A_345 = arith.constant 127 : i32
      %and3A_346 = vector.broadcast %and3A_345 : i32 to vector<16xi32>
      %and3A_347 = arith.andi %get3A_341, %and3A_346 : vector<16xi32>
      tpu.vector_store_idx %arg18[%shift_right_logical3A_344, %and3A_347], %broadcast_in_dim3A_6 {add = true} : memref<80x128xf32, #tpu.memory_space<vmem>>[vector<16xi32>, vector<16xi32>], vector<16xf32>,
      %add3A_348 = arith.constant 3 : i32
      %add3A_349 = arith.addi %mul3A_126, %add3A_348 : i32
      %ge3A_350 = arith.constant 1 : i32
      %ge3A_351 = arith.cmpi sge, %add3A_349, %ge3A_350 : i32
      %convert_element_type3A_352 = arith.extui %ge3A_351 : i1 to i32
      %cond3A_353 = arith.constant 0 : i32
      %cond3A_354 = arith.cmpi ne, %convert_element_type3A_352, %cond3A_353 : i32
      scf.if %cond3A_354 {
        %dma_wait3A_1023 = arith.constant 1 : i32
        %dma_wait3A_1024 = arith.constant 0 : i32
        %dma_wait3A_1025 = tpu.memref_slice %arg10[%dma_wait3A_1023, %dma_wait3A_1024] : memref<2x64xi32, #tpu.memory_space<vmem>> -> memref<1x64xi32, #tpu.memory_space<vmem>>
        %dma_wait3A_1026 = tpu.memref_squeeze %dma_wait3A_1025 : memref<1x64xi32, #tpu.memory_space<vmem>> -> memref<64xi32, #tpu.memory_space<vmem>>
        %dma_wait3A_1027 = arith.constant 0 : i32
        %dma_wait3A_1028 = arith.constant 0 : i32
        %dma_wait3A_1029 = tpu.memref_slice %arg19[%dma_wait3A_1027, %dma_wait3A_1028] : memref<10240x128xf32, #tpu.memory_space<vmem_shared>> -> memref<10240x128xf32, #tpu.memory_space<vmem_shared>>
        tpu.wait_indirect_dma semaphore(%arg32 : memref<!tpu.dma_semaphore, #tpu.memory_space<semaphore_mem>>) src(%arg16 : memref<64x128xf32, #tpu.memory_space<vmem>>) dst(%dma_wait3A_1029 : memref<10240x128xf32, #tpu.memory_space<vmem_shared>>)
      } else {
      }
      %add3A_355 = arith.constant 5 : i32
      %add3A_356 = arith.addi %add3A_349, %add3A_355 : i32
      %lt3A_357 = arith.constant 156 : i32
      %lt3A_358 = arith.cmpi slt, %add3A_356, %lt3A_357 : i32
      %convert_element_type3A_359 = arith.extui %lt3A_358 : i1 to i32
      %cond3A_360 = arith.constant 0 : i32
      %cond3A_361 = arith.cmpi ne, %convert_element_type3A_359, %cond3A_360 : i32
      scf.if %cond3A_361 {
        %add3A_1023 = arith.addi %mul3A_4, %add3A_349 : i32
        %add3A_1024 = arith.constant 5 : i32
        %add3A_1025 = arith.addi %add3A_1023, %add3A_1024 : i32
        %dma_start3A_1026 = arith.constant 0 : i32
        %dma_start3A_1027 = arith.constant 0 : i32
        %dma_start3A_1028 = tpu.memref_slice %arg3[%dma_start3A_1026, %add3A_1025, %dma_start3A_1027] : memref<2x5000x64xi32, #tpu.memory_space<hbm>> -> memref<2x1x64xi32, #tpu.memory_space<hbm>>
        %dma_start3A_1029 = tpu.memref_squeeze %dma_start3A_1028 : memref<2x1x64xi32, #tpu.memory_space<hbm>> -> memref<2x64xi32, #tpu.memory_space<hbm>>
        %dma_start3A_1030 = arith.constant 0 : i32
        %dma_start3A_1031 = arith.constant 0 : i32
        %dma_start3A_1032 = tpu.memref_slice %arg3[%dma_start3A_1030, %add3A_1025, %dma_start3A_1031] : memref<2x5000x64xi32, #tpu.memory_space<hbm>> -> memref<2x1x64xi32, #tpu.memory_space<hbm>>
        %dma_start3A_1033 = tpu.memref_squeeze %dma_start3A_1032 : memref<2x1x64xi32, #tpu.memory_space<hbm>> -> memref<2x64xi32, #tpu.memory_space<hbm>>
        tpu.enqueue_dma source(%dma_start3A_1033 : memref<2x64xi32, #tpu.memory_space<hbm>>) target(%arg10 : memref<2x64xi32, #tpu.memory_space<vmem>>) target_semaphore(%arg22 : memref<!tpu.dma_semaphore, #tpu.memory_space<semaphore_mem>>)
      } else {
      }
      %add3A_362 = arith.constant 3 : i32
      %add3A_363 = arith.addi %add3A_349, %add3A_362 : i32
      %lt3A_364 = arith.constant 156 : i32
      %lt3A_365 = arith.cmpi slt, %add3A_363, %lt3A_364 : i32
      %convert_element_type3A_366 = arith.extui %lt3A_365 : i1 to i32
      %cond3A_367 = arith.constant 0 : i32
      %cond3A_368 = arith.cmpi ne, %convert_element_type3A_366, %cond3A_367 : i32
      scf.if %cond3A_368 {
        %dma_wait3A_1023 = arith.constant 0 : i32
        %dma_wait3A_1024 = arith.constant 0 : i32
        %dma_wait3A_1025 = arith.constant 0 : i32
        %dma_wait3A_1026 = tpu.memref_slice %arg3[%dma_wait3A_1024, %dma_wait3A_1023, %dma_wait3A_1025] : memref<2x5000x64xi32, #tpu.memory_space<hbm>> -> memref<2x1x64xi32, #tpu.memory_space<hbm>>
        %dma_wait3A_1027 = tpu.memref_squeeze %dma_wait3A_1026 : memref<2x1x64xi32, #tpu.memory_space<hbm>> -> memref<2x64xi32, #tpu.memory_space<hbm>>
        %dma_wait3A_1028 = arith.constant 0 : i32
        %dma_wait3A_1029 = arith.constant 0 : i32
        %dma_wait3A_1030 = tpu.memref_slice %arg3[%dma_wait3A_1028, %dma_wait3A_1023, %dma_wait3A_1029] : memref<2x5000x64xi32, #tpu.memory_space<hbm>> -> memref<2x1x64xi32, #tpu.memory_space<hbm>>
        %dma_wait3A_1031 = tpu.memref_squeeze %dma_wait3A_1030 : memref<2x1x64xi32, #tpu.memory_space<hbm>> -> memref<2x64xi32, #tpu.memory_space<hbm>>
        tpu.wait_dma2 semaphore(%arg20 : memref<!tpu.dma_semaphore, #tpu.memory_space<semaphore_mem>>) src(%dma_wait3A_1031 : memref<2x64xi32, #tpu.memory_space<hbm>>) dst(%arg8 : memref<2x64xi32, #tpu.memory_space<vmem>>)
        %dma_start3A_1032 = arith.constant 0 : i32
        %dma_start3A_1033 = arith.constant 0 : i32
        %dma_start3A_1034 = tpu.memref_slice %arg8[%dma_start3A_1032, %dma_start3A_1033] : memref<2x64xi32, #tpu.memory_space<vmem>> -> memref<1x64xi32, #tpu.memory_space<vmem>>
        %dma_start3A_1035 = tpu.memref_squeeze %dma_start3A_1034 : memref<1x64xi32, #tpu.memory_space<vmem>> -> memref<64xi32, #tpu.memory_space<vmem>>
        %dma_start3A_1036 = arith.constant 0 : i32
        %dma_start3A_1037 = arith.constant 0 : i32
        %dma_start3A_1038 = tpu.memref_slice %arg2[%dma_start3A_1036, %dma_start3A_1037] : memref<10000x128xf32, #tpu.memory_space<hbm>> -> memref<10000x128xf32, #tpu.memory_space<hbm>>
        tpu.enqueue_indirect_dma source(%dma_start3A_1038 : memref<10000x128xf32, #tpu.memory_space<hbm>>) target(%arg16 : memref<64x128xf32, #tpu.memory_space<vmem>>) offsets(%dma_start3A_1035 : memref<64xi32, #tpu.memory_space<vmem>>) semaphore(%arg28 : memref<!tpu.dma_semaphore, #tpu.memory_space<semaphore_mem>>)
      } else {
      }
      %dma_wait3A_369 = arith.constant 0 : i32
      %dma_wait3A_370 = arith.constant 0 : i32
      %dma_wait3A_371 = tpu.memref_slice %arg11[%dma_wait3A_369, %dma_wait3A_370] : memref<2x64xi32, #tpu.memory_space<vmem>> -> memref<1x64xi32, #tpu.memory_space<vmem>>
      %dma_wait3A_372 = tpu.memref_squeeze %dma_wait3A_371 : memref<1x64xi32, #tpu.memory_space<vmem>> -> memref<64xi32, #tpu.memory_space<vmem>>
      %dma_wait3A_373 = arith.constant 0 : i32
      %dma_wait3A_374 = arith.constant 0 : i32
      %dma_wait3A_375 = tpu.memref_slice %arg2[%dma_wait3A_373, %dma_wait3A_374] : memref<10000x128xf32, #tpu.memory_space<hbm>> -> memref<10000x128xf32, #tpu.memory_space<hbm>>
      tpu.wait_indirect_dma semaphore(%arg29 : memref<!tpu.dma_semaphore, #tpu.memory_space<semaphore_mem>>) src(%dma_wait3A_375 : memref<10000x128xf32, #tpu.memory_space<hbm>>) dst(%arg17 : memref<64x128xf32, #tpu.memory_space<vmem>>)
      %dma_start3A_376 = arith.constant 1 : i32
      %dma_start3A_377 = arith.constant 0 : i32
      %dma_start3A_378 = tpu.memref_slice %arg11[%dma_start3A_376, %dma_start3A_377] : memref<2x64xi32, #tpu.memory_space<vmem>> -> memref<1x64xi32, #tpu.memory_space<vmem>>
      %dma_start3A_379 = tpu.memref_squeeze %dma_start3A_378 : memref<1x64xi32, #tpu.memory_space<vmem>> -> memref<64xi32, #tpu.memory_space<vmem>>
      %dma_start3A_380 = arith.constant 0 : i32
      %dma_start3A_381 = arith.constant 0 : i32
      %dma_start3A_382 = tpu.memref_slice %arg19[%dma_start3A_380, %dma_start3A_381] : memref<10240x128xf32, #tpu.memory_space<vmem_shared>> -> memref<10240x128xf32, #tpu.memory_space<vmem_shared>>
      tpu.enqueue_indirect_dma source(%arg17 : memref<64x128xf32, #tpu.memory_space<vmem>>) target(%dma_start3A_382 : memref<10240x128xf32, #tpu.memory_space<vmem_shared>>) offsets(%dma_start3A_379 : memref<64xi32, #tpu.memory_space<vmem>>) semaphore(%arg33 : memref<!tpu.dma_semaphore, #tpu.memory_space<semaphore_mem>>) {add = true}
      %get3A_383 = arith.constant 1 : i32
      %get3A_384 = arith.index_cast %get3A_383 : i32 to index
      %get3A_385 = arith.constant 0 : index
      %get3A_386 = tpu.vector_load %arg11[%get3A_384, %get3A_385] {strides = array<i32>} : memref<2x64xi32, #tpu.memory_space<vmem>>, vector<16xi32>,
      %shift_right_logical3A_387 = arith.constant 7 : i32
      %shift_right_logical3A_388 = vector.broadcast %shift_right_logical3A_387 : i32 to vector<16xi32>
      %shift_right_logical3A_389 = arith.shrui %get3A_386, %shift_right_logical3A_388 : vector<16xi32>
      %and3A_390 = arith.constant 127 : i32
      %and3A_391 = vector.broadcast %and3A_390 : i32 to vector<16xi32>
      %and3A_392 = arith.andi %get3A_386, %and3A_391 : vector<16xi32>
      tpu.vector_store_idx %arg18[%shift_right_logical3A_389, %and3A_392], %broadcast_in_dim3A_6 {add = true} : memref<80x128xf32, #tpu.memory_space<vmem>>[vector<16xi32>, vector<16xi32>], vector<16xf32>,
      %get3A_393 = arith.constant 1 : i32
      %get3A_394 = arith.index_cast %get3A_393 : i32 to index
      %get3A_395 = arith.constant 16 : index
      %get3A_396 = tpu.vector_load %arg11[%get3A_394, %get3A_395] {strides = array<i32>} : memref<2x64xi32, #tpu.memory_space<vmem>>, vector<16xi32>,
      %shift_right_logical3A_397 = arith.constant 7 : i32
      %shift_right_logical3A_398 = vector.broadcast %shift_right_logical3A_397 : i32 to vector<16xi32>
      %shift_right_logical3A_399 = arith.shrui %get3A_396, %shift_right_logical3A_398 : vector<16xi32>
      %and3A_400 = arith.constant 127 : i32
      %and3A_401 = vector.broadcast %and3A_400 : i32 to vector<16xi32>
      %and3A_402 = arith.andi %get3A_396, %and3A_401 : vector<16xi32>
      tpu.vector_store_idx %arg18[%shift_right_logical3A_399, %and3A_402], %broadcast_in_dim3A_6 {add = true} : memref<80x128xf32, #tpu.memory_space<vmem>>[vector<16xi32>, vector<16xi32>], vector<16xf32>,
      %get3A_403 = arith.constant 1 : i32
      %get3A_404 = arith.index_cast %get3A_403 : i32 to index
      %get3A_405 = arith.constant 32 : index
      %get3A_406 = tpu.vector_load %arg11[%get3A_404, %get3A_405] {strides = array<i32>} : memref<2x64xi32, #tpu.memory_space<vmem>>, vector<16xi32>,
      %shift_right_logical3A_407 = arith.constant 7 : i32
      %shift_right_logical3A_408 = vector.broadcast %shift_right_logical3A_407 : i32 to vector<16xi32>
      %shift_right_logical3A_409 = arith.shrui %get3A_406, %shift_right_logical3A_408 : vector<16xi32>
      %and3A_410 = arith.constant 127 : i32
      %and3A_411 = vector.broadcast %and3A_410 : i32 to vector<16xi32>
      %and3A_412 = arith.andi %get3A_406, %and3A_411 : vector<16xi32>
      tpu.vector_store_idx %arg18[%shift_right_logical3A_409, %and3A_412], %broadcast_in_dim3A_6 {add = true} : memref<80x128xf32, #tpu.memory_space<vmem>>[vector<16xi32>, vector<16xi32>], vector<16xf32>,
      %get3A_413 = arith.constant 1 : i32
      %get3A_414 = arith.index_cast %get3A_413 : i32 to index
      %get3A_415 = arith.constant 48 : index
      %get3A_416 = tpu.vector_load %arg11[%get3A_414, %get3A_415] {strides = array<i32>} : memref<2x64xi32, #tpu.memory_space<vmem>>, vector<16xi32>,
      %shift_right_logical3A_417 = arith.constant 7 : i32
      %shift_right_logical3A_418 = vector.broadcast %shift_right_logical3A_417 : i32 to vector<16xi32>
      %shift_right_logical3A_419 = arith.shrui %get3A_416, %shift_right_logical3A_418 : vector<16xi32>
      %and3A_420 = arith.constant 127 : i32
      %and3A_421 = vector.broadcast %and3A_420 : i32 to vector<16xi32>
      %and3A_422 = arith.andi %get3A_416, %and3A_421 : vector<16xi32>
      tpu.vector_store_idx %arg18[%shift_right_logical3A_419, %and3A_422], %broadcast_in_dim3A_6 {add = true} : memref<80x128xf32, #tpu.memory_space<vmem>>[vector<16xi32>, vector<16xi32>], vector<16xf32>,
      %add3A_423 = arith.constant 4 : i32
      %add3A_424 = arith.addi %mul3A_126, %add3A_423 : i32
      %ge3A_425 = arith.constant 1 : i32
      %ge3A_426 = arith.cmpi sge, %add3A_424, %ge3A_425 : i32
      %convert_element_type3A_427 = arith.extui %ge3A_426 : i1 to i32
      %cond3A_428 = arith.constant 0 : i32
      %cond3A_429 = arith.cmpi ne, %convert_element_type3A_427, %cond3A_428 : i32
      scf.if %cond3A_429 {
        %dma_wait3A_1023 = arith.constant 1 : i32
        %dma_wait3A_1024 = arith.constant 0 : i32
        %dma_wait3A_1025 = tpu.memref_slice %arg11[%dma_wait3A_1023, %dma_wait3A_1024] : memref<2x64xi32, #tpu.memory_space<vmem>> -> memref<1x64xi32, #tpu.memory_space<vmem>>
        %dma_wait3A_1026 = tpu.memref_squeeze %dma_wait3A_1025 : memref<1x64xi32, #tpu.memory_space<vmem>> -> memref<64xi32, #tpu.memory_space<vmem>>
        %dma_wait3A_1027 = arith.constant 0 : i32
        %dma_wait3A_1028 = arith.constant 0 : i32
        %dma_wait3A_1029 = tpu.memref_slice %arg19[%dma_wait3A_1027, %dma_wait3A_1028] : memref<10240x128xf32, #tpu.memory_space<vmem_shared>> -> memref<10240x128xf32, #tpu.memory_space<vmem_shared>>
        tpu.wait_indirect_dma semaphore(%arg33 : memref<!tpu.dma_semaphore, #tpu.memory_space<semaphore_mem>>) src(%arg17 : memref<64x128xf32, #tpu.memory_space<vmem>>) dst(%dma_wait3A_1029 : memref<10240x128xf32, #tpu.memory_space<vmem_shared>>)
      } else {
      }
      %add3A_430 = arith.constant 5 : i32
      %add3A_431 = arith.addi %add3A_424, %add3A_430 : i32
      %lt3A_432 = arith.constant 156 : i32
      %lt3A_433 = arith.cmpi slt, %add3A_431, %lt3A_432 : i32
      %convert_element_type3A_434 = arith.extui %lt3A_433 : i1 to i32
      %cond3A_435 = arith.constant 0 : i32
      %cond3A_436 = arith.cmpi ne, %convert_element_type3A_434, %cond3A_435 : i32
      scf.if %cond3A_436 {
        %add3A_1023 = arith.addi %mul3A_4, %add3A_424 : i32
        %add3A_1024 = arith.constant 5 : i32
        %add3A_1025 = arith.addi %add3A_1023, %add3A_1024 : i32
        %dma_start3A_1026 = arith.constant 0 : i32
        %dma_start3A_1027 = arith.constant 0 : i32
        %dma_start3A_1028 = tpu.memref_slice %arg3[%dma_start3A_1026, %add3A_1025, %dma_start3A_1027] : memref<2x5000x64xi32, #tpu.memory_space<hbm>> -> memref<2x1x64xi32, #tpu.memory_space<hbm>>
        %dma_start3A_1029 = tpu.memref_squeeze %dma_start3A_1028 : memref<2x1x64xi32, #tpu.memory_space<hbm>> -> memref<2x64xi32, #tpu.memory_space<hbm>>
        %dma_start3A_1030 = arith.constant 0 : i32
        %dma_start3A_1031 = arith.constant 0 : i32
        %dma_start3A_1032 = tpu.memref_slice %arg3[%dma_start3A_1030, %add3A_1025, %dma_start3A_1031] : memref<2x5000x64xi32, #tpu.memory_space<hbm>> -> memref<2x1x64xi32, #tpu.memory_space<hbm>>
        %dma_start3A_1033 = tpu.memref_squeeze %dma_start3A_1032 : memref<2x1x64xi32, #tpu.memory_space<hbm>> -> memref<2x64xi32, #tpu.memory_space<hbm>>
        tpu.enqueue_dma source(%dma_start3A_1033 : memref<2x64xi32, #tpu.memory_space<hbm>>) target(%arg11 : memref<2x64xi32, #tpu.memory_space<vmem>>) target_semaphore(%arg23 : memref<!tpu.dma_semaphore, #tpu.memory_space<semaphore_mem>>)
      } else {
      }
      %add3A_437 = arith.constant 3 : i32
      %add3A_438 = arith.addi %add3A_424, %add3A_437 : i32
      %lt3A_439 = arith.constant 156 : i32
      %lt3A_440 = arith.cmpi slt, %add3A_438, %lt3A_439 : i32
      %convert_element_type3A_441 = arith.extui %lt3A_440 : i1 to i32
      %cond3A_442 = arith.constant 0 : i32
      %cond3A_443 = arith.cmpi ne, %convert_element_type3A_441, %cond3A_442 : i32
      scf.if %cond3A_443 {
        %dma_wait3A_1023 = arith.constant 0 : i32
        %dma_wait3A_1024 = arith.constant 0 : i32
        %dma_wait3A_1025 = arith.constant 0 : i32
        %dma_wait3A_1026 = tpu.memref_slice %arg3[%dma_wait3A_1024, %dma_wait3A_1023, %dma_wait3A_1025] : memref<2x5000x64xi32, #tpu.memory_space<hbm>> -> memref<2x1x64xi32, #tpu.memory_space<hbm>>
        %dma_wait3A_1027 = tpu.memref_squeeze %dma_wait3A_1026 : memref<2x1x64xi32, #tpu.memory_space<hbm>> -> memref<2x64xi32, #tpu.memory_space<hbm>>
        %dma_wait3A_1028 = arith.constant 0 : i32
        %dma_wait3A_1029 = arith.constant 0 : i32
        %dma_wait3A_1030 = tpu.memref_slice %arg3[%dma_wait3A_1028, %dma_wait3A_1023, %dma_wait3A_1029] : memref<2x5000x64xi32, #tpu.memory_space<hbm>> -> memref<2x1x64xi32, #tpu.memory_space<hbm>>
        %dma_wait3A_1031 = tpu.memref_squeeze %dma_wait3A_1030 : memref<2x1x64xi32, #tpu.memory_space<hbm>> -> memref<2x64xi32, #tpu.memory_space<hbm>>
        tpu.wait_dma2 semaphore(%arg21 : memref<!tpu.dma_semaphore, #tpu.memory_space<semaphore_mem>>) src(%dma_wait3A_1031 : memref<2x64xi32, #tpu.memory_space<hbm>>) dst(%arg9 : memref<2x64xi32, #tpu.memory_space<vmem>>)
        %dma_start3A_1032 = arith.constant 0 : i32
        %dma_start3A_1033 = arith.constant 0 : i32
        %dma_start3A_1034 = tpu.memref_slice %arg9[%dma_start3A_1032, %dma_start3A_1033] : memref<2x64xi32, #tpu.memory_space<vmem>> -> memref<1x64xi32, #tpu.memory_space<vmem>>
        %dma_start3A_1035 = tpu.memref_squeeze %dma_start3A_1034 : memref<1x64xi32, #tpu.memory_space<vmem>> -> memref<64xi32, #tpu.memory_space<vmem>>
        %dma_start3A_1036 = arith.constant 0 : i32
        %dma_start3A_1037 = arith.constant 0 : i32
        %dma_start3A_1038 = tpu.memref_slice %arg2[%dma_start3A_1036, %dma_start3A_1037] : memref<10000x128xf32, #tpu.memory_space<hbm>> -> memref<10000x128xf32, #tpu.memory_space<hbm>>
        tpu.enqueue_indirect_dma source(%dma_start3A_1038 : memref<10000x128xf32, #tpu.memory_space<hbm>>) target(%arg17 : memref<64x128xf32, #tpu.memory_space<vmem>>) offsets(%dma_start3A_1035 : memref<64xi32, #tpu.memory_space<vmem>>) semaphore(%arg29 : memref<!tpu.dma_semaphore, #tpu.memory_space<semaphore_mem>>)
      } else {
      }
      %dma_wait3A_444 = arith.constant 0 : i32
      %dma_wait3A_445 = arith.constant 0 : i32
      %dma_wait3A_446 = tpu.memref_slice %arg12[%dma_wait3A_444, %dma_wait3A_445] : memref<2x64xi32, #tpu.memory_space<vmem>> -> memref<1x64xi32, #tpu.memory_space<vmem>>
      %dma_wait3A_447 = tpu.memref_squeeze %dma_wait3A_446 : memref<1x64xi32, #tpu.memory_space<vmem>> -> memref<64xi32, #tpu.memory_space<vmem>>
      %dma_wait3A_448 = arith.constant 0 : i32
      %dma_wait3A_449 = arith.constant 0 : i32
      %dma_wait3A_450 = tpu.memref_slice %arg2[%dma_wait3A_448, %dma_wait3A_449] : memref<10000x128xf32, #tpu.memory_space<hbm>> -> memref<10000x128xf32, #tpu.memory_space<hbm>>
      tpu.wait_indirect_dma semaphore(%arg26 : memref<!tpu.dma_semaphore, #tpu.memory_space<semaphore_mem>>) src(%dma_wait3A_450 : memref<10000x128xf32, #tpu.memory_space<hbm>>) dst(%arg14 : memref<64x128xf32, #tpu.memory_space<vmem>>)
      %dma_start3A_451 = arith.constant 1 : i32
      %dma_start3A_452 = arith.constant 0 : i32
      %dma_start3A_453 = tpu.memref_slice %arg12[%dma_start3A_451, %dma_start3A_452] : memref<2x64xi32, #tpu.memory_space<vmem>> -> memref<1x64xi32, #tpu.memory_space<vmem>>
      %dma_start3A_454 = tpu.memref_squeeze %dma_start3A_453 : memref<1x64xi32, #tpu.memory_space<vmem>> -> memref<64xi32, #tpu.memory_space<vmem>>
      %dma_start3A_455 = arith.constant 0 : i32
      %dma_start3A_456 = arith.constant 0 : i32
      %dma_start3A_457 = tpu.memref_slice %arg19[%dma_start3A_455, %dma_start3A_456] : memref<10240x128xf32, #tpu.memory_space<vmem_shared>> -> memref<10240x128xf32, #tpu.memory_space<vmem_shared>>
      tpu.enqueue_indirect_dma source(%arg14 : memref<64x128xf32, #tpu.memory_space<vmem>>) target(%dma_start3A_457 : memref<10240x128xf32, #tpu.memory_space<vmem_shared>>) offsets(%dma_start3A_454 : memref<64xi32, #tpu.memory_space<vmem>>) semaphore(%arg30 : memref<!tpu.dma_semaphore, #tpu.memory_space<semaphore_mem>>) {add = true}
      %get3A_458 = arith.constant 1 : i32
      %get3A_459 = arith.index_cast %get3A_458 : i32 to index
      %get3A_460 = arith.constant 0 : index
      %get3A_461 = tpu.vector_load %arg12[%get3A_459, %get3A_460] {strides = array<i32>} : memref<2x64xi32, #tpu.memory_space<vmem>>, vector<16xi32>,
      %shift_right_logical3A_462 = arith.constant 7 : i32
      %shift_right_logical3A_463 = vector.broadcast %shift_right_logical3A_462 : i32 to vector<16xi32>
      %shift_right_logical3A_464 = arith.shrui %get3A_461, %shift_right_logical3A_463 : vector<16xi32>
      %and3A_465 = arith.constant 127 : i32
      %and3A_466 = vector.broadcast %and3A_465 : i32 to vector<16xi32>
      %and3A_467 = arith.andi %get3A_461, %and3A_466 : vector<16xi32>
      tpu.vector_store_idx %arg18[%shift_right_logical3A_464, %and3A_467], %broadcast_in_dim3A_6 {add = true} : memref<80x128xf32, #tpu.memory_space<vmem>>[vector<16xi32>, vector<16xi32>], vector<16xf32>,
      %get3A_468 = arith.constant 1 : i32
      %get3A_469 = arith.index_cast %get3A_468 : i32 to index
      %get3A_470 = arith.constant 16 : index
      %get3A_471 = tpu.vector_load %arg12[%get3A_469, %get3A_470] {strides = array<i32>} : memref<2x64xi32, #tpu.memory_space<vmem>>, vector<16xi32>,
      %shift_right_logical3A_472 = arith.constant 7 : i32
      %shift_right_logical3A_473 = vector.broadcast %shift_right_logical3A_472 : i32 to vector<16xi32>
      %shift_right_logical3A_474 = arith.shrui %get3A_471, %shift_right_logical3A_473 : vector<16xi32>
      %and3A_475 = arith.constant 127 : i32
      %and3A_476 = vector.broadcast %and3A_475 : i32 to vector<16xi32>
      %and3A_477 = arith.andi %get3A_471, %and3A_476 : vector<16xi32>
      tpu.vector_store_idx %arg18[%shift_right_logical3A_474, %and3A_477], %broadcast_in_dim3A_6 {add = true} : memref<80x128xf32, #tpu.memory_space<vmem>>[vector<16xi32>, vector<16xi32>], vector<16xf32>,
      %get3A_478 = arith.constant 1 : i32
      %get3A_479 = arith.index_cast %get3A_478 : i32 to index
      %get3A_480 = arith.constant 32 : index
      %get3A_481 = tpu.vector_load %arg12[%get3A_479, %get3A_480] {strides = array<i32>} : memref<2x64xi32, #tpu.memory_space<vmem>>, vector<16xi32>,
      %shift_right_logical3A_482 = arith.constant 7 : i32
      %shift_right_logical3A_483 = vector.broadcast %shift_right_logical3A_482 : i32 to vector<16xi32>
      %shift_right_logical3A_484 = arith.shrui %get3A_481, %shift_right_logical3A_483 : vector<16xi32>
      %and3A_485 = arith.constant 127 : i32
      %and3A_486 = vector.broadcast %and3A_485 : i32 to vector<16xi32>
      %and3A_487 = arith.andi %get3A_481, %and3A_486 : vector<16xi32>
      tpu.vector_store_idx %arg18[%shift_right_logical3A_484, %and3A_487], %broadcast_in_dim3A_6 {add = true} : memref<80x128xf32, #tpu.memory_space<vmem>>[vector<16xi32>, vector<16xi32>], vector<16xf32>,
      %get3A_488 = arith.constant 1 : i32
      %get3A_489 = arith.index_cast %get3A_488 : i32 to index
      %get3A_490 = arith.constant 48 : index
      %get3A_491 = tpu.vector_load %arg12[%get3A_489, %get3A_490] {strides = array<i32>} : memref<2x64xi32, #tpu.memory_space<vmem>>, vector<16xi32>,
      %shift_right_logical3A_492 = arith.constant 7 : i32
      %shift_right_logical3A_493 = vector.broadcast %shift_right_logical3A_492 : i32 to vector<16xi32>
      %shift_right_logical3A_494 = arith.shrui %get3A_491, %shift_right_logical3A_493 : vector<16xi32>
      %and3A_495 = arith.constant 127 : i32
      %and3A_496 = vector.broadcast %and3A_495 : i32 to vector<16xi32>
      %and3A_497 = arith.andi %get3A_491, %and3A_496 : vector<16xi32>
      tpu.vector_store_idx %arg18[%shift_right_logical3A_494, %and3A_497], %broadcast_in_dim3A_6 {add = true} : memref<80x128xf32, #tpu.memory_space<vmem>>[vector<16xi32>, vector<16xi32>], vector<16xf32>,
      %add3A_498 = arith.constant 5 : i32
      %add3A_499 = arith.addi %mul3A_126, %add3A_498 : i32
      %ge3A_500 = arith.constant 1 : i32
      %ge3A_501 = arith.cmpi sge, %add3A_499, %ge3A_500 : i32
      %convert_element_type3A_502 = arith.extui %ge3A_501 : i1 to i32
      %cond3A_503 = arith.constant 0 : i32
      %cond3A_504 = arith.cmpi ne, %convert_element_type3A_502, %cond3A_503 : i32
      scf.if %cond3A_504 {
        %dma_wait3A_1023 = arith.constant 1 : i32
        %dma_wait3A_1024 = arith.constant 0 : i32
        %dma_wait3A_1025 = tpu.memref_slice %arg12[%dma_wait3A_1023, %dma_wait3A_1024] : memref<2x64xi32, #tpu.memory_space<vmem>> -> memref<1x64xi32, #tpu.memory_space<vmem>>
        %dma_wait3A_1026 = tpu.memref_squeeze %dma_wait3A_1025 : memref<1x64xi32, #tpu.memory_space<vmem>> -> memref<64xi32, #tpu.memory_space<vmem>>
        %dma_wait3A_1027 = arith.constant 0 : i32
        %dma_wait3A_1028 = arith.constant 0 : i32
        %dma_wait3A_1029 = tpu.memref_slice %arg19[%dma_wait3A_1027, %dma_wait3A_1028] : memref<10240x128xf32, #tpu.memory_space<vmem_shared>> -> memref<10240x128xf32, #tpu.memory_space<vmem_shared>>
        tpu.wait_indirect_dma semaphore(%arg30 : memref<!tpu.dma_semaphore, #tpu.memory_space<semaphore_mem>>) src(%arg14 : memref<64x128xf32, #tpu.memory_space<vmem>>) dst(%dma_wait3A_1029 : memref<10240x128xf32, #tpu.memory_space<vmem_shared>>)
      } else {
      }
      %add3A_505 = arith.constant 5 : i32
      %add3A_506 = arith.addi %add3A_499, %add3A_505 : i32
      %lt3A_507 = arith.constant 156 : i32
      %lt3A_508 = arith.cmpi slt, %add3A_506, %lt3A_507 : i32
      %convert_element_type3A_509 = arith.extui %lt3A_508 : i1 to i32
      %cond3A_510 = arith.constant 0 : i32
      %cond3A_511 = arith.cmpi ne, %convert_element_type3A_509, %cond3A_510 : i32
      scf.if %cond3A_511 {
        %add3A_1023 = arith.addi %mul3A_4, %add3A_499 : i32
        %add3A_1024 = arith.constant 5 : i32
        %add3A_1025 = arith.addi %add3A_1023, %add3A_1024 : i32
        %dma_start3A_1026 = arith.constant 0 : i32
        %dma_start3A_1027 = arith.constant 0 : i32
        %dma_start3A_1028 = tpu.memref_slice %arg3[%dma_start3A_1026, %add3A_1025, %dma_start3A_1027] : memref<2x5000x64xi32, #tpu.memory_space<hbm>> -> memref<2x1x64xi32, #tpu.memory_space<hbm>>
        %dma_start3A_1029 = tpu.memref_squeeze %dma_start3A_1028 : memref<2x1x64xi32, #tpu.memory_space<hbm>> -> memref<2x64xi32, #tpu.memory_space<hbm>>
        %dma_start3A_1030 = arith.constant 0 : i32
        %dma_start3A_1031 = arith.constant 0 : i32
        %dma_start3A_1032 = tpu.memref_slice %arg3[%dma_start3A_1030, %add3A_1025, %dma_start3A_1031] : memref<2x5000x64xi32, #tpu.memory_space<hbm>> -> memref<2x1x64xi32, #tpu.memory_space<hbm>>
        %dma_start3A_1033 = tpu.memref_squeeze %dma_start3A_1032 : memref<2x1x64xi32, #tpu.memory_space<hbm>> -> memref<2x64xi32, #tpu.memory_space<hbm>>
        tpu.enqueue_dma source(%dma_start3A_1033 : memref<2x64xi32, #tpu.memory_space<hbm>>) target(%arg12 : memref<2x64xi32, #tpu.memory_space<vmem>>) target_semaphore(%arg24 : memref<!tpu.dma_semaphore, #tpu.memory_space<semaphore_mem>>)
      } else {
      }
      %add3A_512 = arith.constant 3 : i32
      %add3A_513 = arith.addi %add3A_499, %add3A_512 : i32
      %lt3A_514 = arith.constant 156 : i32
      %lt3A_515 = arith.cmpi slt, %add3A_513, %lt3A_514 : i32
      %convert_element_type3A_516 = arith.extui %lt3A_515 : i1 to i32
      %cond3A_517 = arith.constant 0 : i32
      %cond3A_518 = arith.cmpi ne, %convert_element_type3A_516, %cond3A_517 : i32
      scf.if %cond3A_518 {
        %dma_wait3A_1023 = arith.constant 0 : i32
        %dma_wait3A_1024 = arith.constant 0 : i32
        %dma_wait3A_1025 = arith.constant 0 : i32
        %dma_wait3A_1026 = tpu.memref_slice %arg3[%dma_wait3A_1024, %dma_wait3A_1023, %dma_wait3A_1025] : memref<2x5000x64xi32, #tpu.memory_space<hbm>> -> memref<2x1x64xi32, #tpu.memory_space<hbm>>
        %dma_wait3A_1027 = tpu.memref_squeeze %dma_wait3A_1026 : memref<2x1x64xi32, #tpu.memory_space<hbm>> -> memref<2x64xi32, #tpu.memory_space<hbm>>
        %dma_wait3A_1028 = arith.constant 0 : i32
        %dma_wait3A_1029 = arith.constant 0 : i32
        %dma_wait3A_1030 = tpu.memref_slice %arg3[%dma_wait3A_1028, %dma_wait3A_1023, %dma_wait3A_1029] : memref<2x5000x64xi32, #tpu.memory_space<hbm>> -> memref<2x1x64xi32, #tpu.memory_space<hbm>>
        %dma_wait3A_1031 = tpu.memref_squeeze %dma_wait3A_1030 : memref<2x1x64xi32, #tpu.memory_space<hbm>> -> memref<2x64xi32, #tpu.memory_space<hbm>>
        tpu.wait_dma2 semaphore(%arg22 : memref<!tpu.dma_semaphore, #tpu.memory_space<semaphore_mem>>) src(%dma_wait3A_1031 : memref<2x64xi32, #tpu.memory_space<hbm>>) dst(%arg10 : memref<2x64xi32, #tpu.memory_space<vmem>>)
        %dma_start3A_1032 = arith.constant 0 : i32
        %dma_start3A_1033 = arith.constant 0 : i32
        %dma_start3A_1034 = tpu.memref_slice %arg10[%dma_start3A_1032, %dma_start3A_1033] : memref<2x64xi32, #tpu.memory_space<vmem>> -> memref<1x64xi32, #tpu.memory_space<vmem>>
        %dma_start3A_1035 = tpu.memref_squeeze %dma_start3A_1034 : memref<1x64xi32, #tpu.memory_space<vmem>> -> memref<64xi32, #tpu.memory_space<vmem>>
        %dma_start3A_1036 = arith.constant 0 : i32
        %dma_start3A_1037 = arith.constant 0 : i32
        %dma_start3A_1038 = tpu.memref_slice %arg2[%dma_start3A_1036, %dma_start3A_1037] : memref<10000x128xf32, #tpu.memory_space<hbm>> -> memref<10000x128xf32, #tpu.memory_space<hbm>>
        tpu.enqueue_indirect_dma source(%dma_start3A_1038 : memref<10000x128xf32, #tpu.memory_space<hbm>>) target(%arg14 : memref<64x128xf32, #tpu.memory_space<vmem>>) offsets(%dma_start3A_1035 : memref<64xi32, #tpu.memory_space<vmem>>) semaphore(%arg26 : memref<!tpu.dma_semaphore, #tpu.memory_space<semaphore_mem>>)
      } else {
      }
      %dma_wait3A_519 = arith.constant 0 : i32
      %dma_wait3A_520 = arith.constant 0 : i32
      %dma_wait3A_521 = tpu.memref_slice %arg13[%dma_wait3A_519, %dma_wait3A_520] : memref<2x64xi32, #tpu.memory_space<vmem>> -> memref<1x64xi32, #tpu.memory_space<vmem>>
      %dma_wait3A_522 = tpu.memref_squeeze %dma_wait3A_521 : memref<1x64xi32, #tpu.memory_space<vmem>> -> memref<64xi32, #tpu.memory_space<vmem>>
      %dma_wait3A_523 = arith.constant 0 : i32
      %dma_wait3A_524 = arith.constant 0 : i32
      %dma_wait3A_525 = tpu.memref_slice %arg2[%dma_wait3A_523, %dma_wait3A_524] : memref<10000x128xf32, #tpu.memory_space<hbm>> -> memref<10000x128xf32, #tpu.memory_space<hbm>>
      tpu.wait_indirect_dma semaphore(%arg27 : memref<!tpu.dma_semaphore, #tpu.memory_space<semaphore_mem>>) src(%dma_wait3A_525 : memref<10000x128xf32, #tpu.memory_space<hbm>>) dst(%arg15 : memref<64x128xf32, #tpu.memory_space<vmem>>)
      %dma_start3A_526 = arith.constant 1 : i32
      %dma_start3A_527 = arith.constant 0 : i32
      %dma_start3A_528 = tpu.memref_slice %arg13[%dma_start3A_526, %dma_start3A_527] : memref<2x64xi32, #tpu.memory_space<vmem>> -> memref<1x64xi32, #tpu.memory_space<vmem>>
      %dma_start3A_529 = tpu.memref_squeeze %dma_start3A_528 : memref<1x64xi32, #tpu.memory_space<vmem>> -> memref<64xi32, #tpu.memory_space<vmem>>
      %dma_start3A_530 = arith.constant 0 : i32
      %dma_start3A_531 = arith.constant 0 : i32
      %dma_start3A_532 = tpu.memref_slice %arg19[%dma_start3A_530, %dma_start3A_531] : memref<10240x128xf32, #tpu.memory_space<vmem_shared>> -> memref<10240x128xf32, #tpu.memory_space<vmem_shared>>
      tpu.enqueue_indirect_dma source(%arg15 : memref<64x128xf32, #tpu.memory_space<vmem>>) target(%dma_start3A_532 : memref<10240x128xf32, #tpu.memory_space<vmem_shared>>) offsets(%dma_start3A_529 : memref<64xi32, #tpu.memory_space<vmem>>) semaphore(%arg31 : memref<!tpu.dma_semaphore, #tpu.memory_space<semaphore_mem>>) {add = true}
      %get3A_533 = arith.constant 1 : i32
      %get3A_534 = arith.index_cast %get3A_533 : i32 to index
      %get3A_535 = arith.constant 0 : index
      %get3A_536 = tpu.vector_load %arg13[%get3A_534, %get3A_535] {strides = array<i32>} : memref<2x64xi32, #tpu.memory_space<vmem>>, vector<16xi32>,
      %shift_right_logical3A_537 = arith.constant 7 : i32
      %shift_right_logical3A_538 = vector.broadcast %shift_right_logical3A_537 : i32 to vector<16xi32>
      %shift_right_logical3A_539 = arith.shrui %get3A_536, %shift_right_logical3A_538 : vector<16xi32>
      %and3A_540 = arith.constant 127 : i32
      %and3A_541 = vector.broadcast %and3A_540 : i32 to vector<16xi32>
      %and3A_542 = arith.andi %get3A_536, %and3A_541 : vector<16xi32>
      tpu.vector_store_idx %arg18[%shift_right_logical3A_539, %and3A_542], %broadcast_in_dim3A_6 {add = true} : memref<80x128xf32, #tpu.memory_space<vmem>>[vector<16xi32>, vector<16xi32>], vector<16xf32>,
      %get3A_543 = arith.constant 1 : i32
      %get3A_544 = arith.index_cast %get3A_543 : i32 to index
      %get3A_545 = arith.constant 16 : index
      %get3A_546 = tpu.vector_load %arg13[%get3A_544, %get3A_545] {strides = array<i32>} : memref<2x64xi32, #tpu.memory_space<vmem>>, vector<16xi32>,
      %shift_right_logical3A_547 = arith.constant 7 : i32
      %shift_right_logical3A_548 = vector.broadcast %shift_right_logical3A_547 : i32 to vector<16xi32>
      %shift_right_logical3A_549 = arith.shrui %get3A_546, %shift_right_logical3A_548 : vector<16xi32>
      %and3A_550 = arith.constant 127 : i32
      %and3A_551 = vector.broadcast %and3A_550 : i32 to vector<16xi32>
      %and3A_552 = arith.andi %get3A_546, %and3A_551 : vector<16xi32>
      tpu.vector_store_idx %arg18[%shift_right_logical3A_549, %and3A_552], %broadcast_in_dim3A_6 {add = true} : memref<80x128xf32, #tpu.memory_space<vmem>>[vector<16xi32>, vector<16xi32>], vector<16xf32>,
      %get3A_553 = arith.constant 1 : i32
      %get3A_554 = arith.index_cast %get3A_553 : i32 to index
      %get3A_555 = arith.constant 32 : index
      %get3A_556 = tpu.vector_load %arg13[%get3A_554, %get3A_555] {strides = array<i32>} : memref<2x64xi32, #tpu.memory_space<vmem>>, vector<16xi32>,
      %shift_right_logical3A_557 = arith.constant 7 : i32
      %shift_right_logical3A_558 = vector.broadcast %shift_right_logical3A_557 : i32 to vector<16xi32>
      %shift_right_logical3A_559 = arith.shrui %get3A_556, %shift_right_logical3A_558 : vector<16xi32>
      %and3A_560 = arith.constant 127 : i32
      %and3A_561 = vector.broadcast %and3A_560 : i32 to vector<16xi32>
      %and3A_562 = arith.andi %get3A_556, %and3A_561 : vector<16xi32>
      tpu.vector_store_idx %arg18[%shift_right_logical3A_559, %and3A_562], %broadcast_in_dim3A_6 {add = true} : memref<80x128xf32, #tpu.memory_space<vmem>>[vector<16xi32>, vector<16xi32>], vector<16xf32>,
      %get3A_563 = arith.constant 1 : i32
      %get3A_564 = arith.index_cast %get3A_563 : i32 to index
      %get3A_565 = arith.constant 48 : index
      %get3A_566 = tpu.vector_load %arg13[%get3A_564, %get3A_565] {strides = array<i32>} : memref<2x64xi32, #tpu.memory_space<vmem>>, vector<16xi32>,
      %shift_right_logical3A_567 = arith.constant 7 : i32
      %shift_right_logical3A_568 = vector.broadcast %shift_right_logical3A_567 : i32 to vector<16xi32>
      %shift_right_logical3A_569 = arith.shrui %get3A_566, %shift_right_logical3A_568 : vector<16xi32>
      %and3A_570 = arith.constant 127 : i32
      %and3A_571 = vector.broadcast %and3A_570 : i32 to vector<16xi32>
      %and3A_572 = arith.andi %get3A_566, %and3A_571 : vector<16xi32>
      tpu.vector_store_idx %arg18[%shift_right_logical3A_569, %and3A_572], %broadcast_in_dim3A_6 {add = true} : memref<80x128xf32, #tpu.memory_space<vmem>>[vector<16xi32>, vector<16xi32>], vector<16xf32>,
      %add3A_573 = arith.constant 6 : i32
      %add3A_574 = arith.addi %mul3A_126, %add3A_573 : i32
      %ge3A_575 = arith.constant 1 : i32
      %ge3A_576 = arith.cmpi sge, %add3A_574, %ge3A_575 : i32
      %convert_element_type3A_577 = arith.extui %ge3A_576 : i1 to i32
      %cond3A_578 = arith.constant 0 : i32
      %cond3A_579 = arith.cmpi ne, %convert_element_type3A_577, %cond3A_578 : i32
      scf.if %cond3A_579 {
        %dma_wait3A_1023 = arith.constant 1 : i32
        %dma_wait3A_1024 = arith.constant 0 : i32
        %dma_wait3A_1025 = tpu.memref_slice %arg13[%dma_wait3A_1023, %dma_wait3A_1024] : memref<2x64xi32, #tpu.memory_space<vmem>> -> memref<1x64xi32, #tpu.memory_space<vmem>>
        %dma_wait3A_1026 = tpu.memref_squeeze %dma_wait3A_1025 : memref<1x64xi32, #tpu.memory_space<vmem>> -> memref<64xi32, #tpu.memory_space<vmem>>
        %dma_wait3A_1027 = arith.constant 0 : i32
        %dma_wait3A_1028 = arith.constant 0 : i32
        %dma_wait3A_1029 = tpu.memref_slice %arg19[%dma_wait3A_1027, %dma_wait3A_1028] : memref<10240x128xf32, #tpu.memory_space<vmem_shared>> -> memref<10240x128xf32, #tpu.memory_space<vmem_shared>>
        tpu.wait_indirect_dma semaphore(%arg31 : memref<!tpu.dma_semaphore, #tpu.memory_space<semaphore_mem>>) src(%arg15 : memref<64x128xf32, #tpu.memory_space<vmem>>) dst(%dma_wait3A_1029 : memref<10240x128xf32, #tpu.memory_space<vmem_shared>>)
      } else {
      }
      %add3A_580 = arith.constant 5 : i32
      %add3A_581 = arith.addi %add3A_574, %add3A_580 : i32
      %lt3A_582 = arith.constant 156 : i32
      %lt3A_583 = arith.cmpi slt, %add3A_581, %lt3A_582 : i32
      %convert_element_type3A_584 = arith.extui %lt3A_583 : i1 to i32
      %cond3A_585 = arith.constant 0 : i32
      %cond3A_586 = arith.cmpi ne, %convert_element_type3A_584, %cond3A_585 : i32
      scf.if %cond3A_586 {
        %add3A_1023 = arith.addi %mul3A_4, %add3A_574 : i32
        %add3A_1024 = arith.constant 5 : i32
        %add3A_1025 = arith.addi %add3A_1023, %add3A_1024 : i32
        %dma_start3A_1026 = arith.constant 0 : i32
        %dma_start3A_1027 = arith.constant 0 : i32
        %dma_start3A_1028 = tpu.memref_slice %arg3[%dma_start3A_1026, %add3A_1025, %dma_start3A_1027] : memref<2x5000x64xi32, #tpu.memory_space<hbm>> -> memref<2x1x64xi32, #tpu.memory_space<hbm>>
        %dma_start3A_1029 = tpu.memref_squeeze %dma_start3A_1028 : memref<2x1x64xi32, #tpu.memory_space<hbm>> -> memref<2x64xi32, #tpu.memory_space<hbm>>
        %dma_start3A_1030 = arith.constant 0 : i32
        %dma_start3A_1031 = arith.constant 0 : i32
        %dma_start3A_1032 = tpu.memref_slice %arg3[%dma_start3A_1030, %add3A_1025, %dma_start3A_1031] : memref<2x5000x64xi32, #tpu.memory_space<hbm>> -> memref<2x1x64xi32, #tpu.memory_space<hbm>>
        %dma_start3A_1033 = tpu.memref_squeeze %dma_start3A_1032 : memref<2x1x64xi32, #tpu.memory_space<hbm>> -> memref<2x64xi32, #tpu.memory_space<hbm>>
        tpu.enqueue_dma source(%dma_start3A_1033 : memref<2x64xi32, #tpu.memory_space<hbm>>) target(%arg13 : memref<2x64xi32, #tpu.memory_space<vmem>>) target_semaphore(%arg25 : memref<!tpu.dma_semaphore, #tpu.memory_space<semaphore_mem>>)
      } else {
      }
      %add3A_587 = arith.constant 3 : i32
      %add3A_588 = arith.addi %add3A_574, %add3A_587 : i32
      %lt3A_589 = arith.constant 156 : i32
      %lt3A_590 = arith.cmpi slt, %add3A_588, %lt3A_589 : i32
      %convert_element_type3A_591 = arith.extui %lt3A_590 : i1 to i32
      %cond3A_592 = arith.constant 0 : i32
      %cond3A_593 = arith.cmpi ne, %convert_element_type3A_591, %cond3A_592 : i32
      scf.if %cond3A_593 {
        %dma_wait3A_1023 = arith.constant 0 : i32
        %dma_wait3A_1024 = arith.constant 0 : i32
        %dma_wait3A_1025 = arith.constant 0 : i32
        %dma_wait3A_1026 = tpu.memref_slice %arg3[%dma_wait3A_1024, %dma_wait3A_1023, %dma_wait3A_1025] : memref<2x5000x64xi32, #tpu.memory_space<hbm>> -> memref<2x1x64xi32, #tpu.memory_space<hbm>>
        %dma_wait3A_1027 = tpu.memref_squeeze %dma_wait3A_1026 : memref<2x1x64xi32, #tpu.memory_space<hbm>> -> memref<2x64xi32, #tpu.memory_space<hbm>>
        %dma_wait3A_1028 = arith.constant 0 : i32
        %dma_wait3A_1029 = arith.constant 0 : i32
        %dma_wait3A_1030 = tpu.memref_slice %arg3[%dma_wait3A_1028, %dma_wait3A_1023, %dma_wait3A_1029] : memref<2x5000x64xi32, #tpu.memory_space<hbm>> -> memref<2x1x64xi32, #tpu.memory_space<hbm>>
        %dma_wait3A_1031 = tpu.memref_squeeze %dma_wait3A_1030 : memref<2x1x64xi32, #tpu.memory_space<hbm>> -> memref<2x64xi32, #tpu.memory_space<hbm>>
        tpu.wait_dma2 semaphore(%arg23 : memref<!tpu.dma_semaphore, #tpu.memory_space<semaphore_mem>>) src(%dma_wait3A_1031 : memref<2x64xi32, #tpu.memory_space<hbm>>) dst(%arg11 : memref<2x64xi32, #tpu.memory_space<vmem>>)
        %dma_start3A_1032 = arith.constant 0 : i32
        %dma_start3A_1033 = arith.constant 0 : i32
        %dma_start3A_1034 = tpu.memref_slice %arg11[%dma_start3A_1032, %dma_start3A_1033] : memref<2x64xi32, #tpu.memory_space<vmem>> -> memref<1x64xi32, #tpu.memory_space<vmem>>
        %dma_start3A_1035 = tpu.memref_squeeze %dma_start3A_1034 : memref<1x64xi32, #tpu.memory_space<vmem>> -> memref<64xi32, #tpu.memory_space<vmem>>
        %dma_start3A_1036 = arith.constant 0 : i32
        %dma_start3A_1037 = arith.constant 0 : i32
        %dma_start3A_1038 = tpu.memref_slice %arg2[%dma_start3A_1036, %dma_start3A_1037] : memref<10000x128xf32, #tpu.memory_space<hbm>> -> memref<10000x128xf32, #tpu.memory_space<hbm>>
        tpu.enqueue_indirect_dma source(%dma_start3A_1038 : memref<10000x128xf32, #tpu.memory_space<hbm>>) target(%arg15 : memref<64x128xf32, #tpu.memory_space<vmem>>) offsets(%dma_start3A_1035 : memref<64xi32, #tpu.memory_space<vmem>>) semaphore(%arg27 : memref<!tpu.dma_semaphore, #tpu.memory_space<semaphore_mem>>)
      } else {
      }
      %dma_wait3A_594 = arith.constant 0 : i32
      %dma_wait3A_595 = arith.constant 0 : i32
      %dma_wait3A_596 = tpu.memref_slice %arg8[%dma_wait3A_594, %dma_wait3A_595] : memref<2x64xi32, #tpu.memory_space<vmem>> -> memref<1x64xi32, #tpu.memory_space<vmem>>
      %dma_wait3A_597 = tpu.memref_squeeze %dma_wait3A_596 : memref<1x64xi32, #tpu.memory_space<vmem>> -> memref<64xi32, #tpu.memory_space<vmem>>
      %dma_wait3A_598 = arith.constant 0 : i32
      %dma_wait3A_599 = arith.constant 0 : i32
      %dma_wait3A_600 = tpu.memref_slice %arg2[%dma_wait3A_598, %dma_wait3A_599] : memref<10000x128xf32, #tpu.memory_space<hbm>> -> memref<10000x128xf32, #tpu.memory_space<hbm>>
      tpu.wait_indirect_dma semaphore(%arg28 : memref<!tpu.dma_semaphore, #tpu.memory_space<semaphore_mem>>) src(%dma_wait3A_600 : memref<10000x128xf32, #tpu.memory_space<hbm>>) dst(%arg16 : memref<64x128xf32, #tpu.memory_space<vmem>>)
      %dma_start3A_601 = arith.constant 1 : i32
      %dma_start3A_602 = arith.constant 0 : i32
      %dma_start3A_603 = tpu.memref_slice %arg8[%dma_start3A_601, %dma_start3A_602] : memref<2x64xi32, #tpu.memory_space<vmem>> -> memref<1x64xi32, #tpu.memory_space<vmem>>
      %dma_start3A_604 = tpu.memref_squeeze %dma_start3A_603 : memref<1x64xi32, #tpu.memory_space<vmem>> -> memref<64xi32, #tpu.memory_space<vmem>>
      %dma_start3A_605 = arith.constant 0 : i32
      %dma_start3A_606 = arith.constant 0 : i32
      %dma_start3A_607 = tpu.memref_slice %arg19[%dma_start3A_605, %dma_start3A_606] : memref<10240x128xf32, #tpu.memory_space<vmem_shared>> -> memref<10240x128xf32, #tpu.memory_space<vmem_shared>>
      tpu.enqueue_indirect_dma source(%arg16 : memref<64x128xf32, #tpu.memory_space<vmem>>) target(%dma_start3A_607 : memref<10240x128xf32, #tpu.memory_space<vmem_shared>>) offsets(%dma_start3A_604 : memref<64xi32, #tpu.memory_space<vmem>>) semaphore(%arg32 : memref<!tpu.dma_semaphore, #tpu.memory_space<semaphore_mem>>) {add = true}
      %get3A_608 = arith.constant 1 : i32
      %get3A_609 = arith.index_cast %get3A_608 : i32 to index
      %get3A_610 = arith.constant 0 : index
      %get3A_611 = tpu.vector_load %arg8[%get3A_609, %get3A_610] {strides = array<i32>} : memref<2x64xi32, #tpu.memory_space<vmem>>, vector<16xi32>,
      %shift_right_logical3A_612 = arith.constant 7 : i32
      %shift_right_logical3A_613 = vector.broadcast %shift_right_logical3A_612 : i32 to vector<16xi32>
      %shift_right_logical3A_614 = arith.shrui %get3A_611, %shift_right_logical3A_613 : vector<16xi32>
      %and3A_615 = arith.constant 127 : i32
      %and3A_616 = vector.broadcast %and3A_615 : i32 to vector<16xi32>
      %and3A_617 = arith.andi %get3A_611, %and3A_616 : vector<16xi32>
      tpu.vector_store_idx %arg18[%shift_right_logical3A_614, %and3A_617], %broadcast_in_dim3A_6 {add = true} : memref<80x128xf32, #tpu.memory_space<vmem>>[vector<16xi32>, vector<16xi32>], vector<16xf32>,
      %get3A_618 = arith.constant 1 : i32
      %get3A_619 = arith.index_cast %get3A_618 : i32 to index
      %get3A_620 = arith.constant 16 : index
      %get3A_621 = tpu.vector_load %arg8[%get3A_619, %get3A_620] {strides = array<i32>} : memref<2x64xi32, #tpu.memory_space<vmem>>, vector<16xi32>,
      %shift_right_logical3A_622 = arith.constant 7 : i32
      %shift_right_logical3A_623 = vector.broadcast %shift_right_logical3A_622 : i32 to vector<16xi32>
      %shift_right_logical3A_624 = arith.shrui %get3A_621, %shift_right_logical3A_623 : vector<16xi32>
      %and3A_625 = arith.constant 127 : i32
      %and3A_626 = vector.broadcast %and3A_625 : i32 to vector<16xi32>
      %and3A_627 = arith.andi %get3A_621, %and3A_626 : vector<16xi32>
      tpu.vector_store_idx %arg18[%shift_right_logical3A_624, %and3A_627], %broadcast_in_dim3A_6 {add = true} : memref<80x128xf32, #tpu.memory_space<vmem>>[vector<16xi32>, vector<16xi32>], vector<16xf32>,
      %get3A_628 = arith.constant 1 : i32
      %get3A_629 = arith.index_cast %get3A_628 : i32 to index
      %get3A_630 = arith.constant 32 : index
      %get3A_631 = tpu.vector_load %arg8[%get3A_629, %get3A_630] {strides = array<i32>} : memref<2x64xi32, #tpu.memory_space<vmem>>, vector<16xi32>,
      %shift_right_logical3A_632 = arith.constant 7 : i32
      %shift_right_logical3A_633 = vector.broadcast %shift_right_logical3A_632 : i32 to vector<16xi32>
      %shift_right_logical3A_634 = arith.shrui %get3A_631, %shift_right_logical3A_633 : vector<16xi32>
      %and3A_635 = arith.constant 127 : i32
      %and3A_636 = vector.broadcast %and3A_635 : i32 to vector<16xi32>
      %and3A_637 = arith.andi %get3A_631, %and3A_636 : vector<16xi32>
      tpu.vector_store_idx %arg18[%shift_right_logical3A_634, %and3A_637], %broadcast_in_dim3A_6 {add = true} : memref<80x128xf32, #tpu.memory_space<vmem>>[vector<16xi32>, vector<16xi32>], vector<16xf32>,
      %get3A_638 = arith.constant 1 : i32
      %get3A_639 = arith.index_cast %get3A_638 : i32 to index
      %get3A_640 = arith.constant 48 : index
      %get3A_641 = tpu.vector_load %arg8[%get3A_639, %get3A_640] {strides = array<i32>} : memref<2x64xi32, #tpu.memory_space<vmem>>, vector<16xi32>,
      %shift_right_logical3A_642 = arith.constant 7 : i32
      %shift_right_logical3A_643 = vector.broadcast %shift_right_logical3A_642 : i32 to vector<16xi32>
      %shift_right_logical3A_644 = arith.shrui %get3A_641, %shift_right_logical3A_643 : vector<16xi32>
      %and3A_645 = arith.constant 127 : i32
      %and3A_646 = vector.broadcast %and3A_645 : i32 to vector<16xi32>
      %and3A_647 = arith.andi %get3A_641, %and3A_646 : vector<16xi32>
      tpu.vector_store_idx %arg18[%shift_right_logical3A_644, %and3A_647], %broadcast_in_dim3A_6 {add = true} : memref<80x128xf32, #tpu.memory_space<vmem>>[vector<16xi32>, vector<16xi32>], vector<16xf32>,
      %add3A_648 = arith.constant 7 : i32
      %add3A_649 = arith.addi %mul3A_126, %add3A_648 : i32
      %ge3A_650 = arith.constant 1 : i32
      %ge3A_651 = arith.cmpi sge, %add3A_649, %ge3A_650 : i32
      %convert_element_type3A_652 = arith.extui %ge3A_651 : i1 to i32
      %cond3A_653 = arith.constant 0 : i32
      %cond3A_654 = arith.cmpi ne, %convert_element_type3A_652, %cond3A_653 : i32
      scf.if %cond3A_654 {
        %dma_wait3A_1023 = arith.constant 1 : i32
        %dma_wait3A_1024 = arith.constant 0 : i32
        %dma_wait3A_1025 = tpu.memref_slice %arg8[%dma_wait3A_1023, %dma_wait3A_1024] : memref<2x64xi32, #tpu.memory_space<vmem>> -> memref<1x64xi32, #tpu.memory_space<vmem>>
        %dma_wait3A_1026 = tpu.memref_squeeze %dma_wait3A_1025 : memref<1x64xi32, #tpu.memory_space<vmem>> -> memref<64xi32, #tpu.memory_space<vmem>>
        %dma_wait3A_1027 = arith.constant 0 : i32
        %dma_wait3A_1028 = arith.constant 0 : i32
        %dma_wait3A_1029 = tpu.memref_slice %arg19[%dma_wait3A_1027, %dma_wait3A_1028] : memref<10240x128xf32, #tpu.memory_space<vmem_shared>> -> memref<10240x128xf32, #tpu.memory_space<vmem_shared>>
        tpu.wait_indirect_dma semaphore(%arg32 : memref<!tpu.dma_semaphore, #tpu.memory_space<semaphore_mem>>) src(%arg16 : memref<64x128xf32, #tpu.memory_space<vmem>>) dst(%dma_wait3A_1029 : memref<10240x128xf32, #tpu.memory_space<vmem_shared>>)
      } else {
      }
      %add3A_655 = arith.constant 5 : i32
      %add3A_656 = arith.addi %add3A_649, %add3A_655 : i32
      %lt3A_657 = arith.constant 156 : i32
      %lt3A_658 = arith.cmpi slt, %add3A_656, %lt3A_657 : i32
      %convert_element_type3A_659 = arith.extui %lt3A_658 : i1 to i32
      %cond3A_660 = arith.constant 0 : i32
      %cond3A_661 = arith.cmpi ne, %convert_element_type3A_659, %cond3A_660 : i32
      scf.if %cond3A_661 {
        %add3A_1023 = arith.addi %mul3A_4, %add3A_649 : i32
        %add3A_1024 = arith.constant 5 : i32
        %add3A_1025 = arith.addi %add3A_1023, %add3A_1024 : i32
        %dma_start3A_1026 = arith.constant 0 : i32
        %dma_start3A_1027 = arith.constant 0 : i32
        %dma_start3A_1028 = tpu.memref_slice %arg3[%dma_start3A_1026, %add3A_1025, %dma_start3A_1027] : memref<2x5000x64xi32, #tpu.memory_space<hbm>> -> memref<2x1x64xi32, #tpu.memory_space<hbm>>
        %dma_start3A_1029 = tpu.memref_squeeze %dma_start3A_1028 : memref<2x1x64xi32, #tpu.memory_space<hbm>> -> memref<2x64xi32, #tpu.memory_space<hbm>>
        %dma_start3A_1030 = arith.constant 0 : i32
        %dma_start3A_1031 = arith.constant 0 : i32
        %dma_start3A_1032 = tpu.memref_slice %arg3[%dma_start3A_1030, %add3A_1025, %dma_start3A_1031] : memref<2x5000x64xi32, #tpu.memory_space<hbm>> -> memref<2x1x64xi32, #tpu.memory_space<hbm>>
        %dma_start3A_1033 = tpu.memref_squeeze %dma_start3A_1032 : memref<2x1x64xi32, #tpu.memory_space<hbm>> -> memref<2x64xi32, #tpu.memory_space<hbm>>
        tpu.enqueue_dma source(%dma_start3A_1033 : memref<2x64xi32, #tpu.memory_space<hbm>>) target(%arg8 : memref<2x64xi32, #tpu.memory_space<vmem>>) target_semaphore(%arg20 : memref<!tpu.dma_semaphore, #tpu.memory_space<semaphore_mem>>)
      } else {
      }
      %add3A_662 = arith.constant 3 : i32
      %add3A_663 = arith.addi %add3A_649, %add3A_662 : i32
      %lt3A_664 = arith.constant 156 : i32
      %lt3A_665 = arith.cmpi slt, %add3A_663, %lt3A_664 : i32
      %convert_element_type3A_666 = arith.extui %lt3A_665 : i1 to i32
      %cond3A_667 = arith.constant 0 : i32
      %cond3A_668 = arith.cmpi ne, %convert_element_type3A_666, %cond3A_667 : i32
      scf.if %cond3A_668 {
        %dma_wait3A_1023 = arith.constant 0 : i32
        %dma_wait3A_1024 = arith.constant 0 : i32
        %dma_wait3A_1025 = arith.constant 0 : i32
        %dma_wait3A_1026 = tpu.memref_slice %arg3[%dma_wait3A_1024, %dma_wait3A_1023, %dma_wait3A_1025] : memref<2x5000x64xi32, #tpu.memory_space<hbm>> -> memref<2x1x64xi32, #tpu.memory_space<hbm>>
        %dma_wait3A_1027 = tpu.memref_squeeze %dma_wait3A_1026 : memref<2x1x64xi32, #tpu.memory_space<hbm>> -> memref<2x64xi32, #tpu.memory_space<hbm>>
        %dma_wait3A_1028 = arith.constant 0 : i32
        %dma_wait3A_1029 = arith.constant 0 : i32
        %dma_wait3A_1030 = tpu.memref_slice %arg3[%dma_wait3A_1028, %dma_wait3A_1023, %dma_wait3A_1029] : memref<2x5000x64xi32, #tpu.memory_space<hbm>> -> memref<2x1x64xi32, #tpu.memory_space<hbm>>
        %dma_wait3A_1031 = tpu.memref_squeeze %dma_wait3A_1030 : memref<2x1x64xi32, #tpu.memory_space<hbm>> -> memref<2x64xi32, #tpu.memory_space<hbm>>
        tpu.wait_dma2 semaphore(%arg24 : memref<!tpu.dma_semaphore, #tpu.memory_space<semaphore_mem>>) src(%dma_wait3A_1031 : memref<2x64xi32, #tpu.memory_space<hbm>>) dst(%arg12 : memref<2x64xi32, #tpu.memory_space<vmem>>)
        %dma_start3A_1032 = arith.constant 0 : i32
        %dma_start3A_1033 = arith.constant 0 : i32
        %dma_start3A_1034 = tpu.memref_slice %arg12[%dma_start3A_1032, %dma_start3A_1033] : memref<2x64xi32, #tpu.memory_space<vmem>> -> memref<1x64xi32, #tpu.memory_space<vmem>>
        %dma_start3A_1035 = tpu.memref_squeeze %dma_start3A_1034 : memref<1x64xi32, #tpu.memory_space<vmem>> -> memref<64xi32, #tpu.memory_space<vmem>>
        %dma_start3A_1036 = arith.constant 0 : i32
        %dma_start3A_1037 = arith.constant 0 : i32
        %dma_start3A_1038 = tpu.memref_slice %arg2[%dma_start3A_1036, %dma_start3A_1037] : memref<10000x128xf32, #tpu.memory_space<hbm>> -> memref<10000x128xf32, #tpu.memory_space<hbm>>
        tpu.enqueue_indirect_dma source(%dma_start3A_1038 : memref<10000x128xf32, #tpu.memory_space<hbm>>) target(%arg16 : memref<64x128xf32, #tpu.memory_space<vmem>>) offsets(%dma_start3A_1035 : memref<64xi32, #tpu.memory_space<vmem>>) semaphore(%arg28 : memref<!tpu.dma_semaphore, #tpu.memory_space<semaphore_mem>>)
      } else {
      }
      %dma_wait3A_669 = arith.constant 0 : i32
      %dma_wait3A_670 = arith.constant 0 : i32
      %dma_wait3A_671 = tpu.memref_slice %arg9[%dma_wait3A_669, %dma_wait3A_670] : memref<2x64xi32, #tpu.memory_space<vmem>> -> memref<1x64xi32, #tpu.memory_space<vmem>>
      %dma_wait3A_672 = tpu.memref_squeeze %dma_wait3A_671 : memref<1x64xi32, #tpu.memory_space<vmem>> -> memref<64xi32, #tpu.memory_space<vmem>>
      %dma_wait3A_673 = arith.constant 0 : i32
      %dma_wait3A_674 = arith.constant 0 : i32
      %dma_wait3A_675 = tpu.memref_slice %arg2[%dma_wait3A_673, %dma_wait3A_674] : memref<10000x128xf32, #tpu.memory_space<hbm>> -> memref<10000x128xf32, #tpu.memory_space<hbm>>
      tpu.wait_indirect_dma semaphore(%arg29 : memref<!tpu.dma_semaphore, #tpu.memory_space<semaphore_mem>>) src(%dma_wait3A_675 : memref<10000x128xf32, #tpu.memory_space<hbm>>) dst(%arg17 : memref<64x128xf32, #tpu.memory_space<vmem>>)
      %dma_start3A_676 = arith.constant 1 : i32
      %dma_start3A_677 = arith.constant 0 : i32
      %dma_start3A_678 = tpu.memref_slice %arg9[%dma_start3A_676, %dma_start3A_677] : memref<2x64xi32, #tpu.memory_space<vmem>> -> memref<1x64xi32, #tpu.memory_space<vmem>>
      %dma_start3A_679 = tpu.memref_squeeze %dma_start3A_678 : memref<1x64xi32, #tpu.memory_space<vmem>> -> memref<64xi32, #tpu.memory_space<vmem>>
      %dma_start3A_680 = arith.constant 0 : i32
      %dma_start3A_681 = arith.constant 0 : i32
      %dma_start3A_682 = tpu.memref_slice %arg19[%dma_start3A_680, %dma_start3A_681] : memref<10240x128xf32, #tpu.memory_space<vmem_shared>> -> memref<10240x128xf32, #tpu.memory_space<vmem_shared>>
      tpu.enqueue_indirect_dma source(%arg17 : memref<64x128xf32, #tpu.memory_space<vmem>>) target(%dma_start3A_682 : memref<10240x128xf32, #tpu.memory_space<vmem_shared>>) offsets(%dma_start3A_679 : memref<64xi32, #tpu.memory_space<vmem>>) semaphore(%arg33 : memref<!tpu.dma_semaphore, #tpu.memory_space<semaphore_mem>>) {add = true}
      %get3A_683 = arith.constant 1 : i32
      %get3A_684 = arith.index_cast %get3A_683 : i32 to index
      %get3A_685 = arith.constant 0 : index
      %get3A_686 = tpu.vector_load %arg9[%get3A_684, %get3A_685] {strides = array<i32>} : memref<2x64xi32, #tpu.memory_space<vmem>>, vector<16xi32>,
      %shift_right_logical3A_687 = arith.constant 7 : i32
      %shift_right_logical3A_688 = vector.broadcast %shift_right_logical3A_687 : i32 to vector<16xi32>
      %shift_right_logical3A_689 = arith.shrui %get3A_686, %shift_right_logical3A_688 : vector<16xi32>
      %and3A_690 = arith.constant 127 : i32
      %and3A_691 = vector.broadcast %and3A_690 : i32 to vector<16xi32>
      %and3A_692 = arith.andi %get3A_686, %and3A_691 : vector<16xi32>
      tpu.vector_store_idx %arg18[%shift_right_logical3A_689, %and3A_692], %broadcast_in_dim3A_6 {add = true} : memref<80x128xf32, #tpu.memory_space<vmem>>[vector<16xi32>, vector<16xi32>], vector<16xf32>,
      %get3A_693 = arith.constant 1 : i32
      %get3A_694 = arith.index_cast %get3A_693 : i32 to index
      %get3A_695 = arith.constant 16 : index
      %get3A_696 = tpu.vector_load %arg9[%get3A_694, %get3A_695] {strides = array<i32>} : memref<2x64xi32, #tpu.memory_space<vmem>>, vector<16xi32>,
      %shift_right_logical3A_697 = arith.constant 7 : i32
      %shift_right_logical3A_698 = vector.broadcast %shift_right_logical3A_697 : i32 to vector<16xi32>
      %shift_right_logical3A_699 = arith.shrui %get3A_696, %shift_right_logical3A_698 : vector<16xi32>
      %and3A_700 = arith.constant 127 : i32
      %and3A_701 = vector.broadcast %and3A_700 : i32 to vector<16xi32>
      %and3A_702 = arith.andi %get3A_696, %and3A_701 : vector<16xi32>
      tpu.vector_store_idx %arg18[%shift_right_logical3A_699, %and3A_702], %broadcast_in_dim3A_6 {add = true} : memref<80x128xf32, #tpu.memory_space<vmem>>[vector<16xi32>, vector<16xi32>], vector<16xf32>,
      %get3A_703 = arith.constant 1 : i32
      %get3A_704 = arith.index_cast %get3A_703 : i32 to index
      %get3A_705 = arith.constant 32 : index
      %get3A_706 = tpu.vector_load %arg9[%get3A_704, %get3A_705] {strides = array<i32>} : memref<2x64xi32, #tpu.memory_space<vmem>>, vector<16xi32>,
      %shift_right_logical3A_707 = arith.constant 7 : i32
      %shift_right_logical3A_708 = vector.broadcast %shift_right_logical3A_707 : i32 to vector<16xi32>
      %shift_right_logical3A_709 = arith.shrui %get3A_706, %shift_right_logical3A_708 : vector<16xi32>
      %and3A_710 = arith.constant 127 : i32
      %and3A_711 = vector.broadcast %and3A_710 : i32 to vector<16xi32>
      %and3A_712 = arith.andi %get3A_706, %and3A_711 : vector<16xi32>
      tpu.vector_store_idx %arg18[%shift_right_logical3A_709, %and3A_712], %broadcast_in_dim3A_6 {add = true} : memref<80x128xf32, #tpu.memory_space<vmem>>[vector<16xi32>, vector<16xi32>], vector<16xf32>,
      %get3A_713 = arith.constant 1 : i32
      %get3A_714 = arith.index_cast %get3A_713 : i32 to index
      %get3A_715 = arith.constant 48 : index
      %get3A_716 = tpu.vector_load %arg9[%get3A_714, %get3A_715] {strides = array<i32>} : memref<2x64xi32, #tpu.memory_space<vmem>>, vector<16xi32>,
      %shift_right_logical3A_717 = arith.constant 7 : i32
      %shift_right_logical3A_718 = vector.broadcast %shift_right_logical3A_717 : i32 to vector<16xi32>
      %shift_right_logical3A_719 = arith.shrui %get3A_716, %shift_right_logical3A_718 : vector<16xi32>
      %and3A_720 = arith.constant 127 : i32
      %and3A_721 = vector.broadcast %and3A_720 : i32 to vector<16xi32>
      %and3A_722 = arith.andi %get3A_716, %and3A_721 : vector<16xi32>
      tpu.vector_store_idx %arg18[%shift_right_logical3A_719, %and3A_722], %broadcast_in_dim3A_6 {add = true} : memref<80x128xf32, #tpu.memory_space<vmem>>[vector<16xi32>, vector<16xi32>], vector<16xf32>,
      %add3A_723 = arith.constant 8 : i32
      %add3A_724 = arith.addi %mul3A_126, %add3A_723 : i32
      %ge3A_725 = arith.constant 1 : i32
      %ge3A_726 = arith.cmpi sge, %add3A_724, %ge3A_725 : i32
      %convert_element_type3A_727 = arith.extui %ge3A_726 : i1 to i32
      %cond3A_728 = arith.constant 0 : i32
      %cond3A_729 = arith.cmpi ne, %convert_element_type3A_727, %cond3A_728 : i32
      scf.if %cond3A_729 {
        %dma_wait3A_1023 = arith.constant 1 : i32
        %dma_wait3A_1024 = arith.constant 0 : i32
        %dma_wait3A_1025 = tpu.memref_slice %arg9[%dma_wait3A_1023, %dma_wait3A_1024] : memref<2x64xi32, #tpu.memory_space<vmem>> -> memref<1x64xi32, #tpu.memory_space<vmem>>
        %dma_wait3A_1026 = tpu.memref_squeeze %dma_wait3A_1025 : memref<1x64xi32, #tpu.memory_space<vmem>> -> memref<64xi32, #tpu.memory_space<vmem>>
        %dma_wait3A_1027 = arith.constant 0 : i32
        %dma_wait3A_1028 = arith.constant 0 : i32
        %dma_wait3A_1029 = tpu.memref_slice %arg19[%dma_wait3A_1027, %dma_wait3A_1028] : memref<10240x128xf32, #tpu.memory_space<vmem_shared>> -> memref<10240x128xf32, #tpu.memory_space<vmem_shared>>
        tpu.wait_indirect_dma semaphore(%arg33 : memref<!tpu.dma_semaphore, #tpu.memory_space<semaphore_mem>>) src(%arg17 : memref<64x128xf32, #tpu.memory_space<vmem>>) dst(%dma_wait3A_1029 : memref<10240x128xf32, #tpu.memory_space<vmem_shared>>)
      } else {
      }
      %add3A_730 = arith.constant 5 : i32
      %add3A_731 = arith.addi %add3A_724, %add3A_730 : i32
      %lt3A_732 = arith.constant 156 : i32
      %lt3A_733 = arith.cmpi slt, %add3A_731, %lt3A_732 : i32
      %convert_element_type3A_734 = arith.extui %lt3A_733 : i1 to i32
      %cond3A_735 = arith.constant 0 : i32
      %cond3A_736 = arith.cmpi ne, %convert_element_type3A_734, %cond3A_735 : i32
      scf.if %cond3A_736 {
        %add3A_1023 = arith.addi %mul3A_4, %add3A_724 : i32
        %add3A_1024 = arith.constant 5 : i32
        %add3A_1025 = arith.addi %add3A_1023, %add3A_1024 : i32
        %dma_start3A_1026 = arith.constant 0 : i32
        %dma_start3A_1027 = arith.constant 0 : i32
        %dma_start3A_1028 = tpu.memref_slice %arg3[%dma_start3A_1026, %add3A_1025, %dma_start3A_1027] : memref<2x5000x64xi32, #tpu.memory_space<hbm>> -> memref<2x1x64xi32, #tpu.memory_space<hbm>>
        %dma_start3A_1029 = tpu.memref_squeeze %dma_start3A_1028 : memref<2x1x64xi32, #tpu.memory_space<hbm>> -> memref<2x64xi32, #tpu.memory_space<hbm>>
        %dma_start3A_1030 = arith.constant 0 : i32
        %dma_start3A_1031 = arith.constant 0 : i32
        %dma_start3A_1032 = tpu.memref_slice %arg3[%dma_start3A_1030, %add3A_1025, %dma_start3A_1031] : memref<2x5000x64xi32, #tpu.memory_space<hbm>> -> memref<2x1x64xi32, #tpu.memory_space<hbm>>
        %dma_start3A_1033 = tpu.memref_squeeze %dma_start3A_1032 : memref<2x1x64xi32, #tpu.memory_space<hbm>> -> memref<2x64xi32, #tpu.memory_space<hbm>>
        tpu.enqueue_dma source(%dma_start3A_1033 : memref<2x64xi32, #tpu.memory_space<hbm>>) target(%arg9 : memref<2x64xi32, #tpu.memory_space<vmem>>) target_semaphore(%arg21 : memref<!tpu.dma_semaphore, #tpu.memory_space<semaphore_mem>>)
      } else {
      }
      %add3A_737 = arith.constant 3 : i32
      %add3A_738 = arith.addi %add3A_724, %add3A_737 : i32
      %lt3A_739 = arith.constant 156 : i32
      %lt3A_740 = arith.cmpi slt, %add3A_738, %lt3A_739 : i32
      %convert_element_type3A_741 = arith.extui %lt3A_740 : i1 to i32
      %cond3A_742 = arith.constant 0 : i32
      %cond3A_743 = arith.cmpi ne, %convert_element_type3A_741, %cond3A_742 : i32
      scf.if %cond3A_743 {
        %dma_wait3A_1023 = arith.constant 0 : i32
        %dma_wait3A_1024 = arith.constant 0 : i32
        %dma_wait3A_1025 = arith.constant 0 : i32
        %dma_wait3A_1026 = tpu.memref_slice %arg3[%dma_wait3A_1024, %dma_wait3A_1023, %dma_wait3A_1025] : memref<2x5000x64xi32, #tpu.memory_space<hbm>> -> memref<2x1x64xi32, #tpu.memory_space<hbm>>
        %dma_wait3A_1027 = tpu.memref_squeeze %dma_wait3A_1026 : memref<2x1x64xi32, #tpu.memory_space<hbm>> -> memref<2x64xi32, #tpu.memory_space<hbm>>
        %dma_wait3A_1028 = arith.constant 0 : i32
        %dma_wait3A_1029 = arith.constant 0 : i32
        %dma_wait3A_1030 = tpu.memref_slice %arg3[%dma_wait3A_1028, %dma_wait3A_1023, %dma_wait3A_1029] : memref<2x5000x64xi32, #tpu.memory_space<hbm>> -> memref<2x1x64xi32, #tpu.memory_space<hbm>>
        %dma_wait3A_1031 = tpu.memref_squeeze %dma_wait3A_1030 : memref<2x1x64xi32, #tpu.memory_space<hbm>> -> memref<2x64xi32, #tpu.memory_space<hbm>>
        tpu.wait_dma2 semaphore(%arg25 : memref<!tpu.dma_semaphore, #tpu.memory_space<semaphore_mem>>) src(%dma_wait3A_1031 : memref<2x64xi32, #tpu.memory_space<hbm>>) dst(%arg13 : memref<2x64xi32, #tpu.memory_space<vmem>>)
        %dma_start3A_1032 = arith.constant 0 : i32
        %dma_start3A_1033 = arith.constant 0 : i32
        %dma_start3A_1034 = tpu.memref_slice %arg13[%dma_start3A_1032, %dma_start3A_1033] : memref<2x64xi32, #tpu.memory_space<vmem>> -> memref<1x64xi32, #tpu.memory_space<vmem>>
        %dma_start3A_1035 = tpu.memref_squeeze %dma_start3A_1034 : memref<1x64xi32, #tpu.memory_space<vmem>> -> memref<64xi32, #tpu.memory_space<vmem>>
        %dma_start3A_1036 = arith.constant 0 : i32
        %dma_start3A_1037 = arith.constant 0 : i32
        %dma_start3A_1038 = tpu.memref_slice %arg2[%dma_start3A_1036, %dma_start3A_1037] : memref<10000x128xf32, #tpu.memory_space<hbm>> -> memref<10000x128xf32, #tpu.memory_space<hbm>>
        tpu.enqueue_indirect_dma source(%dma_start3A_1038 : memref<10000x128xf32, #tpu.memory_space<hbm>>) target(%arg17 : memref<64x128xf32, #tpu.memory_space<vmem>>) offsets(%dma_start3A_1035 : memref<64xi32, #tpu.memory_space<vmem>>) semaphore(%arg29 : memref<!tpu.dma_semaphore, #tpu.memory_space<semaphore_mem>>)
      } else {
      }
      %dma_wait3A_744 = arith.constant 0 : i32
      %dma_wait3A_745 = arith.constant 0 : i32
      %dma_wait3A_746 = tpu.memref_slice %arg10[%dma_wait3A_744, %dma_wait3A_745] : memref<2x64xi32, #tpu.memory_space<vmem>> -> memref<1x64xi32, #tpu.memory_space<vmem>>
      %dma_wait3A_747 = tpu.memref_squeeze %dma_wait3A_746 : memref<1x64xi32, #tpu.memory_space<vmem>> -> memref<64xi32, #tpu.memory_space<vmem>>
      %dma_wait3A_748 = arith.constant 0 : i32
      %dma_wait3A_749 = arith.constant 0 : i32
      %dma_wait3A_750 = tpu.memref_slice %arg2[%dma_wait3A_748, %dma_wait3A_749] : memref<10000x128xf32, #tpu.memory_space<hbm>> -> memref<10000x128xf32, #tpu.memory_space<hbm>>
      tpu.wait_indirect_dma semaphore(%arg26 : memref<!tpu.dma_semaphore, #tpu.memory_space<semaphore_mem>>) src(%dma_wait3A_750 : memref<10000x128xf32, #tpu.memory_space<hbm>>) dst(%arg14 : memref<64x128xf32, #tpu.memory_space<vmem>>)
      %dma_start3A_751 = arith.constant 1 : i32
      %dma_start3A_752 = arith.constant 0 : i32
      %dma_start3A_753 = tpu.memref_slice %arg10[%dma_start3A_751, %dma_start3A_752] : memref<2x64xi32, #tpu.memory_space<vmem>> -> memref<1x64xi32, #tpu.memory_space<vmem>>
      %dma_start3A_754 = tpu.memref_squeeze %dma_start3A_753 : memref<1x64xi32, #tpu.memory_space<vmem>> -> memref<64xi32, #tpu.memory_space<vmem>>
      %dma_start3A_755 = arith.constant 0 : i32
      %dma_start3A_756 = arith.constant 0 : i32
      %dma_start3A_757 = tpu.memref_slice %arg19[%dma_start3A_755, %dma_start3A_756] : memref<10240x128xf32, #tpu.memory_space<vmem_shared>> -> memref<10240x128xf32, #tpu.memory_space<vmem_shared>>
      tpu.enqueue_indirect_dma source(%arg14 : memref<64x128xf32, #tpu.memory_space<vmem>>) target(%dma_start3A_757 : memref<10240x128xf32, #tpu.memory_space<vmem_shared>>) offsets(%dma_start3A_754 : memref<64xi32, #tpu.memory_space<vmem>>) semaphore(%arg30 : memref<!tpu.dma_semaphore, #tpu.memory_space<semaphore_mem>>) {add = true}
      %get3A_758 = arith.constant 1 : i32
      %get3A_759 = arith.index_cast %get3A_758 : i32 to index
      %get3A_760 = arith.constant 0 : index
      %get3A_761 = tpu.vector_load %arg10[%get3A_759, %get3A_760] {strides = array<i32>} : memref<2x64xi32, #tpu.memory_space<vmem>>, vector<16xi32>,
      %shift_right_logical3A_762 = arith.constant 7 : i32
      %shift_right_logical3A_763 = vector.broadcast %shift_right_logical3A_762 : i32 to vector<16xi32>
      %shift_right_logical3A_764 = arith.shrui %get3A_761, %shift_right_logical3A_763 : vector<16xi32>
      %and3A_765 = arith.constant 127 : i32
      %and3A_766 = vector.broadcast %and3A_765 : i32 to vector<16xi32>
      %and3A_767 = arith.andi %get3A_761, %and3A_766 : vector<16xi32>
      tpu.vector_store_idx %arg18[%shift_right_logical3A_764, %and3A_767], %broadcast_in_dim3A_6 {add = true} : memref<80x128xf32, #tpu.memory_space<vmem>>[vector<16xi32>, vector<16xi32>], vector<16xf32>,
      %get3A_768 = arith.constant 1 : i32
      %get3A_769 = arith.index_cast %get3A_768 : i32 to index
      %get3A_770 = arith.constant 16 : index
      %get3A_771 = tpu.vector_load %arg10[%get3A_769, %get3A_770] {strides = array<i32>} : memref<2x64xi32, #tpu.memory_space<vmem>>, vector<16xi32>,
      %shift_right_logical3A_772 = arith.constant 7 : i32
      %shift_right_logical3A_773 = vector.broadcast %shift_right_logical3A_772 : i32 to vector<16xi32>
      %shift_right_logical3A_774 = arith.shrui %get3A_771, %shift_right_logical3A_773 : vector<16xi32>
      %and3A_775 = arith.constant 127 : i32
      %and3A_776 = vector.broadcast %and3A_775 : i32 to vector<16xi32>
      %and3A_777 = arith.andi %get3A_771, %and3A_776 : vector<16xi32>
      tpu.vector_store_idx %arg18[%shift_right_logical3A_774, %and3A_777], %broadcast_in_dim3A_6 {add = true} : memref<80x128xf32, #tpu.memory_space<vmem>>[vector<16xi32>, vector<16xi32>], vector<16xf32>,
      %get3A_778 = arith.constant 1 : i32
      %get3A_779 = arith.index_cast %get3A_778 : i32 to index
      %get3A_780 = arith.constant 32 : index
      %get3A_781 = tpu.vector_load %arg10[%get3A_779, %get3A_780] {strides = array<i32>} : memref<2x64xi32, #tpu.memory_space<vmem>>, vector<16xi32>,
      %shift_right_logical3A_782 = arith.constant 7 : i32
      %shift_right_logical3A_783 = vector.broadcast %shift_right_logical3A_782 : i32 to vector<16xi32>
      %shift_right_logical3A_784 = arith.shrui %get3A_781, %shift_right_logical3A_783 : vector<16xi32>
      %and3A_785 = arith.constant 127 : i32
      %and3A_786 = vector.broadcast %and3A_785 : i32 to vector<16xi32>
      %and3A_787 = arith.andi %get3A_781, %and3A_786 : vector<16xi32>
      tpu.vector_store_idx %arg18[%shift_right_logical3A_784, %and3A_787], %broadcast_in_dim3A_6 {add = true} : memref<80x128xf32, #tpu.memory_space<vmem>>[vector<16xi32>, vector<16xi32>], vector<16xf32>,
      %get3A_788 = arith.constant 1 : i32
      %get3A_789 = arith.index_cast %get3A_788 : i32 to index
      %get3A_790 = arith.constant 48 : index
      %get3A_791 = tpu.vector_load %arg10[%get3A_789, %get3A_790] {strides = array<i32>} : memref<2x64xi32, #tpu.memory_space<vmem>>, vector<16xi32>,
      %shift_right_logical3A_792 = arith.constant 7 : i32
      %shift_right_logical3A_793 = vector.broadcast %shift_right_logical3A_792 : i32 to vector<16xi32>
      %shift_right_logical3A_794 = arith.shrui %get3A_791, %shift_right_logical3A_793 : vector<16xi32>
      %and3A_795 = arith.constant 127 : i32
      %and3A_796 = vector.broadcast %and3A_795 : i32 to vector<16xi32>
      %and3A_797 = arith.andi %get3A_791, %and3A_796 : vector<16xi32>
      tpu.vector_store_idx %arg18[%shift_right_logical3A_794, %and3A_797], %broadcast_in_dim3A_6 {add = true} : memref<80x128xf32, #tpu.memory_space<vmem>>[vector<16xi32>, vector<16xi32>], vector<16xf32>,
      %add3A_798 = arith.constant 9 : i32
      %add3A_799 = arith.addi %mul3A_126, %add3A_798 : i32
      %ge3A_800 = arith.constant 1 : i32
      %ge3A_801 = arith.cmpi sge, %add3A_799, %ge3A_800 : i32
      %convert_element_type3A_802 = arith.extui %ge3A_801 : i1 to i32
      %cond3A_803 = arith.constant 0 : i32
      %cond3A_804 = arith.cmpi ne, %convert_element_type3A_802, %cond3A_803 : i32
      scf.if %cond3A_804 {
        %dma_wait3A_1023 = arith.constant 1 : i32
        %dma_wait3A_1024 = arith.constant 0 : i32
        %dma_wait3A_1025 = tpu.memref_slice %arg10[%dma_wait3A_1023, %dma_wait3A_1024] : memref<2x64xi32, #tpu.memory_space<vmem>> -> memref<1x64xi32, #tpu.memory_space<vmem>>
        %dma_wait3A_1026 = tpu.memref_squeeze %dma_wait3A_1025 : memref<1x64xi32, #tpu.memory_space<vmem>> -> memref<64xi32, #tpu.memory_space<vmem>>
        %dma_wait3A_1027 = arith.constant 0 : i32
        %dma_wait3A_1028 = arith.constant 0 : i32
        %dma_wait3A_1029 = tpu.memref_slice %arg19[%dma_wait3A_1027, %dma_wait3A_1028] : memref<10240x128xf32, #tpu.memory_space<vmem_shared>> -> memref<10240x128xf32, #tpu.memory_space<vmem_shared>>
        tpu.wait_indirect_dma semaphore(%arg30 : memref<!tpu.dma_semaphore, #tpu.memory_space<semaphore_mem>>) src(%arg14 : memref<64x128xf32, #tpu.memory_space<vmem>>) dst(%dma_wait3A_1029 : memref<10240x128xf32, #tpu.memory_space<vmem_shared>>)
      } else {
      }
      %add3A_805 = arith.constant 5 : i32
      %add3A_806 = arith.addi %add3A_799, %add3A_805 : i32
      %lt3A_807 = arith.constant 156 : i32
      %lt3A_808 = arith.cmpi slt, %add3A_806, %lt3A_807 : i32
      %convert_element_type3A_809 = arith.extui %lt3A_808 : i1 to i32
      %cond3A_810 = arith.constant 0 : i32
      %cond3A_811 = arith.cmpi ne, %convert_element_type3A_809, %cond3A_810 : i32
      scf.if %cond3A_811 {
        %add3A_1023 = arith.addi %mul3A_4, %add3A_799 : i32
        %add3A_1024 = arith.constant 5 : i32
        %add3A_1025 = arith.addi %add3A_1023, %add3A_1024 : i32
        %dma_start3A_1026 = arith.constant 0 : i32
        %dma_start3A_1027 = arith.constant 0 : i32
        %dma_start3A_1028 = tpu.memref_slice %arg3[%dma_start3A_1026, %add3A_1025, %dma_start3A_1027] : memref<2x5000x64xi32, #tpu.memory_space<hbm>> -> memref<2x1x64xi32, #tpu.memory_space<hbm>>
        %dma_start3A_1029 = tpu.memref_squeeze %dma_start3A_1028 : memref<2x1x64xi32, #tpu.memory_space<hbm>> -> memref<2x64xi32, #tpu.memory_space<hbm>>
        %dma_start3A_1030 = arith.constant 0 : i32
        %dma_start3A_1031 = arith.constant 0 : i32
        %dma_start3A_1032 = tpu.memref_slice %arg3[%dma_start3A_1030, %add3A_1025, %dma_start3A_1031] : memref<2x5000x64xi32, #tpu.memory_space<hbm>> -> memref<2x1x64xi32, #tpu.memory_space<hbm>>
        %dma_start3A_1033 = tpu.memref_squeeze %dma_start3A_1032 : memref<2x1x64xi32, #tpu.memory_space<hbm>> -> memref<2x64xi32, #tpu.memory_space<hbm>>
        tpu.enqueue_dma source(%dma_start3A_1033 : memref<2x64xi32, #tpu.memory_space<hbm>>) target(%arg10 : memref<2x64xi32, #tpu.memory_space<vmem>>) target_semaphore(%arg22 : memref<!tpu.dma_semaphore, #tpu.memory_space<semaphore_mem>>)
      } else {
      }
      %add3A_812 = arith.constant 3 : i32
      %add3A_813 = arith.addi %add3A_799, %add3A_812 : i32
      %lt3A_814 = arith.constant 156 : i32
      %lt3A_815 = arith.cmpi slt, %add3A_813, %lt3A_814 : i32
      %convert_element_type3A_816 = arith.extui %lt3A_815 : i1 to i32
      %cond3A_817 = arith.constant 0 : i32
      %cond3A_818 = arith.cmpi ne, %convert_element_type3A_816, %cond3A_817 : i32
      scf.if %cond3A_818 {
        %dma_wait3A_1023 = arith.constant 0 : i32
        %dma_wait3A_1024 = arith.constant 0 : i32
        %dma_wait3A_1025 = arith.constant 0 : i32
        %dma_wait3A_1026 = tpu.memref_slice %arg3[%dma_wait3A_1024, %dma_wait3A_1023, %dma_wait3A_1025] : memref<2x5000x64xi32, #tpu.memory_space<hbm>> -> memref<2x1x64xi32, #tpu.memory_space<hbm>>
        %dma_wait3A_1027 = tpu.memref_squeeze %dma_wait3A_1026 : memref<2x1x64xi32, #tpu.memory_space<hbm>> -> memref<2x64xi32, #tpu.memory_space<hbm>>
        %dma_wait3A_1028 = arith.constant 0 : i32
        %dma_wait3A_1029 = arith.constant 0 : i32
        %dma_wait3A_1030 = tpu.memref_slice %arg3[%dma_wait3A_1028, %dma_wait3A_1023, %dma_wait3A_1029] : memref<2x5000x64xi32, #tpu.memory_space<hbm>> -> memref<2x1x64xi32, #tpu.memory_space<hbm>>
        %dma_wait3A_1031 = tpu.memref_squeeze %dma_wait3A_1030 : memref<2x1x64xi32, #tpu.memory_space<hbm>> -> memref<2x64xi32, #tpu.memory_space<hbm>>
        tpu.wait_dma2 semaphore(%arg20 : memref<!tpu.dma_semaphore, #tpu.memory_space<semaphore_mem>>) src(%dma_wait3A_1031 : memref<2x64xi32, #tpu.memory_space<hbm>>) dst(%arg8 : memref<2x64xi32, #tpu.memory_space<vmem>>)
        %dma_start3A_1032 = arith.constant 0 : i32
        %dma_start3A_1033 = arith.constant 0 : i32
        %dma_start3A_1034 = tpu.memref_slice %arg8[%dma_start3A_1032, %dma_start3A_1033] : memref<2x64xi32, #tpu.memory_space<vmem>> -> memref<1x64xi32, #tpu.memory_space<vmem>>
        %dma_start3A_1035 = tpu.memref_squeeze %dma_start3A_1034 : memref<1x64xi32, #tpu.memory_space<vmem>> -> memref<64xi32, #tpu.memory_space<vmem>>
        %dma_start3A_1036 = arith.constant 0 : i32
        %dma_start3A_1037 = arith.constant 0 : i32
        %dma_start3A_1038 = tpu.memref_slice %arg2[%dma_start3A_1036, %dma_start3A_1037] : memref<10000x128xf32, #tpu.memory_space<hbm>> -> memref<10000x128xf32, #tpu.memory_space<hbm>>
        tpu.enqueue_indirect_dma source(%dma_start3A_1038 : memref<10000x128xf32, #tpu.memory_space<hbm>>) target(%arg14 : memref<64x128xf32, #tpu.memory_space<vmem>>) offsets(%dma_start3A_1035 : memref<64xi32, #tpu.memory_space<vmem>>) semaphore(%arg26 : memref<!tpu.dma_semaphore, #tpu.memory_space<semaphore_mem>>)
      } else {
      }
      %dma_wait3A_819 = arith.constant 0 : i32
      %dma_wait3A_820 = arith.constant 0 : i32
      %dma_wait3A_821 = tpu.memref_slice %arg11[%dma_wait3A_819, %dma_wait3A_820] : memref<2x64xi32, #tpu.memory_space<vmem>> -> memref<1x64xi32, #tpu.memory_space<vmem>>
      %dma_wait3A_822 = tpu.memref_squeeze %dma_wait3A_821 : memref<1x64xi32, #tpu.memory_space<vmem>> -> memref<64xi32, #tpu.memory_space<vmem>>
      %dma_wait3A_823 = arith.constant 0 : i32
      %dma_wait3A_824 = arith.constant 0 : i32
      %dma_wait3A_825 = tpu.memref_slice %arg2[%dma_wait3A_823, %dma_wait3A_824] : memref<10000x128xf32, #tpu.memory_space<hbm>> -> memref<10000x128xf32, #tpu.memory_space<hbm>>
      tpu.wait_indirect_dma semaphore(%arg27 : memref<!tpu.dma_semaphore, #tpu.memory_space<semaphore_mem>>) src(%dma_wait3A_825 : memref<10000x128xf32, #tpu.memory_space<hbm>>) dst(%arg15 : memref<64x128xf32, #tpu.memory_space<vmem>>)
      %dma_start3A_826 = arith.constant 1 : i32
      %dma_start3A_827 = arith.constant 0 : i32
      %dma_start3A_828 = tpu.memref_slice %arg11[%dma_start3A_826, %dma_start3A_827] : memref<2x64xi32, #tpu.memory_space<vmem>> -> memref<1x64xi32, #tpu.memory_space<vmem>>
      %dma_start3A_829 = tpu.memref_squeeze %dma_start3A_828 : memref<1x64xi32, #tpu.memory_space<vmem>> -> memref<64xi32, #tpu.memory_space<vmem>>
      %dma_start3A_830 = arith.constant 0 : i32
      %dma_start3A_831 = arith.constant 0 : i32
      %dma_start3A_832 = tpu.memref_slice %arg19[%dma_start3A_830, %dma_start3A_831] : memref<10240x128xf32, #tpu.memory_space<vmem_shared>> -> memref<10240x128xf32, #tpu.memory_space<vmem_shared>>
      tpu.enqueue_indirect_dma source(%arg15 : memref<64x128xf32, #tpu.memory_space<vmem>>) target(%dma_start3A_832 : memref<10240x128xf32, #tpu.memory_space<vmem_shared>>) offsets(%dma_start3A_829 : memref<64xi32, #tpu.memory_space<vmem>>) semaphore(%arg31 : memref<!tpu.dma_semaphore, #tpu.memory_space<semaphore_mem>>) {add = true}
      %get3A_833 = arith.constant 1 : i32
      %get3A_834 = arith.index_cast %get3A_833 : i32 to index
      %get3A_835 = arith.constant 0 : index
      %get3A_836 = tpu.vector_load %arg11[%get3A_834, %get3A_835] {strides = array<i32>} : memref<2x64xi32, #tpu.memory_space<vmem>>, vector<16xi32>,
      %shift_right_logical3A_837 = arith.constant 7 : i32
      %shift_right_logical3A_838 = vector.broadcast %shift_right_logical3A_837 : i32 to vector<16xi32>
      %shift_right_logical3A_839 = arith.shrui %get3A_836, %shift_right_logical3A_838 : vector<16xi32>
      %and3A_840 = arith.constant 127 : i32
      %and3A_841 = vector.broadcast %and3A_840 : i32 to vector<16xi32>
      %and3A_842 = arith.andi %get3A_836, %and3A_841 : vector<16xi32>
      tpu.vector_store_idx %arg18[%shift_right_logical3A_839, %and3A_842], %broadcast_in_dim3A_6 {add = true} : memref<80x128xf32, #tpu.memory_space<vmem>>[vector<16xi32>, vector<16xi32>], vector<16xf32>,
      %get3A_843 = arith.constant 1 : i32
      %get3A_844 = arith.index_cast %get3A_843 : i32 to index
      %get3A_845 = arith.constant 16 : index
      %get3A_846 = tpu.vector_load %arg11[%get3A_844, %get3A_845] {strides = array<i32>} : memref<2x64xi32, #tpu.memory_space<vmem>>, vector<16xi32>,
      %shift_right_logical3A_847 = arith.constant 7 : i32
      %shift_right_logical3A_848 = vector.broadcast %shift_right_logical3A_847 : i32 to vector<16xi32>
      %shift_right_logical3A_849 = arith.shrui %get3A_846, %shift_right_logical3A_848 : vector<16xi32>
      %and3A_850 = arith.constant 127 : i32
      %and3A_851 = vector.broadcast %and3A_850 : i32 to vector<16xi32>
      %and3A_852 = arith.andi %get3A_846, %and3A_851 : vector<16xi32>
      tpu.vector_store_idx %arg18[%shift_right_logical3A_849, %and3A_852], %broadcast_in_dim3A_6 {add = true} : memref<80x128xf32, #tpu.memory_space<vmem>>[vector<16xi32>, vector<16xi32>], vector<16xf32>,
      %get3A_853 = arith.constant 1 : i32
      %get3A_854 = arith.index_cast %get3A_853 : i32 to index
      %get3A_855 = arith.constant 32 : index
      %get3A_856 = tpu.vector_load %arg11[%get3A_854, %get3A_855] {strides = array<i32>} : memref<2x64xi32, #tpu.memory_space<vmem>>, vector<16xi32>,
      %shift_right_logical3A_857 = arith.constant 7 : i32
      %shift_right_logical3A_858 = vector.broadcast %shift_right_logical3A_857 : i32 to vector<16xi32>
      %shift_right_logical3A_859 = arith.shrui %get3A_856, %shift_right_logical3A_858 : vector<16xi32>
      %and3A_860 = arith.constant 127 : i32
      %and3A_861 = vector.broadcast %and3A_860 : i32 to vector<16xi32>
      %and3A_862 = arith.andi %get3A_856, %and3A_861 : vector<16xi32>
      tpu.vector_store_idx %arg18[%shift_right_logical3A_859, %and3A_862], %broadcast_in_dim3A_6 {add = true} : memref<80x128xf32, #tpu.memory_space<vmem>>[vector<16xi32>, vector<16xi32>], vector<16xf32>,
      %get3A_863 = arith.constant 1 : i32
      %get3A_864 = arith.index_cast %get3A_863 : i32 to index
      %get3A_865 = arith.constant 48 : index
      %get3A_866 = tpu.vector_load %arg11[%get3A_864, %get3A_865] {strides = array<i32>} : memref<2x64xi32, #tpu.memory_space<vmem>>, vector<16xi32>,
      %shift_right_logical3A_867 = arith.constant 7 : i32
      %shift_right_logical3A_868 = vector.broadcast %shift_right_logical3A_867 : i32 to vector<16xi32>
      %shift_right_logical3A_869 = arith.shrui %get3A_866, %shift_right_logical3A_868 : vector<16xi32>
      %and3A_870 = arith.constant 127 : i32
      %and3A_871 = vector.broadcast %and3A_870 : i32 to vector<16xi32>
      %and3A_872 = arith.andi %get3A_866, %and3A_871 : vector<16xi32>
      tpu.vector_store_idx %arg18[%shift_right_logical3A_869, %and3A_872], %broadcast_in_dim3A_6 {add = true} : memref<80x128xf32, #tpu.memory_space<vmem>>[vector<16xi32>, vector<16xi32>], vector<16xf32>,
      %add3A_873 = arith.constant 10 : i32
      %add3A_874 = arith.addi %mul3A_126, %add3A_873 : i32
      %ge3A_875 = arith.constant 1 : i32
      %ge3A_876 = arith.cmpi sge, %add3A_874, %ge3A_875 : i32
      %convert_element_type3A_877 = arith.extui %ge3A_876 : i1 to i32
      %cond3A_878 = arith.constant 0 : i32
      %cond3A_879 = arith.cmpi ne, %convert_element_type3A_877, %cond3A_878 : i32
      scf.if %cond3A_879 {
        %dma_wait3A_1023 = arith.constant 1 : i32
        %dma_wait3A_1024 = arith.constant 0 : i32
        %dma_wait3A_1025 = tpu.memref_slice %arg11[%dma_wait3A_1023, %dma_wait3A_1024] : memref<2x64xi32, #tpu.memory_space<vmem>> -> memref<1x64xi32, #tpu.memory_space<vmem>>
        %dma_wait3A_1026 = tpu.memref_squeeze %dma_wait3A_1025 : memref<1x64xi32, #tpu.memory_space<vmem>> -> memref<64xi32, #tpu.memory_space<vmem>>
        %dma_wait3A_1027 = arith.constant 0 : i32
        %dma_wait3A_1028 = arith.constant 0 : i32
        %dma_wait3A_1029 = tpu.memref_slice %arg19[%dma_wait3A_1027, %dma_wait3A_1028] : memref<10240x128xf32, #tpu.memory_space<vmem_shared>> -> memref<10240x128xf32, #tpu.memory_space<vmem_shared>>
        tpu.wait_indirect_dma semaphore(%arg31 : memref<!tpu.dma_semaphore, #tpu.memory_space<semaphore_mem>>) src(%arg15 : memref<64x128xf32, #tpu.memory_space<vmem>>) dst(%dma_wait3A_1029 : memref<10240x128xf32, #tpu.memory_space<vmem_shared>>)
      } else {
      }
      %add3A_880 = arith.constant 5 : i32
      %add3A_881 = arith.addi %add3A_874, %add3A_880 : i32
      %lt3A_882 = arith.constant 156 : i32
      %lt3A_883 = arith.cmpi slt, %add3A_881, %lt3A_882 : i32
      %convert_element_type3A_884 = arith.extui %lt3A_883 : i1 to i32
      %cond3A_885 = arith.constant 0 : i32
      %cond3A_886 = arith.cmpi ne, %convert_element_type3A_884, %cond3A_885 : i32
      scf.if %cond3A_886 {
        %add3A_1023 = arith.addi %mul3A_4, %add3A_874 : i32
        %add3A_1024 = arith.constant 5 : i32
        %add3A_1025 = arith.addi %add3A_1023, %add3A_1024 : i32
        %dma_start3A_1026 = arith.constant 0 : i32
        %dma_start3A_1027 = arith.constant 0 : i32
        %dma_start3A_1028 = tpu.memref_slice %arg3[%dma_start3A_1026, %add3A_1025, %dma_start3A_1027] : memref<2x5000x64xi32, #tpu.memory_space<hbm>> -> memref<2x1x64xi32, #tpu.memory_space<hbm>>
        %dma_start3A_1029 = tpu.memref_squeeze %dma_start3A_1028 : memref<2x1x64xi32, #tpu.memory_space<hbm>> -> memref<2x64xi32, #tpu.memory_space<hbm>>
        %dma_start3A_1030 = arith.constant 0 : i32
        %dma_start3A_1031 = arith.constant 0 : i32
        %dma_start3A_1032 = tpu.memref_slice %arg3[%dma_start3A_1030, %add3A_1025, %dma_start3A_1031] : memref<2x5000x64xi32, #tpu.memory_space<hbm>> -> memref<2x1x64xi32, #tpu.memory_space<hbm>>
        %dma_start3A_1033 = tpu.memref_squeeze %dma_start3A_1032 : memref<2x1x64xi32, #tpu.memory_space<hbm>> -> memref<2x64xi32, #tpu.memory_space<hbm>>
        tpu.enqueue_dma source(%dma_start3A_1033 : memref<2x64xi32, #tpu.memory_space<hbm>>) target(%arg11 : memref<2x64xi32, #tpu.memory_space<vmem>>) target_semaphore(%arg23 : memref<!tpu.dma_semaphore, #tpu.memory_space<semaphore_mem>>)
      } else {
      }
      %add3A_887 = arith.constant 3 : i32
      %add3A_888 = arith.addi %add3A_874, %add3A_887 : i32
      %lt3A_889 = arith.constant 156 : i32
      %lt3A_890 = arith.cmpi slt, %add3A_888, %lt3A_889 : i32
      %convert_element_type3A_891 = arith.extui %lt3A_890 : i1 to i32
      %cond3A_892 = arith.constant 0 : i32
      %cond3A_893 = arith.cmpi ne, %convert_element_type3A_891, %cond3A_892 : i32
      scf.if %cond3A_893 {
        %dma_wait3A_1023 = arith.constant 0 : i32
        %dma_wait3A_1024 = arith.constant 0 : i32
        %dma_wait3A_1025 = arith.constant 0 : i32
        %dma_wait3A_1026 = tpu.memref_slice %arg3[%dma_wait3A_1024, %dma_wait3A_1023, %dma_wait3A_1025] : memref<2x5000x64xi32, #tpu.memory_space<hbm>> -> memref<2x1x64xi32, #tpu.memory_space<hbm>>
        %dma_wait3A_1027 = tpu.memref_squeeze %dma_wait3A_1026 : memref<2x1x64xi32, #tpu.memory_space<hbm>> -> memref<2x64xi32, #tpu.memory_space<hbm>>
        %dma_wait3A_1028 = arith.constant 0 : i32
        %dma_wait3A_1029 = arith.constant 0 : i32
        %dma_wait3A_1030 = tpu.memref_slice %arg3[%dma_wait3A_1028, %dma_wait3A_1023, %dma_wait3A_1029] : memref<2x5000x64xi32, #tpu.memory_space<hbm>> -> memref<2x1x64xi32, #tpu.memory_space<hbm>>
        %dma_wait3A_1031 = tpu.memref_squeeze %dma_wait3A_1030 : memref<2x1x64xi32, #tpu.memory_space<hbm>> -> memref<2x64xi32, #tpu.memory_space<hbm>>
        tpu.wait_dma2 semaphore(%arg21 : memref<!tpu.dma_semaphore, #tpu.memory_space<semaphore_mem>>) src(%dma_wait3A_1031 : memref<2x64xi32, #tpu.memory_space<hbm>>) dst(%arg9 : memref<2x64xi32, #tpu.memory_space<vmem>>)
        %dma_start3A_1032 = arith.constant 0 : i32
        %dma_start3A_1033 = arith.constant 0 : i32
        %dma_start3A_1034 = tpu.memref_slice %arg9[%dma_start3A_1032, %dma_start3A_1033] : memref<2x64xi32, #tpu.memory_space<vmem>> -> memref<1x64xi32, #tpu.memory_space<vmem>>
        %dma_start3A_1035 = tpu.memref_squeeze %dma_start3A_1034 : memref<1x64xi32, #tpu.memory_space<vmem>> -> memref<64xi32, #tpu.memory_space<vmem>>
        %dma_start3A_1036 = arith.constant 0 : i32
        %dma_start3A_1037 = arith.constant 0 : i32
        %dma_start3A_1038 = tpu.memref_slice %arg2[%dma_start3A_1036, %dma_start3A_1037] : memref<10000x128xf32, #tpu.memory_space<hbm>> -> memref<10000x128xf32, #tpu.memory_space<hbm>>
        tpu.enqueue_indirect_dma source(%dma_start3A_1038 : memref<10000x128xf32, #tpu.memory_space<hbm>>) target(%arg15 : memref<64x128xf32, #tpu.memory_space<vmem>>) offsets(%dma_start3A_1035 : memref<64xi32, #tpu.memory_space<vmem>>) semaphore(%arg27 : memref<!tpu.dma_semaphore, #tpu.memory_space<semaphore_mem>>)
      } else {
      }
      %dma_wait3A_894 = arith.constant 0 : i32
      %dma_wait3A_895 = arith.constant 0 : i32
      %dma_wait3A_896 = tpu.memref_slice %arg12[%dma_wait3A_894, %dma_wait3A_895] : memref<2x64xi32, #tpu.memory_space<vmem>> -> memref<1x64xi32, #tpu.memory_space<vmem>>
      %dma_wait3A_897 = tpu.memref_squeeze %dma_wait3A_896 : memref<1x64xi32, #tpu.memory_space<vmem>> -> memref<64xi32, #tpu.memory_space<vmem>>
      %dma_wait3A_898 = arith.constant 0 : i32
      %dma_wait3A_899 = arith.constant 0 : i32
      %dma_wait3A_900 = tpu.memref_slice %arg2[%dma_wait3A_898, %dma_wait3A_899] : memref<10000x128xf32, #tpu.memory_space<hbm>> -> memref<10000x128xf32, #tpu.memory_space<hbm>>
      tpu.wait_indirect_dma semaphore(%arg28 : memref<!tpu.dma_semaphore, #tpu.memory_space<semaphore_mem>>) src(%dma_wait3A_900 : memref<10000x128xf32, #tpu.memory_space<hbm>>) dst(%arg16 : memref<64x128xf32, #tpu.memory_space<vmem>>)
      %dma_start3A_901 = arith.constant 1 : i32
      %dma_start3A_902 = arith.constant 0 : i32
      %dma_start3A_903 = tpu.memref_slice %arg12[%dma_start3A_901, %dma_start3A_902] : memref<2x64xi32, #tpu.memory_space<vmem>> -> memref<1x64xi32, #tpu.memory_space<vmem>>
      %dma_start3A_904 = tpu.memref_squeeze %dma_start3A_903 : memref<1x64xi32, #tpu.memory_space<vmem>> -> memref<64xi32, #tpu.memory_space<vmem>>
      %dma_start3A_905 = arith.constant 0 : i32
      %dma_start3A_906 = arith.constant 0 : i32
      %dma_start3A_907 = tpu.memref_slice %arg19[%dma_start3A_905, %dma_start3A_906] : memref<10240x128xf32, #tpu.memory_space<vmem_shared>> -> memref<10240x128xf32, #tpu.memory_space<vmem_shared>>
      tpu.enqueue_indirect_dma source(%arg16 : memref<64x128xf32, #tpu.memory_space<vmem>>) target(%dma_start3A_907 : memref<10240x128xf32, #tpu.memory_space<vmem_shared>>) offsets(%dma_start3A_904 : memref<64xi32, #tpu.memory_space<vmem>>) semaphore(%arg32 : memref<!tpu.dma_semaphore, #tpu.memory_space<semaphore_mem>>) {add = true}
      %get3A_908 = arith.constant 1 : i32
      %get3A_909 = arith.index_cast %get3A_908 : i32 to index
      %get3A_910 = arith.constant 0 : index
      %get3A_911 = tpu.vector_load %arg12[%get3A_909, %get3A_910] {strides = array<i32>} : memref<2x64xi32, #tpu.memory_space<vmem>>, vector<16xi32>,
      %shift_right_logical3A_912 = arith.constant 7 : i32
      %shift_right_logical3A_913 = vector.broadcast %shift_right_logical3A_912 : i32 to vector<16xi32>
      %shift_right_logical3A_914 = arith.shrui %get3A_911, %shift_right_logical3A_913 : vector<16xi32>
      %and3A_915 = arith.constant 127 : i32
      %and3A_916 = vector.broadcast %and3A_915 : i32 to vector<16xi32>
      %and3A_917 = arith.andi %get3A_911, %and3A_916 : vector<16xi32>
      tpu.vector_store_idx %arg18[%shift_right_logical3A_914, %and3A_917], %broadcast_in_dim3A_6 {add = true} : memref<80x128xf32, #tpu.memory_space<vmem>>[vector<16xi32>, vector<16xi32>], vector<16xf32>,
      %get3A_918 = arith.constant 1 : i32
      %get3A_919 = arith.index_cast %get3A_918 : i32 to index
      %get3A_920 = arith.constant 16 : index
      %get3A_921 = tpu.vector_load %arg12[%get3A_919, %get3A_920] {strides = array<i32>} : memref<2x64xi32, #tpu.memory_space<vmem>>, vector<16xi32>,
      %shift_right_logical3A_922 = arith.constant 7 : i32
      %shift_right_logical3A_923 = vector.broadcast %shift_right_logical3A_922 : i32 to vector<16xi32>
      %shift_right_logical3A_924 = arith.shrui %get3A_921, %shift_right_logical3A_923 : vector<16xi32>
      %and3A_925 = arith.constant 127 : i32
      %and3A_926 = vector.broadcast %and3A_925 : i32 to vector<16xi32>
      %and3A_927 = arith.andi %get3A_921, %and3A_926 : vector<16xi32>
      tpu.vector_store_idx %arg18[%shift_right_logical3A_924, %and3A_927], %broadcast_in_dim3A_6 {add = true} : memref<80x128xf32, #tpu.memory_space<vmem>>[vector<16xi32>, vector<16xi32>], vector<16xf32>,
      %get3A_928 = arith.constant 1 : i32
      %get3A_929 = arith.index_cast %get3A_928 : i32 to index
      %get3A_930 = arith.constant 32 : index
      %get3A_931 = tpu.vector_load %arg12[%get3A_929, %get3A_930] {strides = array<i32>} : memref<2x64xi32, #tpu.memory_space<vmem>>, vector<16xi32>,
      %shift_right_logical3A_932 = arith.constant 7 : i32
      %shift_right_logical3A_933 = vector.broadcast %shift_right_logical3A_932 : i32 to vector<16xi32>
      %shift_right_logical3A_934 = arith.shrui %get3A_931, %shift_right_logical3A_933 : vector<16xi32>
      %and3A_935 = arith.constant 127 : i32
      %and3A_936 = vector.broadcast %and3A_935 : i32 to vector<16xi32>
      %and3A_937 = arith.andi %get3A_931, %and3A_936 : vector<16xi32>
      tpu.vector_store_idx %arg18[%shift_right_logical3A_934, %and3A_937], %broadcast_in_dim3A_6 {add = true} : memref<80x128xf32, #tpu.memory_space<vmem>>[vector<16xi32>, vector<16xi32>], vector<16xf32>,
      %get3A_938 = arith.constant 1 : i32
      %get3A_939 = arith.index_cast %get3A_938 : i32 to index
      %get3A_940 = arith.constant 48 : index
      %get3A_941 = tpu.vector_load %arg12[%get3A_939, %get3A_940] {strides = array<i32>} : memref<2x64xi32, #tpu.memory_space<vmem>>, vector<16xi32>,
      %shift_right_logical3A_942 = arith.constant 7 : i32
      %shift_right_logical3A_943 = vector.broadcast %shift_right_logical3A_942 : i32 to vector<16xi32>
      %shift_right_logical3A_944 = arith.shrui %get3A_941, %shift_right_logical3A_943 : vector<16xi32>
      %and3A_945 = arith.constant 127 : i32
      %and3A_946 = vector.broadcast %and3A_945 : i32 to vector<16xi32>
      %and3A_947 = arith.andi %get3A_941, %and3A_946 : vector<16xi32>
      tpu.vector_store_idx %arg18[%shift_right_logical3A_944, %and3A_947], %broadcast_in_dim3A_6 {add = true} : memref<80x128xf32, #tpu.memory_space<vmem>>[vector<16xi32>, vector<16xi32>], vector<16xf32>,
      %add3A_948 = arith.constant 11 : i32
      %add3A_949 = arith.addi %mul3A_126, %add3A_948 : i32
      %ge3A_950 = arith.constant 1 : i32
      %ge3A_951 = arith.cmpi sge, %add3A_949, %ge3A_950 : i32
      %convert_element_type3A_952 = arith.extui %ge3A_951 : i1 to i32
      %cond3A_953 = arith.constant 0 : i32
      %cond3A_954 = arith.cmpi ne, %convert_element_type3A_952, %cond3A_953 : i32
      scf.if %cond3A_954 {
        %dma_wait3A_1023 = arith.constant 1 : i32
        %dma_wait3A_1024 = arith.constant 0 : i32
        %dma_wait3A_1025 = tpu.memref_slice %arg12[%dma_wait3A_1023, %dma_wait3A_1024] : memref<2x64xi32, #tpu.memory_space<vmem>> -> memref<1x64xi32, #tpu.memory_space<vmem>>
        %dma_wait3A_1026 = tpu.memref_squeeze %dma_wait3A_1025 : memref<1x64xi32, #tpu.memory_space<vmem>> -> memref<64xi32, #tpu.memory_space<vmem>>
        %dma_wait3A_1027 = arith.constant 0 : i32
        %dma_wait3A_1028 = arith.constant 0 : i32
        %dma_wait3A_1029 = tpu.memref_slice %arg19[%dma_wait3A_1027, %dma_wait3A_1028] : memref<10240x128xf32, #tpu.memory_space<vmem_shared>> -> memref<10240x128xf32, #tpu.memory_space<vmem_shared>>
        tpu.wait_indirect_dma semaphore(%arg32 : memref<!tpu.dma_semaphore, #tpu.memory_space<semaphore_mem>>) src(%arg16 : memref<64x128xf32, #tpu.memory_space<vmem>>) dst(%dma_wait3A_1029 : memref<10240x128xf32, #tpu.memory_space<vmem_shared>>)
      } else {
      }
      %add3A_955 = arith.constant 5 : i32
      %add3A_956 = arith.addi %add3A_949, %add3A_955 : i32
      %lt3A_957 = arith.constant 156 : i32
      %lt3A_958 = arith.cmpi slt, %add3A_956, %lt3A_957 : i32
      %convert_element_type3A_959 = arith.extui %lt3A_958 : i1 to i32
      %cond3A_960 = arith.constant 0 : i32
      %cond3A_961 = arith.cmpi ne, %convert_element_type3A_959, %cond3A_960 : i32
      scf.if %cond3A_961 {
        %add3A_1023 = arith.addi %mul3A_4, %add3A_949 : i32
        %add3A_1024 = arith.constant 5 : i32
        %add3A_1025 = arith.addi %add3A_1023, %add3A_1024 : i32
        %dma_start3A_1026 = arith.constant 0 : i32
        %dma_start3A_1027 = arith.constant 0 : i32
        %dma_start3A_1028 = tpu.memref_slice %arg3[%dma_start3A_1026, %add3A_1025, %dma_start3A_1027] : memref<2x5000x64xi32, #tpu.memory_space<hbm>> -> memref<2x1x64xi32, #tpu.memory_space<hbm>>
        %dma_start3A_1029 = tpu.memref_squeeze %dma_start3A_1028 : memref<2x1x64xi32, #tpu.memory_space<hbm>> -> memref<2x64xi32, #tpu.memory_space<hbm>>
        %dma_start3A_1030 = arith.constant 0 : i32
        %dma_start3A_1031 = arith.constant 0 : i32
        %dma_start3A_1032 = tpu.memref_slice %arg3[%dma_start3A_1030, %add3A_1025, %dma_start3A_1031] : memref<2x5000x64xi32, #tpu.memory_space<hbm>> -> memref<2x1x64xi32, #tpu.memory_space<hbm>>
        %dma_start3A_1033 = tpu.memref_squeeze %dma_start3A_1032 : memref<2x1x64xi32, #tpu.memory_space<hbm>> -> memref<2x64xi32, #tpu.memory_space<hbm>>
        tpu.enqueue_dma source(%dma_start3A_1033 : memref<2x64xi32, #tpu.memory_space<hbm>>) target(%arg12 : memref<2x64xi32, #tpu.memory_space<vmem>>) target_semaphore(%arg24 : memref<!tpu.dma_semaphore, #tpu.memory_space<semaphore_mem>>)
      } else {
      }
      %add3A_962 = arith.constant 3 : i32
      %add3A_963 = arith.addi %add3A_949, %add3A_962 : i32
      %lt3A_964 = arith.constant 156 : i32
      %lt3A_965 = arith.cmpi slt, %add3A_963, %lt3A_964 : i32
      %convert_element_type3A_966 = arith.extui %lt3A_965 : i1 to i32
      %cond3A_967 = arith.constant 0 : i32
      %cond3A_968 = arith.cmpi ne, %convert_element_type3A_966, %cond3A_967 : i32
      scf.if %cond3A_968 {
        %dma_wait3A_1023 = arith.constant 0 : i32
        %dma_wait3A_1024 = arith.constant 0 : i32
        %dma_wait3A_1025 = arith.constant 0 : i32
        %dma_wait3A_1026 = tpu.memref_slice %arg3[%dma_wait3A_1024, %dma_wait3A_1023, %dma_wait3A_1025] : memref<2x5000x64xi32, #tpu.memory_space<hbm>> -> memref<2x1x64xi32, #tpu.memory_space<hbm>>
        %dma_wait3A_1027 = tpu.memref_squeeze %dma_wait3A_1026 : memref<2x1x64xi32, #tpu.memory_space<hbm>> -> memref<2x64xi32, #tpu.memory_space<hbm>>
        %dma_wait3A_1028 = arith.constant 0 : i32
        %dma_wait3A_1029 = arith.constant 0 : i32
        %dma_wait3A_1030 = tpu.memref_slice %arg3[%dma_wait3A_1028, %dma_wait3A_1023, %dma_wait3A_1029] : memref<2x5000x64xi32, #tpu.memory_space<hbm>> -> memref<2x1x64xi32, #tpu.memory_space<hbm>>
        %dma_wait3A_1031 = tpu.memref_squeeze %dma_wait3A_1030 : memref<2x1x64xi32, #tpu.memory_space<hbm>> -> memref<2x64xi32, #tpu.memory_space<hbm>>
        tpu.wait_dma2 semaphore(%arg22 : memref<!tpu.dma_semaphore, #tpu.memory_space<semaphore_mem>>) src(%dma_wait3A_1031 : memref<2x64xi32, #tpu.memory_space<hbm>>) dst(%arg10 : memref<2x64xi32, #tpu.memory_space<vmem>>)
        %dma_start3A_1032 = arith.constant 0 : i32
        %dma_start3A_1033 = arith.constant 0 : i32
        %dma_start3A_1034 = tpu.memref_slice %arg10[%dma_start3A_1032, %dma_start3A_1033] : memref<2x64xi32, #tpu.memory_space<vmem>> -> memref<1x64xi32, #tpu.memory_space<vmem>>
        %dma_start3A_1035 = tpu.memref_squeeze %dma_start3A_1034 : memref<1x64xi32, #tpu.memory_space<vmem>> -> memref<64xi32, #tpu.memory_space<vmem>>
        %dma_start3A_1036 = arith.constant 0 : i32
        %dma_start3A_1037 = arith.constant 0 : i32
        %dma_start3A_1038 = tpu.memref_slice %arg2[%dma_start3A_1036, %dma_start3A_1037] : memref<10000x128xf32, #tpu.memory_space<hbm>> -> memref<10000x128xf32, #tpu.memory_space<hbm>>
        tpu.enqueue_indirect_dma source(%dma_start3A_1038 : memref<10000x128xf32, #tpu.memory_space<hbm>>) target(%arg16 : memref<64x128xf32, #tpu.memory_space<vmem>>) offsets(%dma_start3A_1035 : memref<64xi32, #tpu.memory_space<vmem>>) semaphore(%arg28 : memref<!tpu.dma_semaphore, #tpu.memory_space<semaphore_mem>>)
      } else {
      }
      %dma_wait3A_969 = arith.constant 0 : i32
      %dma_wait3A_970 = arith.constant 0 : i32
      %dma_wait3A_971 = tpu.memref_slice %arg13[%dma_wait3A_969, %dma_wait3A_970] : memref<2x64xi32, #tpu.memory_space<vmem>> -> memref<1x64xi32, #tpu.memory_space<vmem>>
      %dma_wait3A_972 = tpu.memref_squeeze %dma_wait3A_971 : memref<1x64xi32, #tpu.memory_space<vmem>> -> memref<64xi32, #tpu.memory_space<vmem>>
      %dma_wait3A_973 = arith.constant 0 : i32
      %dma_wait3A_974 = arith.constant 0 : i32
      %dma_wait3A_975 = tpu.memref_slice %arg2[%dma_wait3A_973, %dma_wait3A_974] : memref<10000x128xf32, #tpu.memory_space<hbm>> -> memref<10000x128xf32, #tpu.memory_space<hbm>>
      tpu.wait_indirect_dma semaphore(%arg29 : memref<!tpu.dma_semaphore, #tpu.memory_space<semaphore_mem>>) src(%dma_wait3A_975 : memref<10000x128xf32, #tpu.memory_space<hbm>>) dst(%arg17 : memref<64x128xf32, #tpu.memory_space<vmem>>)
      %dma_start3A_976 = arith.constant 1 : i32
      %dma_start3A_977 = arith.constant 0 : i32
      %dma_start3A_978 = tpu.memref_slice %arg13[%dma_start3A_976, %dma_start3A_977] : memref<2x64xi32, #tpu.memory_space<vmem>> -> memref<1x64xi32, #tpu.memory_space<vmem>>
      %dma_start3A_979 = tpu.memref_squeeze %dma_start3A_978 : memref<1x64xi32, #tpu.memory_space<vmem>> -> memref<64xi32, #tpu.memory_space<vmem>>
      %dma_start3A_980 = arith.constant 0 : i32
      %dma_start3A_981 = arith.constant 0 : i32
      %dma_start3A_982 = tpu.memref_slice %arg19[%dma_start3A_980, %dma_start3A_981] : memref<10240x128xf32, #tpu.memory_space<vmem_shared>> -> memref<10240x128xf32, #tpu.memory_space<vmem_shared>>
      tpu.enqueue_indirect_dma source(%arg17 : memref<64x128xf32, #tpu.memory_space<vmem>>) target(%dma_start3A_982 : memref<10240x128xf32, #tpu.memory_space<vmem_shared>>) offsets(%dma_start3A_979 : memref<64xi32, #tpu.memory_space<vmem>>) semaphore(%arg33 : memref<!tpu.dma_semaphore, #tpu.memory_space<semaphore_mem>>) {add = true}
      %get3A_983 = arith.constant 1 : i32
      %get3A_984 = arith.index_cast %get3A_983 : i32 to index
      %get3A_985 = arith.constant 0 : index
      %get3A_986 = tpu.vector_load %arg13[%get3A_984, %get3A_985] {strides = array<i32>} : memref<2x64xi32, #tpu.memory_space<vmem>>, vector<16xi32>,
      %shift_right_logical3A_987 = arith.constant 7 : i32
      %shift_right_logical3A_988 = vector.broadcast %shift_right_logical3A_987 : i32 to vector<16xi32>
      %shift_right_logical3A_989 = arith.shrui %get3A_986, %shift_right_logical3A_988 : vector<16xi32>
      %and3A_990 = arith.constant 127 : i32
      %and3A_991 = vector.broadcast %and3A_990 : i32 to vector<16xi32>
      %and3A_992 = arith.andi %get3A_986, %and3A_991 : vector<16xi32>
      tpu.vector_store_idx %arg18[%shift_right_logical3A_989, %and3A_992], %broadcast_in_dim3A_6 {add = true} : memref<80x128xf32, #tpu.memory_space<vmem>>[vector<16xi32>, vector<16xi32>], vector<16xf32>,
      %get3A_993 = arith.constant 1 : i32
      %get3A_994 = arith.index_cast %get3A_993 : i32 to index
      %get3A_995 = arith.constant 16 : index
      %get3A_996 = tpu.vector_load %arg13[%get3A_994, %get3A_995] {strides = array<i32>} : memref<2x64xi32, #tpu.memory_space<vmem>>, vector<16xi32>,
      %shift_right_logical3A_997 = arith.constant 7 : i32
      %shift_right_logical3A_998 = vector.broadcast %shift_right_logical3A_997 : i32 to vector<16xi32>
      %shift_right_logical3A_999 = arith.shrui %get3A_996, %shift_right_logical3A_998 : vector<16xi32>
      %and3A_1000 = arith.constant 127 : i32
      %and3A_1001 = vector.broadcast %and3A_1000 : i32 to vector<16xi32>
      %and3A_1002 = arith.andi %get3A_996, %and3A_1001 : vector<16xi32>
      tpu.vector_store_idx %arg18[%shift_right_logical3A_999, %and3A_1002], %broadcast_in_dim3A_6 {add = true} : memref<80x128xf32, #tpu.memory_space<vmem>>[vector<16xi32>, vector<16xi32>], vector<16xf32>,
      %get3A_1003 = arith.constant 1 : i32
      %get3A_1004 = arith.index_cast %get3A_1003 : i32 to index
      %get3A_1005 = arith.constant 32 : index
      %get3A_1006 = tpu.vector_load %arg13[%get3A_1004, %get3A_1005] {strides = array<i32>} : memref<2x64xi32, #tpu.memory_space<vmem>>, vector<16xi32>,
      %shift_right_logical3A_1007 = arith.constant 7 : i32
      %shift_right_logical3A_1008 = vector.broadcast %shift_right_logical3A_1007 : i32 to vector<16xi32>
      %shift_right_logical3A_1009 = arith.shrui %get3A_1006, %shift_right_logical3A_1008 : vector<16xi32>
      %and3A_1010 = arith.constant 127 : i32
      %and3A_1011 = vector.broadcast %and3A_1010 : i32 to vector<16xi32>
      %and3A_1012 = arith.andi %get3A_1006, %and3A_1011 : vector<16xi32>
      tpu.vector_store_idx %arg18[%shift_right_logical3A_1009, %and3A_1012], %broadcast_in_dim3A_6 {add = true} : memref<80x128xf32, #tpu.memory_space<vmem>>[vector<16xi32>, vector<16xi32>], vector<16xf32>,
      %get3A_1013 = arith.constant 1 : i32
      %get3A_1014 = arith.index_cast %get3A_1013 : i32 to index
      %get3A_1015 = arith.constant 48 : index
      %get3A_1016 = tpu.vector_load %arg13[%get3A_1014, %get3A_1015] {strides = array<i32>} : memref<2x64xi32, #tpu.memory_space<vmem>>, vector<16xi32>,
      %shift_right_logical3A_1017 = arith.constant 7 : i32
      %shift_right_logical3A_1018 = vector.broadcast %shift_right_logical3A_1017 : i32 to vector<16xi32>
      %shift_right_logical3A_1019 = arith.shrui %get3A_1016, %shift_right_logical3A_1018 : vector<16xi32>
      %and3A_1020 = arith.constant 127 : i32
      %and3A_1021 = vector.broadcast %and3A_1020 : i32 to vector<16xi32>
      %and3A_1022 = arith.andi %get3A_1016, %and3A_1021 : vector<16xi32>
      tpu.vector_store_idx %arg18[%shift_right_logical3A_1019, %and3A_1022], %broadcast_in_dim3A_6 {add = true} : memref<80x128xf32, #tpu.memory_space<vmem>>[vector<16xi32>, vector<16xi32>], vector<16xf32>,
    }
    %scan3A_109 = arith.constant 13 : i32
    %dma_wait3A_110 = arith.constant 1 : i32
    %dma_wait3A_111 = arith.constant 0 : i32
    %dma_wait3A_112 = tpu.memref_slice %arg13[%dma_wait3A_110, %dma_wait3A_111] : memref<2x64xi32, #tpu.memory_space<vmem>> -> memref<1x64xi32, #tpu.memory_space<vmem>>
    %dma_wait3A_113 = tpu.memref_squeeze %dma_wait3A_112 : memref<1x64xi32, #tpu.memory_space<vmem>> -> memref<64xi32, #tpu.memory_space<vmem>>
    %dma_wait3A_114 = arith.constant 0 : i32
    %dma_wait3A_115 = arith.constant 0 : i32
    %dma_wait3A_116 = tpu.memref_slice %arg19[%dma_wait3A_114, %dma_wait3A_115] : memref<10240x128xf32, #tpu.memory_space<vmem_shared>> -> memref<10240x128xf32, #tpu.memory_space<vmem_shared>>
    tpu.wait_indirect_dma semaphore(%arg33 : memref<!tpu.dma_semaphore, #tpu.memory_space<semaphore_mem>>) src(%arg17 : memref<64x128xf32, #tpu.memory_space<vmem>>) dst(%dma_wait3A_116 : memref<10240x128xf32, #tpu.memory_space<vmem_shared>>)
    %lt3A = arith.constant 8 : i32
    %lt3A_117 = arith.cmpi slt, %add3A, %lt3A : i32
    %convert_element_type3A = arith.extui %lt3A_117 : i1 to i32
    %cond3A = arith.constant 0 : i32
    %cond3A_118 = arith.cmpi ne, %convert_element_type3A, %cond3A : i32
    scf.if %cond3A_118 {
      %add3A_120 = arith.constant 4992 : i32
      %add3A_121 = arith.addi %add3A_120, %add3A : i32
      %dma_start3A_122 = arith.constant 0 : i32
      %dma_start3A_123 = arith.constant 0 : i32
      %dma_start3A_124 = tpu.memref_slice %arg3[%dma_start3A_122, %add3A_121, %dma_start3A_123] : memref<2x5000x64xi32, #tpu.memory_space<hbm>> -> memref<2x1x64xi32, #tpu.memory_space<hbm>>
      %dma_start3A_125 = tpu.memref_squeeze %dma_start3A_124 : memref<2x1x64xi32, #tpu.memory_space<hbm>> -> memref<2x64xi32, #tpu.memory_space<hbm>>
      %dma_start3A_126 = arith.constant 0 : i32
      %dma_start3A_127 = arith.constant 0 : i32
      %dma_start3A_128 = tpu.memref_slice %arg3[%dma_start3A_126, %add3A_121, %dma_start3A_127] : memref<2x5000x64xi32, #tpu.memory_space<hbm>> -> memref<2x1x64xi32, #tpu.memory_space<hbm>>
      %dma_start3A_129 = tpu.memref_squeeze %dma_start3A_128 : memref<2x1x64xi32, #tpu.memory_space<hbm>> -> memref<2x64xi32, #tpu.memory_space<hbm>>
      tpu.enqueue_dma source(%dma_start3A_129 : memref<2x64xi32, #tpu.memory_space<hbm>>) target(%arg8 : memref<2x64xi32, #tpu.memory_space<vmem>>) target_semaphore(%arg20 : memref<!tpu.dma_semaphore, #tpu.memory_space<semaphore_mem>>)
      %dma_wait3A_130 = arith.constant 0 : i32
      %dma_wait3A_131 = arith.constant 0 : i32
      %dma_wait3A_132 = arith.constant 0 : i32
      %dma_wait3A_133 = tpu.memref_slice %arg3[%dma_wait3A_131, %dma_wait3A_130, %dma_wait3A_132] : memref<2x5000x64xi32, #tpu.memory_space<hbm>> -> memref<2x1x64xi32, #tpu.memory_space<hbm>>
      %dma_wait3A_134 = tpu.memref_squeeze %dma_wait3A_133 : memref<2x1x64xi32, #tpu.memory_space<hbm>> -> memref<2x64xi32, #tpu.memory_space<hbm>>
      %dma_wait3A_135 = arith.constant 0 : i32
      %dma_wait3A_136 = arith.constant 0 : i32
      %dma_wait3A_137 = tpu.memref_slice %arg3[%dma_wait3A_135, %dma_wait3A_130, %dma_wait3A_136] : memref<2x5000x64xi32, #tpu.memory_space<hbm>> -> memref<2x1x64xi32, #tpu.memory_space<hbm>>
      %dma_wait3A_138 = tpu.memref_squeeze %dma_wait3A_137 : memref<2x1x64xi32, #tpu.memory_space<hbm>> -> memref<2x64xi32, #tpu.memory_space<hbm>>
      tpu.wait_dma2 semaphore(%arg20 : memref<!tpu.dma_semaphore, #tpu.memory_space<semaphore_mem>>) src(%dma_wait3A_138 : memref<2x64xi32, #tpu.memory_space<hbm>>) dst(%arg8 : memref<2x64xi32, #tpu.memory_space<vmem>>)
      %dma_start3A_139 = arith.constant 0 : i32
      %dma_start3A_140 = arith.constant 0 : i32
      %dma_start3A_141 = tpu.memref_slice %arg8[%dma_start3A_139, %dma_start3A_140] : memref<2x64xi32, #tpu.memory_space<vmem>> -> memref<1x64xi32, #tpu.memory_space<vmem>>
      %dma_start3A_142 = tpu.memref_squeeze %dma_start3A_141 : memref<1x64xi32, #tpu.memory_space<vmem>> -> memref<64xi32, #tpu.memory_space<vmem>>
      %dma_start3A_143 = arith.constant 0 : i32
      %dma_start3A_144 = arith.constant 0 : i32
      %dma_start3A_145 = tpu.memref_slice %arg2[%dma_start3A_143, %dma_start3A_144] : memref<10000x128xf32, #tpu.memory_space<hbm>> -> memref<10000x128xf32, #tpu.memory_space<hbm>>
      tpu.enqueue_indirect_dma source(%dma_start3A_145 : memref<10000x128xf32, #tpu.memory_space<hbm>>) target(%arg14 : memref<64x128xf32, #tpu.memory_space<vmem>>) offsets(%dma_start3A_142 : memref<64xi32, #tpu.memory_space<vmem>>) semaphore(%arg26 : memref<!tpu.dma_semaphore, #tpu.memory_space<semaphore_mem>>)
      %dma_wait3A_146 = arith.constant 0 : i32
      %dma_wait3A_147 = arith.constant 0 : i32
      %dma_wait3A_148 = tpu.memref_slice %arg8[%dma_wait3A_146, %dma_wait3A_147] : memref<2x64xi32, #tpu.memory_space<vmem>> -> memref<1x64xi32, #tpu.memory_space<vmem>>
      %dma_wait3A_149 = tpu.memref_squeeze %dma_wait3A_148 : memref<1x64xi32, #tpu.memory_space<vmem>> -> memref<64xi32, #tpu.memory_space<vmem>>
      %dma_wait3A_150 = arith.constant 0 : i32
      %dma_wait3A_151 = arith.constant 0 : i32
      %dma_wait3A_152 = tpu.memref_slice %arg2[%dma_wait3A_150, %dma_wait3A_151] : memref<10000x128xf32, #tpu.memory_space<hbm>> -> memref<10000x128xf32, #tpu.memory_space<hbm>>
      tpu.wait_indirect_dma semaphore(%arg26 : memref<!tpu.dma_semaphore, #tpu.memory_space<semaphore_mem>>) src(%dma_wait3A_152 : memref<10000x128xf32, #tpu.memory_space<hbm>>) dst(%arg14 : memref<64x128xf32, #tpu.memory_space<vmem>>)
      %run_scoped3A = arith.constant 1 : i32
      "tpu.region"() ({
        %run_scoped3A_190 = tpu.sem_alloc : memref<!tpu.dma_semaphore, #tpu.memory_space<semaphore_mem>>
        %dma_start3A_191 = arith.constant 0 : i32
        %dma_start3A_192 = tpu.memref_slice %arg8[%run_scoped3A, %dma_start3A_191] : memref<2x64xi32, #tpu.memory_space<vmem>> -> memref<1x64xi32, #tpu.memory_space<vmem>>
        %dma_start3A_193 = tpu.memref_squeeze %dma_start3A_192 : memref<1x64xi32, #tpu.memory_space<vmem>> -> memref<64xi32, #tpu.memory_space<vmem>>
        %dma_start3A_194 = arith.constant 0 : i32
        %dma_start3A_195 = arith.constant 0 : i32
        %dma_start3A_196 = tpu.memref_slice %arg19[%dma_start3A_194, %dma_start3A_195] : memref<10240x128xf32, #tpu.memory_space<vmem_shared>> -> memref<10240x128xf32, #tpu.memory_space<vmem_shared>>
        tpu.enqueue_indirect_dma source(%arg14 : memref<64x128xf32, #tpu.memory_space<vmem>>) target(%dma_start3A_196 : memref<10240x128xf32, #tpu.memory_space<vmem_shared>>) offsets(%dma_start3A_193 : memref<64xi32, #tpu.memory_space<vmem>>) semaphore(%run_scoped3A_190 : memref<!tpu.dma_semaphore, #tpu.memory_space<semaphore_mem>>) {add = true}
        %dma_wait3A_197 = arith.constant 0 : i32
        %dma_wait3A_198 = tpu.memref_slice %arg8[%run_scoped3A, %dma_wait3A_197] : memref<2x64xi32, #tpu.memory_space<vmem>> -> memref<1x64xi32, #tpu.memory_space<vmem>>
        %dma_wait3A_199 = tpu.memref_squeeze %dma_wait3A_198 : memref<1x64xi32, #tpu.memory_space<vmem>> -> memref<64xi32, #tpu.memory_space<vmem>>
        %dma_wait3A_200 = arith.constant 0 : i32
        %dma_wait3A_201 = arith.constant 0 : i32
        %dma_wait3A_202 = tpu.memref_slice %arg19[%dma_wait3A_200, %dma_wait3A_201] : memref<10240x128xf32, #tpu.memory_space<vmem_shared>> -> memref<10240x128xf32, #tpu.memory_space<vmem_shared>>
        tpu.wait_indirect_dma semaphore(%run_scoped3A_190 : memref<!tpu.dma_semaphore, #tpu.memory_space<semaphore_mem>>) src(%arg14 : memref<64x128xf32, #tpu.memory_space<vmem>>) dst(%dma_wait3A_202 : memref<10240x128xf32, #tpu.memory_space<vmem_shared>>)
        tpu.yield
      }) : () -> ()
      %get3A = arith.constant 1 : i32
      %get3A_153 = arith.index_cast %get3A : i32 to index
      %get3A_154 = arith.constant 0 : index
      %get3A_155 = tpu.vector_load %arg8[%get3A_153, %get3A_154] {strides = array<i32>} : memref<2x64xi32, #tpu.memory_space<vmem>>, vector<16xi32>,
      %shift_right_logical3A = arith.constant 7 : i32
      %shift_right_logical3A_156 = vector.broadcast %shift_right_logical3A : i32 to vector<16xi32>
      %shift_right_logical3A_157 = arith.shrui %get3A_155, %shift_right_logical3A_156 : vector<16xi32>
      %and3A = arith.constant 127 : i32
      %and3A_158 = vector.broadcast %and3A : i32 to vector<16xi32>
      %and3A_159 = arith.andi %get3A_155, %and3A_158 : vector<16xi32>
      tpu.vector_store_idx %arg18[%shift_right_logical3A_157, %and3A_159], %broadcast_in_dim3A_6 {add = true} : memref<80x128xf32, #tpu.memory_space<vmem>>[vector<16xi32>, vector<16xi32>], vector<16xf32>,
      %get3A_160 = arith.constant 1 : i32
      %get3A_161 = arith.index_cast %get3A_160 : i32 to index
      %get3A_162 = arith.constant 16 : index
      %get3A_163 = tpu.vector_load %arg8[%get3A_161, %get3A_162] {strides = array<i32>} : memref<2x64xi32, #tpu.memory_space<vmem>>, vector<16xi32>,
      %shift_right_logical3A_164 = arith.constant 7 : i32
      %shift_right_logical3A_165 = vector.broadcast %shift_right_logical3A_164 : i32 to vector<16xi32>
      %shift_right_logical3A_166 = arith.shrui %get3A_163, %shift_right_logical3A_165 : vector<16xi32>
      %and3A_167 = arith.constant 127 : i32
      %and3A_168 = vector.broadcast %and3A_167 : i32 to vector<16xi32>
      %and3A_169 = arith.andi %get3A_163, %and3A_168 : vector<16xi32>
      tpu.vector_store_idx %arg18[%shift_right_logical3A_166, %and3A_169], %broadcast_in_dim3A_6 {add = true} : memref<80x128xf32, #tpu.memory_space<vmem>>[vector<16xi32>, vector<16xi32>], vector<16xf32>,
      %get3A_170 = arith.constant 1 : i32
      %get3A_171 = arith.index_cast %get3A_170 : i32 to index
      %get3A_172 = arith.constant 32 : index
      %get3A_173 = tpu.vector_load %arg8[%get3A_171, %get3A_172] {strides = array<i32>} : memref<2x64xi32, #tpu.memory_space<vmem>>, vector<16xi32>,
      %shift_right_logical3A_174 = arith.constant 7 : i32
      %shift_right_logical3A_175 = vector.broadcast %shift_right_logical3A_174 : i32 to vector<16xi32>
      %shift_right_logical3A_176 = arith.shrui %get3A_173, %shift_right_logical3A_175 : vector<16xi32>
      %and3A_177 = arith.constant 127 : i32
      %and3A_178 = vector.broadcast %and3A_177 : i32 to vector<16xi32>
      %and3A_179 = arith.andi %get3A_173, %and3A_178 : vector<16xi32>
      tpu.vector_store_idx %arg18[%shift_right_logical3A_176, %and3A_179], %broadcast_in_dim3A_6 {add = true} : memref<80x128xf32, #tpu.memory_space<vmem>>[vector<16xi32>, vector<16xi32>], vector<16xf32>,
      %get3A_180 = arith.constant 1 : i32
      %get3A_181 = arith.index_cast %get3A_180 : i32 to index
      %get3A_182 = arith.constant 48 : index
      %get3A_183 = tpu.vector_load %arg8[%get3A_181, %get3A_182] {strides = array<i32>} : memref<2x64xi32, #tpu.memory_space<vmem>>, vector<16xi32>,
      %shift_right_logical3A_184 = arith.constant 7 : i32
      %shift_right_logical3A_185 = vector.broadcast %shift_right_logical3A_184 : i32 to vector<16xi32>
      %shift_right_logical3A_186 = arith.shrui %get3A_183, %shift_right_logical3A_185 : vector<16xi32>
      %and3A_187 = arith.constant 127 : i32
      %and3A_188 = vector.broadcast %and3A_187 : i32 to vector<16xi32>
      %and3A_189 = arith.andi %get3A_183, %and3A_188 : vector<16xi32>
      tpu.vector_store_idx %arg18[%shift_right_logical3A_186, %and3A_189], %broadcast_in_dim3A_6 {add = true} : memref<80x128xf32, #tpu.memory_space<vmem>>[vector<16xi32>, vector<16xi32>], vector<16xf32>,
    } else {
    }
    %barrier3A_119 = arith.constant 0 : index
    tpu.barrier barrier_id(%barrier3A_119)
    "tpu.region"() ({
      %run_scoped3A = tpu.sem_alloc : memref<!tpu.dma_semaphore, #tpu.memory_space<semaphore_mem>>
      %dma_start3A_120 = arith.constant 0 : i32
      %dma_start3A_121 = arith.constant 0 : i32
      %dma_start3A_122 = tpu.memref_slice %arg6[%arg0, %dma_start3A_120, %dma_start3A_121] : memref<2x10240x128xf32, #tpu.memory_space<hbm>> -> memref<1x10240x128xf32, #tpu.memory_space<hbm>>
      %dma_start3A_123 = tpu.memref_squeeze %dma_start3A_122 : memref<1x10240x128xf32, #tpu.memory_space<hbm>> -> memref<10240x128xf32, #tpu.memory_space<hbm>>
      %dma_start3A_124 = arith.constant 0 : i32
      %dma_start3A_125 = tpu.memref_slice %dma_start3A_123[%mul3A_2, %dma_start3A_124] : memref<10240x128xf32, #tpu.memory_space<hbm>> -> memref<640x128xf32, #tpu.memory_space<hbm>>
      %dma_start3A_126 = arith.constant 0 : i32
      %dma_start3A_127 = tpu.memref_slice %arg19[%mul3A_2, %dma_start3A_126] : memref<10240x128xf32, #tpu.memory_space<vmem_shared>> -> memref<640x128xf32, #tpu.memory_space<vmem_shared>>
      tpu.enqueue_dma source(%dma_start3A_127 : memref<640x128xf32, #tpu.memory_space<vmem_shared>>) target(%dma_start3A_125 : memref<640x128xf32, #tpu.memory_space<hbm>>) target_semaphore(%run_scoped3A : memref<!tpu.dma_semaphore, #tpu.memory_space<semaphore_mem>>)
      %dma_wait3A_128 = arith.constant 0 : i32
      %dma_wait3A_129 = arith.constant 0 : i32
      %dma_wait3A_130 = tpu.memref_slice %arg6[%arg0, %dma_wait3A_128, %dma_wait3A_129] : memref<2x10240x128xf32, #tpu.memory_space<hbm>> -> memref<1x10240x128xf32, #tpu.memory_space<hbm>>
      %dma_wait3A_131 = tpu.memref_squeeze %dma_wait3A_130 : memref<1x10240x128xf32, #tpu.memory_space<hbm>> -> memref<10240x128xf32, #tpu.memory_space<hbm>>
      %dma_wait3A_132 = arith.constant 0 : i32
      %dma_wait3A_133 = tpu.memref_slice %dma_wait3A_131[%mul3A_2, %dma_wait3A_132] : memref<10240x128xf32, #tpu.memory_space<hbm>> -> memref<640x128xf32, #tpu.memory_space<hbm>>
      %dma_wait3A_134 = arith.constant 0 : i32
      %dma_wait3A_135 = tpu.memref_slice %arg19[%mul3A_2, %dma_wait3A_134] : memref<10240x128xf32, #tpu.memory_space<vmem_shared>> -> memref<640x128xf32, #tpu.memory_space<vmem_shared>>
      tpu.wait_dma2 semaphore(%run_scoped3A : memref<!tpu.dma_semaphore, #tpu.memory_space<semaphore_mem>>) src(%dma_wait3A_135 : memref<640x128xf32, #tpu.memory_space<vmem_shared>>) dst(%dma_wait3A_133 : memref<640x128xf32, #tpu.memory_space<hbm>>)
      tpu.yield
    }) : () -> ()
    "tpu.region"() ({
      %run_scoped3A = tpu.sem_alloc : memref<!tpu.dma_semaphore, #tpu.memory_space<semaphore_mem>>
      %dma_start3A_120 = arith.constant 0 : i32
      %dma_start3A_121 = arith.constant 0 : i32
      %dma_start3A_122 = arith.constant 0 : i32
      %dma_start3A_123 = tpu.memref_slice %arg7[%arg0, %dma_start3A_120, %dma_start3A_121, %dma_start3A_122] : memref<2x16x80x128xf32, #tpu.memory_space<hbm>> -> memref<1x16x80x128xf32, #tpu.memory_space<hbm>>
      %dma_start3A_124 = tpu.memref_squeeze %dma_start3A_123 : memref<1x16x80x128xf32, #tpu.memory_space<hbm>> -> memref<16x80x128xf32, #tpu.memory_space<hbm>>
      %dma_start3A_125 = arith.constant 0 : i32
      %dma_start3A_126 = arith.constant 0 : i32
      %dma_start3A_127 = tpu.memref_slice %dma_start3A_124[%arg1, %dma_start3A_125, %dma_start3A_126] : memref<16x80x128xf32, #tpu.memory_space<hbm>> -> memref<1x80x128xf32, #tpu.memory_space<hbm>>
      %dma_start3A_128 = tpu.memref_squeeze %dma_start3A_127 : memref<1x80x128xf32, #tpu.memory_space<hbm>> -> memref<80x128xf32, #tpu.memory_space<hbm>>
      %dma_start3A_129 = arith.constant 0 : i32
      %dma_start3A_130 = arith.constant 0 : i32
      %dma_start3A_131 = arith.constant 0 : i32
      %dma_start3A_132 = tpu.memref_slice %arg7[%arg0, %dma_start3A_129, %dma_start3A_130, %dma_start3A_131] : memref<2x16x80x128xf32, #tpu.memory_space<hbm>> -> memref<1x16x80x128xf32, #tpu.memory_space<hbm>>
      %dma_start3A_133 = tpu.memref_squeeze %dma_start3A_132 : memref<1x16x80x128xf32, #tpu.memory_space<hbm>> -> memref<16x80x128xf32, #tpu.memory_space<hbm>>
      %dma_start3A_134 = arith.constant 0 : i32
      %dma_start3A_135 = arith.constant 0 : i32
      %dma_start3A_136 = tpu.memref_slice %dma_start3A_133[%arg1, %dma_start3A_134, %dma_start3A_135] : memref<16x80x128xf32, #tpu.memory_space<hbm>> -> memref<1x80x128xf32, #tpu.memory_space<hbm>>
      %dma_start3A_137 = tpu.memref_squeeze %dma_start3A_136 : memref<1x80x128xf32, #tpu.memory_space<hbm>> -> memref<80x128xf32, #tpu.memory_space<hbm>>
      tpu.enqueue_dma source(%arg18 : memref<80x128xf32, #tpu.memory_space<vmem>>) target(%dma_start3A_137 : memref<80x128xf32, #tpu.memory_space<hbm>>) target_semaphore(%run_scoped3A : memref<!tpu.dma_semaphore, #tpu.memory_space<semaphore_mem>>)
      %dma_wait3A_138 = arith.constant 0 : i32
      %dma_wait3A_139 = arith.constant 0 : i32
      %dma_wait3A_140 = arith.constant 0 : i32
      %dma_wait3A_141 = tpu.memref_slice %arg7[%arg0, %dma_wait3A_138, %dma_wait3A_139, %dma_wait3A_140] : memref<2x16x80x128xf32, #tpu.memory_space<hbm>> -> memref<1x16x80x128xf32, #tpu.memory_space<hbm>>
      %dma_wait3A_142 = tpu.memref_squeeze %dma_wait3A_141 : memref<1x16x80x128xf32, #tpu.memory_space<hbm>> -> memref<16x80x128xf32, #tpu.memory_space<hbm>>
      %dma_wait3A_143 = arith.constant 0 : i32
      %dma_wait3A_144 = arith.constant 0 : i32
      %dma_wait3A_145 = tpu.memref_slice %dma_wait3A_142[%arg1, %dma_wait3A_143, %dma_wait3A_144] : memref<16x80x128xf32, #tpu.memory_space<hbm>> -> memref<1x80x128xf32, #tpu.memory_space<hbm>>
      %dma_wait3A_146 = tpu.memref_squeeze %dma_wait3A_145 : memref<1x80x128xf32, #tpu.memory_space<hbm>> -> memref<80x128xf32, #tpu.memory_space<hbm>>
      %dma_wait3A_147 = arith.constant 0 : i32
      %dma_wait3A_148 = arith.constant 0 : i32
      %dma_wait3A_149 = arith.constant 0 : i32
      %dma_wait3A_150 = tpu.memref_slice %arg7[%arg0, %dma_wait3A_147, %dma_wait3A_148, %dma_wait3A_149] : memref<2x16x80x128xf32, #tpu.memory_space<hbm>> -> memref<1x16x80x128xf32, #tpu.memory_space<hbm>>
      %dma_wait3A_151 = tpu.memref_squeeze %dma_wait3A_150 : memref<1x16x80x128xf32, #tpu.memory_space<hbm>> -> memref<16x80x128xf32, #tpu.memory_space<hbm>>
      %dma_wait3A_152 = arith.constant 0 : i32
      %dma_wait3A_153 = arith.constant 0 : i32
      %dma_wait3A_154 = tpu.memref_slice %dma_wait3A_151[%arg1, %dma_wait3A_152, %dma_wait3A_153] : memref<16x80x128xf32, #tpu.memory_space<hbm>> -> memref<1x80x128xf32, #tpu.memory_space<hbm>>
      %dma_wait3A_155 = tpu.memref_squeeze %dma_wait3A_154 : memref<1x80x128xf32, #tpu.memory_space<hbm>> -> memref<80x128xf32, #tpu.memory_space<hbm>>
      tpu.wait_dma2 semaphore(%run_scoped3A : memref<!tpu.dma_semaphore, #tpu.memory_space<semaphore_mem>>) src(%arg18 : memref<80x128xf32, #tpu.memory_space<vmem>>) dst(%dma_wait3A_155 : memref<80x128xf32, #tpu.memory_space<hbm>>)
      tpu.yield
    }) : () -> ()
    return
  }
}

module attributes {stable_mosaic.version = 14 : i64} {
  func.func @_tc_body(%arg0: i32, %arg1: memref<2x1024x128xf32, #tpu.memory_space<vmem>>, %arg2: memref<2x16x8x1x128xf32, #tpu.memory_space<vmem>>, %arg3: memref<128x128xf32, #tpu.memory_space<vmem>>, %arg4: memref<1x128xf32, #tpu.memory_space<vmem>>, %arg5: memref<1024x128xf32, #tpu.memory_space<vmem>>) attributes {dimension_semantics = [#tpu.dimension_semantics<arbitrary>], iteration_bounds = array<i64: 10>, scalar_prefetch = 0 : i64, scratch_operands = 0 : i64, tpu.core_type = #tpu.core_type<tc>, window_params = [{transform_indices = @transform_0, window_bounds = array<i64: 2, 1024, 128>}, {transform_indices = @transform_1, window_bounds = array<i64: 2, 16, 8, 1, 128>}, {pipeline_mode = #tpu.pipeline_mode<synchronous>, transform_indices = @transform_2, window_bounds = array<i64: 128, 128>}, {pipeline_mode = #tpu.pipeline_mode<synchronous>, transform_indices = @transform_3, window_bounds = array<i64: 1, 128>}, {transform_indices = @transform_4, window_bounds = array<i64: 1024, 128>}]} {
    %get3A = arith.constant 0 : index
    %get3A_0 = arith.constant 0 : index
    %get3A_1 = arith.constant 0 : index
    %get3A_2 = vector.load %arg1[%get3A, %get3A_0, %get3A_1] : memref<2x1024x128xf32, #tpu.memory_space<vmem>>, vector<1x1024x128xf32>
    %get3A_3 = vector.shape_cast %get3A_2 : vector<1x1024x128xf32> to vector<1024x128xf32>
    %get3A_4 = arith.constant 1 : index
    %get3A_5 = arith.constant 0 : index
    %get3A_6 = arith.constant 0 : index
    %get3A_7 = vector.load %arg1[%get3A_4, %get3A_5, %get3A_6] : memref<2x1024x128xf32, #tpu.memory_space<vmem>>, vector<1x1024x128xf32>
    %get3A_8 = vector.shape_cast %get3A_7 : vector<1x1024x128xf32> to vector<1024x128xf32>
    %add3A = arith.addf %get3A_3, %get3A_8 : vector<1024x128xf32>
    %get3A_9 = arith.constant 0 : index
    %get3A_10 = arith.constant 0 : index
    %get3A_11 = arith.constant 0 : index
    %get3A_12 = arith.constant 0 : index
    %get3A_13 = arith.constant 0 : index
    %get3A_14 = vector.load %arg2[%get3A_9, %get3A_10, %get3A_11, %get3A_12, %get3A_13] : memref<2x16x8x1x128xf32, #tpu.memory_space<vmem>>, vector<2x16x8x1x128xf32>
    %reduce_sum3A = arith.constant dense<0.000000e+00> : vector<8x1x128xf32>
    %reduce_sum3A_15 = vector.multi_reduction <add>, %get3A_14, %reduce_sum3A [0, 1] : vector<2x16x8x1x128xf32> to vector<8x1x128xf32>
    %iota3A = tpu.iota {dimensions = array<i32: 0>} : vector<128x128xi32>
    %iota3A_16 = tpu.iota {dimensions = array<i32: 1>} : vector<128x128xi32>
    %eq3A = arith.cmpi eq, %iota3A, %iota3A_16 : vector<128x128xi32>
    %get3A_17 = arith.constant 0 : index
    %get3A_18 = arith.constant 0 : index
    %get3A_19 = vector.load %arg3[%get3A_17, %get3A_18] : memref<128x128xf32, #tpu.memory_space<vmem>>, vector<128x128xf32>
    %get3A_20 = arith.constant 0 : index
    %get3A_21 = arith.constant 0 : index
    %get3A_22 = vector.load %arg4[%get3A_20, %get3A_21] : memref<1x128xf32, #tpu.memory_space<vmem>>, vector<1x128xf32>
    %slice3A = vector.extract_strided_slice %reduce_sum3A_15 {offsets = [0, 0, 0], sizes = [1, 1, 128], strides = [1, 1, 1]} : vector<8x1x128xf32> to vector<1x1x128xf32>
    %squeeze3A = vector.shape_cast %slice3A : vector<1x1x128xf32> to vector<1x128xf32>
    %max3A = arith.constant 1.000000e+00 : f32
    %max3A_23 = vector.broadcast %max3A : f32 to vector<1x128xf32>
    %max3A_24 = arith.maximumf %squeeze3A, %max3A_23 : vector<1x128xf32>
    %div3A = arith.constant 1.000000e+00 : f32
    %div3A_25 = vector.broadcast %div3A : f32 to vector<1x128xf32>
    %div3A_26 = arith.divf %div3A_25, %max3A_24 : vector<1x128xf32>
    %jit3A = arith.constant 0.000000e+00 : f32
    %broadcast_in_dim3A = vector.shape_cast %div3A_26 : vector<1x128xf32> to vector<1x128xf32>
    %broadcast_in_dim3A_27 = vector.broadcast %broadcast_in_dim3A : vector<1x128xf32> to vector<128x128xf32>
    %broadcast_in_dim3A_28 = vector.broadcast %jit3A : f32 to vector<128x128xf32>
    %select_n3A = arith.select %eq3A, %broadcast_in_dim3A_27, %broadcast_in_dim3A_28 : vector<128x128xi1>, vector<128x128xf32>
    %slice3A_29 = vector.extract_strided_slice %add3A {offsets = [0, 0], sizes = [128, 128], strides = [1, 1]} : vector<1024x128xf32> to vector<128x128xf32>
    %dot_general3A = arith.constant dense<0.000000e+00> : vector<128x128xf32>
    %dot_general3A_30 = tpu.matmul %select_n3A, %slice3A_29, %dot_general3A {dimension_numbers = #tpu.dot_dimension_numbers<[1], [0], [0], [1], [0, 0, 1, 1], [], []>, transpose_lhs_hint = false} : vector<128x128xf32>, vector<128x128xf32>, vector<128x128xf32> -> vector<128x128xf32>
    %dot_general3A_31 = arith.constant dense<0.000000e+00> : vector<128x128xf32>
    %dot_general3A_32 = tpu.matmul %dot_general3A_30, %get3A_19, %dot_general3A_31 {dimension_numbers = #tpu.dot_dimension_numbers<[1], [0], [0], [1], [0, 0, 1, 1], [], []>, transpose_lhs_hint = false} : vector<128x128xf32>, vector<128x128xf32>, vector<128x128xf32> -> vector<128x128xf32>
    %add3A_33 = vector.broadcast %get3A_22 : vector<1x128xf32> to vector<128x128xf32>
    %add3A_34 = arith.addf %dot_general3A_32, %add3A_33 : vector<128x128xf32>
    %swap3A = arith.constant 0 : index
    %swap3A_35 = arith.constant 0 : index
    %swap3A_36 = vector.load %arg5[%swap3A, %swap3A_35] : memref<1024x128xf32, #tpu.memory_space<vmem>>, vector<128x128xf32>
    tpu.vector_store %arg5[%swap3A, %swap3A_35], %add3A_34 {strides = array<i32>} : memref<1024x128xf32, #tpu.memory_space<vmem>>, vector<128x128xf32>,
    %slice3A_37 = vector.extract_strided_slice %reduce_sum3A_15 {offsets = [1, 0, 0], sizes = [1, 1, 128], strides = [1, 1, 1]} : vector<8x1x128xf32> to vector<1x1x128xf32>
    %squeeze3A_38 = vector.shape_cast %slice3A_37 : vector<1x1x128xf32> to vector<1x128xf32>
    %max3A_39 = arith.constant 1.000000e+00 : f32
    %max3A_40 = vector.broadcast %max3A_39 : f32 to vector<1x128xf32>
    %max3A_41 = arith.maximumf %squeeze3A_38, %max3A_40 : vector<1x128xf32>
    %div3A_42 = arith.constant 1.000000e+00 : f32
    %div3A_43 = vector.broadcast %div3A_42 : f32 to vector<1x128xf32>
    %div3A_44 = arith.divf %div3A_43, %max3A_41 : vector<1x128xf32>
    %jit3A_45 = arith.constant 0.000000e+00 : f32
    %broadcast_in_dim3A_46 = vector.shape_cast %div3A_44 : vector<1x128xf32> to vector<1x128xf32>
    %broadcast_in_dim3A_47 = vector.broadcast %broadcast_in_dim3A_46 : vector<1x128xf32> to vector<128x128xf32>
    %broadcast_in_dim3A_48 = vector.broadcast %jit3A_45 : f32 to vector<128x128xf32>
    %select_n3A_49 = arith.select %eq3A, %broadcast_in_dim3A_47, %broadcast_in_dim3A_48 : vector<128x128xi1>, vector<128x128xf32>
    %slice3A_50 = vector.extract_strided_slice %add3A {offsets = [128, 0], sizes = [128, 128], strides = [1, 1]} : vector<1024x128xf32> to vector<128x128xf32>
    %dot_general3A_51 = arith.constant dense<0.000000e+00> : vector<128x128xf32>
    %dot_general3A_52 = tpu.matmul %select_n3A_49, %slice3A_50, %dot_general3A_51 {dimension_numbers = #tpu.dot_dimension_numbers<[1], [0], [0], [1], [0, 0, 1, 1], [], []>, transpose_lhs_hint = false} : vector<128x128xf32>, vector<128x128xf32>, vector<128x128xf32> -> vector<128x128xf32>
    %dot_general3A_53 = arith.constant dense<0.000000e+00> : vector<128x128xf32>
    %dot_general3A_54 = tpu.matmul %dot_general3A_52, %get3A_19, %dot_general3A_53 {dimension_numbers = #tpu.dot_dimension_numbers<[1], [0], [0], [1], [0, 0, 1, 1], [], []>, transpose_lhs_hint = false} : vector<128x128xf32>, vector<128x128xf32>, vector<128x128xf32> -> vector<128x128xf32>
    %add3A_55 = vector.broadcast %get3A_22 : vector<1x128xf32> to vector<128x128xf32>
    %add3A_56 = arith.addf %dot_general3A_54, %add3A_55 : vector<128x128xf32>
    %swap3A_57 = arith.constant 128 : index
    %swap3A_58 = arith.constant 0 : index
    %swap3A_59 = vector.load %arg5[%swap3A_57, %swap3A_58] : memref<1024x128xf32, #tpu.memory_space<vmem>>, vector<128x128xf32>
    tpu.vector_store %arg5[%swap3A_57, %swap3A_58], %add3A_56 {strides = array<i32>} : memref<1024x128xf32, #tpu.memory_space<vmem>>, vector<128x128xf32>,
    %slice3A_60 = vector.extract_strided_slice %reduce_sum3A_15 {offsets = [2, 0, 0], sizes = [1, 1, 128], strides = [1, 1, 1]} : vector<8x1x128xf32> to vector<1x1x128xf32>
    %squeeze3A_61 = vector.shape_cast %slice3A_60 : vector<1x1x128xf32> to vector<1x128xf32>
    %max3A_62 = arith.constant 1.000000e+00 : f32
    %max3A_63 = vector.broadcast %max3A_62 : f32 to vector<1x128xf32>
    %max3A_64 = arith.maximumf %squeeze3A_61, %max3A_63 : vector<1x128xf32>
    %div3A_65 = arith.constant 1.000000e+00 : f32
    %div3A_66 = vector.broadcast %div3A_65 : f32 to vector<1x128xf32>
    %div3A_67 = arith.divf %div3A_66, %max3A_64 : vector<1x128xf32>
    %jit3A_68 = arith.constant 0.000000e+00 : f32
    %broadcast_in_dim3A_69 = vector.shape_cast %div3A_67 : vector<1x128xf32> to vector<1x128xf32>
    %broadcast_in_dim3A_70 = vector.broadcast %broadcast_in_dim3A_69 : vector<1x128xf32> to vector<128x128xf32>
    %broadcast_in_dim3A_71 = vector.broadcast %jit3A_68 : f32 to vector<128x128xf32>
    %select_n3A_72 = arith.select %eq3A, %broadcast_in_dim3A_70, %broadcast_in_dim3A_71 : vector<128x128xi1>, vector<128x128xf32>
    %slice3A_73 = vector.extract_strided_slice %add3A {offsets = [256, 0], sizes = [128, 128], strides = [1, 1]} : vector<1024x128xf32> to vector<128x128xf32>
    %dot_general3A_74 = arith.constant dense<0.000000e+00> : vector<128x128xf32>
    %dot_general3A_75 = tpu.matmul %select_n3A_72, %slice3A_73, %dot_general3A_74 {dimension_numbers = #tpu.dot_dimension_numbers<[1], [0], [0], [1], [0, 0, 1, 1], [], []>, transpose_lhs_hint = false} : vector<128x128xf32>, vector<128x128xf32>, vector<128x128xf32> -> vector<128x128xf32>
    %dot_general3A_76 = arith.constant dense<0.000000e+00> : vector<128x128xf32>
    %dot_general3A_77 = tpu.matmul %dot_general3A_75, %get3A_19, %dot_general3A_76 {dimension_numbers = #tpu.dot_dimension_numbers<[1], [0], [0], [1], [0, 0, 1, 1], [], []>, transpose_lhs_hint = false} : vector<128x128xf32>, vector<128x128xf32>, vector<128x128xf32> -> vector<128x128xf32>
    %add3A_78 = vector.broadcast %get3A_22 : vector<1x128xf32> to vector<128x128xf32>
    %add3A_79 = arith.addf %dot_general3A_77, %add3A_78 : vector<128x128xf32>
    %swap3A_80 = arith.constant 256 : index
    %swap3A_81 = arith.constant 0 : index
    %swap3A_82 = vector.load %arg5[%swap3A_80, %swap3A_81] : memref<1024x128xf32, #tpu.memory_space<vmem>>, vector<128x128xf32>
    tpu.vector_store %arg5[%swap3A_80, %swap3A_81], %add3A_79 {strides = array<i32>} : memref<1024x128xf32, #tpu.memory_space<vmem>>, vector<128x128xf32>,
    %slice3A_83 = vector.extract_strided_slice %reduce_sum3A_15 {offsets = [3, 0, 0], sizes = [1, 1, 128], strides = [1, 1, 1]} : vector<8x1x128xf32> to vector<1x1x128xf32>
    %squeeze3A_84 = vector.shape_cast %slice3A_83 : vector<1x1x128xf32> to vector<1x128xf32>
    %max3A_85 = arith.constant 1.000000e+00 : f32
    %max3A_86 = vector.broadcast %max3A_85 : f32 to vector<1x128xf32>
    %max3A_87 = arith.maximumf %squeeze3A_84, %max3A_86 : vector<1x128xf32>
    %div3A_88 = arith.constant 1.000000e+00 : f32
    %div3A_89 = vector.broadcast %div3A_88 : f32 to vector<1x128xf32>
    %div3A_90 = arith.divf %div3A_89, %max3A_87 : vector<1x128xf32>
    %jit3A_91 = arith.constant 0.000000e+00 : f32
    %broadcast_in_dim3A_92 = vector.shape_cast %div3A_90 : vector<1x128xf32> to vector<1x128xf32>
    %broadcast_in_dim3A_93 = vector.broadcast %broadcast_in_dim3A_92 : vector<1x128xf32> to vector<128x128xf32>
    %broadcast_in_dim3A_94 = vector.broadcast %jit3A_91 : f32 to vector<128x128xf32>
    %select_n3A_95 = arith.select %eq3A, %broadcast_in_dim3A_93, %broadcast_in_dim3A_94 : vector<128x128xi1>, vector<128x128xf32>
    %slice3A_96 = vector.extract_strided_slice %add3A {offsets = [384, 0], sizes = [128, 128], strides = [1, 1]} : vector<1024x128xf32> to vector<128x128xf32>
    %dot_general3A_97 = arith.constant dense<0.000000e+00> : vector<128x128xf32>
    %dot_general3A_98 = tpu.matmul %select_n3A_95, %slice3A_96, %dot_general3A_97 {dimension_numbers = #tpu.dot_dimension_numbers<[1], [0], [0], [1], [0, 0, 1, 1], [], []>, transpose_lhs_hint = false} : vector<128x128xf32>, vector<128x128xf32>, vector<128x128xf32> -> vector<128x128xf32>
    %dot_general3A_99 = arith.constant dense<0.000000e+00> : vector<128x128xf32>
    %dot_general3A_100 = tpu.matmul %dot_general3A_98, %get3A_19, %dot_general3A_99 {dimension_numbers = #tpu.dot_dimension_numbers<[1], [0], [0], [1], [0, 0, 1, 1], [], []>, transpose_lhs_hint = false} : vector<128x128xf32>, vector<128x128xf32>, vector<128x128xf32> -> vector<128x128xf32>
    %add3A_101 = vector.broadcast %get3A_22 : vector<1x128xf32> to vector<128x128xf32>
    %add3A_102 = arith.addf %dot_general3A_100, %add3A_101 : vector<128x128xf32>
    %swap3A_103 = arith.constant 384 : index
    %swap3A_104 = arith.constant 0 : index
    %swap3A_105 = vector.load %arg5[%swap3A_103, %swap3A_104] : memref<1024x128xf32, #tpu.memory_space<vmem>>, vector<128x128xf32>
    tpu.vector_store %arg5[%swap3A_103, %swap3A_104], %add3A_102 {strides = array<i32>} : memref<1024x128xf32, #tpu.memory_space<vmem>>, vector<128x128xf32>,
    %slice3A_106 = vector.extract_strided_slice %reduce_sum3A_15 {offsets = [4, 0, 0], sizes = [1, 1, 128], strides = [1, 1, 1]} : vector<8x1x128xf32> to vector<1x1x128xf32>
    %squeeze3A_107 = vector.shape_cast %slice3A_106 : vector<1x1x128xf32> to vector<1x128xf32>
    %max3A_108 = arith.constant 1.000000e+00 : f32
    %max3A_109 = vector.broadcast %max3A_108 : f32 to vector<1x128xf32>
    %max3A_110 = arith.maximumf %squeeze3A_107, %max3A_109 : vector<1x128xf32>
    %div3A_111 = arith.constant 1.000000e+00 : f32
    %div3A_112 = vector.broadcast %div3A_111 : f32 to vector<1x128xf32>
    %div3A_113 = arith.divf %div3A_112, %max3A_110 : vector<1x128xf32>
    %jit3A_114 = arith.constant 0.000000e+00 : f32
    %broadcast_in_dim3A_115 = vector.shape_cast %div3A_113 : vector<1x128xf32> to vector<1x128xf32>
    %broadcast_in_dim3A_116 = vector.broadcast %broadcast_in_dim3A_115 : vector<1x128xf32> to vector<128x128xf32>
    %broadcast_in_dim3A_117 = vector.broadcast %jit3A_114 : f32 to vector<128x128xf32>
    %select_n3A_118 = arith.select %eq3A, %broadcast_in_dim3A_116, %broadcast_in_dim3A_117 : vector<128x128xi1>, vector<128x128xf32>
    %slice3A_119 = vector.extract_strided_slice %add3A {offsets = [512, 0], sizes = [128, 128], strides = [1, 1]} : vector<1024x128xf32> to vector<128x128xf32>
    %dot_general3A_120 = arith.constant dense<0.000000e+00> : vector<128x128xf32>
    %dot_general3A_121 = tpu.matmul %select_n3A_118, %slice3A_119, %dot_general3A_120 {dimension_numbers = #tpu.dot_dimension_numbers<[1], [0], [0], [1], [0, 0, 1, 1], [], []>, transpose_lhs_hint = false} : vector<128x128xf32>, vector<128x128xf32>, vector<128x128xf32> -> vector<128x128xf32>
    %dot_general3A_122 = arith.constant dense<0.000000e+00> : vector<128x128xf32>
    %dot_general3A_123 = tpu.matmul %dot_general3A_121, %get3A_19, %dot_general3A_122 {dimension_numbers = #tpu.dot_dimension_numbers<[1], [0], [0], [1], [0, 0, 1, 1], [], []>, transpose_lhs_hint = false} : vector<128x128xf32>, vector<128x128xf32>, vector<128x128xf32> -> vector<128x128xf32>
    %add3A_124 = vector.broadcast %get3A_22 : vector<1x128xf32> to vector<128x128xf32>
    %add3A_125 = arith.addf %dot_general3A_123, %add3A_124 : vector<128x128xf32>
    %swap3A_126 = arith.constant 512 : index
    %swap3A_127 = arith.constant 0 : index
    %swap3A_128 = vector.load %arg5[%swap3A_126, %swap3A_127] : memref<1024x128xf32, #tpu.memory_space<vmem>>, vector<128x128xf32>
    tpu.vector_store %arg5[%swap3A_126, %swap3A_127], %add3A_125 {strides = array<i32>} : memref<1024x128xf32, #tpu.memory_space<vmem>>, vector<128x128xf32>,
    %slice3A_129 = vector.extract_strided_slice %reduce_sum3A_15 {offsets = [5, 0, 0], sizes = [1, 1, 128], strides = [1, 1, 1]} : vector<8x1x128xf32> to vector<1x1x128xf32>
    %squeeze3A_130 = vector.shape_cast %slice3A_129 : vector<1x1x128xf32> to vector<1x128xf32>
    %max3A_131 = arith.constant 1.000000e+00 : f32
    %max3A_132 = vector.broadcast %max3A_131 : f32 to vector<1x128xf32>
    %max3A_133 = arith.maximumf %squeeze3A_130, %max3A_132 : vector<1x128xf32>
    %div3A_134 = arith.constant 1.000000e+00 : f32
    %div3A_135 = vector.broadcast %div3A_134 : f32 to vector<1x128xf32>
    %div3A_136 = arith.divf %div3A_135, %max3A_133 : vector<1x128xf32>
    %jit3A_137 = arith.constant 0.000000e+00 : f32
    %broadcast_in_dim3A_138 = vector.shape_cast %div3A_136 : vector<1x128xf32> to vector<1x128xf32>
    %broadcast_in_dim3A_139 = vector.broadcast %broadcast_in_dim3A_138 : vector<1x128xf32> to vector<128x128xf32>
    %broadcast_in_dim3A_140 = vector.broadcast %jit3A_137 : f32 to vector<128x128xf32>
    %select_n3A_141 = arith.select %eq3A, %broadcast_in_dim3A_139, %broadcast_in_dim3A_140 : vector<128x128xi1>, vector<128x128xf32>
    %slice3A_142 = vector.extract_strided_slice %add3A {offsets = [640, 0], sizes = [128, 128], strides = [1, 1]} : vector<1024x128xf32> to vector<128x128xf32>
    %dot_general3A_143 = arith.constant dense<0.000000e+00> : vector<128x128xf32>
    %dot_general3A_144 = tpu.matmul %select_n3A_141, %slice3A_142, %dot_general3A_143 {dimension_numbers = #tpu.dot_dimension_numbers<[1], [0], [0], [1], [0, 0, 1, 1], [], []>, transpose_lhs_hint = false} : vector<128x128xf32>, vector<128x128xf32>, vector<128x128xf32> -> vector<128x128xf32>
    %dot_general3A_145 = arith.constant dense<0.000000e+00> : vector<128x128xf32>
    %dot_general3A_146 = tpu.matmul %dot_general3A_144, %get3A_19, %dot_general3A_145 {dimension_numbers = #tpu.dot_dimension_numbers<[1], [0], [0], [1], [0, 0, 1, 1], [], []>, transpose_lhs_hint = false} : vector<128x128xf32>, vector<128x128xf32>, vector<128x128xf32> -> vector<128x128xf32>
    %add3A_147 = vector.broadcast %get3A_22 : vector<1x128xf32> to vector<128x128xf32>
    %add3A_148 = arith.addf %dot_general3A_146, %add3A_147 : vector<128x128xf32>
    %swap3A_149 = arith.constant 640 : index
    %swap3A_150 = arith.constant 0 : index
    %swap3A_151 = vector.load %arg5[%swap3A_149, %swap3A_150] : memref<1024x128xf32, #tpu.memory_space<vmem>>, vector<128x128xf32>
    tpu.vector_store %arg5[%swap3A_149, %swap3A_150], %add3A_148 {strides = array<i32>} : memref<1024x128xf32, #tpu.memory_space<vmem>>, vector<128x128xf32>,
    %slice3A_152 = vector.extract_strided_slice %reduce_sum3A_15 {offsets = [6, 0, 0], sizes = [1, 1, 128], strides = [1, 1, 1]} : vector<8x1x128xf32> to vector<1x1x128xf32>
    %squeeze3A_153 = vector.shape_cast %slice3A_152 : vector<1x1x128xf32> to vector<1x128xf32>
    %max3A_154 = arith.constant 1.000000e+00 : f32
    %max3A_155 = vector.broadcast %max3A_154 : f32 to vector<1x128xf32>
    %max3A_156 = arith.maximumf %squeeze3A_153, %max3A_155 : vector<1x128xf32>
    %div3A_157 = arith.constant 1.000000e+00 : f32
    %div3A_158 = vector.broadcast %div3A_157 : f32 to vector<1x128xf32>
    %div3A_159 = arith.divf %div3A_158, %max3A_156 : vector<1x128xf32>
    %jit3A_160 = arith.constant 0.000000e+00 : f32
    %broadcast_in_dim3A_161 = vector.shape_cast %div3A_159 : vector<1x128xf32> to vector<1x128xf32>
    %broadcast_in_dim3A_162 = vector.broadcast %broadcast_in_dim3A_161 : vector<1x128xf32> to vector<128x128xf32>
    %broadcast_in_dim3A_163 = vector.broadcast %jit3A_160 : f32 to vector<128x128xf32>
    %select_n3A_164 = arith.select %eq3A, %broadcast_in_dim3A_162, %broadcast_in_dim3A_163 : vector<128x128xi1>, vector<128x128xf32>
    %slice3A_165 = vector.extract_strided_slice %add3A {offsets = [768, 0], sizes = [128, 128], strides = [1, 1]} : vector<1024x128xf32> to vector<128x128xf32>
    %dot_general3A_166 = arith.constant dense<0.000000e+00> : vector<128x128xf32>
    %dot_general3A_167 = tpu.matmul %select_n3A_164, %slice3A_165, %dot_general3A_166 {dimension_numbers = #tpu.dot_dimension_numbers<[1], [0], [0], [1], [0, 0, 1, 1], [], []>, transpose_lhs_hint = false} : vector<128x128xf32>, vector<128x128xf32>, vector<128x128xf32> -> vector<128x128xf32>
    %dot_general3A_168 = arith.constant dense<0.000000e+00> : vector<128x128xf32>
    %dot_general3A_169 = tpu.matmul %dot_general3A_167, %get3A_19, %dot_general3A_168 {dimension_numbers = #tpu.dot_dimension_numbers<[1], [0], [0], [1], [0, 0, 1, 1], [], []>, transpose_lhs_hint = false} : vector<128x128xf32>, vector<128x128xf32>, vector<128x128xf32> -> vector<128x128xf32>
    %add3A_170 = vector.broadcast %get3A_22 : vector<1x128xf32> to vector<128x128xf32>
    %add3A_171 = arith.addf %dot_general3A_169, %add3A_170 : vector<128x128xf32>
    %swap3A_172 = arith.constant 768 : index
    %swap3A_173 = arith.constant 0 : index
    %swap3A_174 = vector.load %arg5[%swap3A_172, %swap3A_173] : memref<1024x128xf32, #tpu.memory_space<vmem>>, vector<128x128xf32>
    tpu.vector_store %arg5[%swap3A_172, %swap3A_173], %add3A_171 {strides = array<i32>} : memref<1024x128xf32, #tpu.memory_space<vmem>>, vector<128x128xf32>,
    %slice3A_175 = vector.extract_strided_slice %reduce_sum3A_15 {offsets = [7, 0, 0], sizes = [1, 1, 128], strides = [1, 1, 1]} : vector<8x1x128xf32> to vector<1x1x128xf32>
    %squeeze3A_176 = vector.shape_cast %slice3A_175 : vector<1x1x128xf32> to vector<1x128xf32>
    %max3A_177 = arith.constant 1.000000e+00 : f32
    %max3A_178 = vector.broadcast %max3A_177 : f32 to vector<1x128xf32>
    %max3A_179 = arith.maximumf %squeeze3A_176, %max3A_178 : vector<1x128xf32>
    %div3A_180 = arith.constant 1.000000e+00 : f32
    %div3A_181 = vector.broadcast %div3A_180 : f32 to vector<1x128xf32>
    %div3A_182 = arith.divf %div3A_181, %max3A_179 : vector<1x128xf32>
    %jit3A_183 = arith.constant 0.000000e+00 : f32
    %broadcast_in_dim3A_184 = vector.shape_cast %div3A_182 : vector<1x128xf32> to vector<1x128xf32>
    %broadcast_in_dim3A_185 = vector.broadcast %broadcast_in_dim3A_184 : vector<1x128xf32> to vector<128x128xf32>
    %broadcast_in_dim3A_186 = vector.broadcast %jit3A_183 : f32 to vector<128x128xf32>
    %select_n3A_187 = arith.select %eq3A, %broadcast_in_dim3A_185, %broadcast_in_dim3A_186 : vector<128x128xi1>, vector<128x128xf32>
    %slice3A_188 = vector.extract_strided_slice %add3A {offsets = [896, 0], sizes = [128, 128], strides = [1, 1]} : vector<1024x128xf32> to vector<128x128xf32>
    %dot_general3A_189 = arith.constant dense<0.000000e+00> : vector<128x128xf32>
    %dot_general3A_190 = tpu.matmul %select_n3A_187, %slice3A_188, %dot_general3A_189 {dimension_numbers = #tpu.dot_dimension_numbers<[1], [0], [0], [1], [0, 0, 1, 1], [], []>, transpose_lhs_hint = false} : vector<128x128xf32>, vector<128x128xf32>, vector<128x128xf32> -> vector<128x128xf32>
    %dot_general3A_191 = arith.constant dense<0.000000e+00> : vector<128x128xf32>
    %dot_general3A_192 = tpu.matmul %dot_general3A_190, %get3A_19, %dot_general3A_191 {dimension_numbers = #tpu.dot_dimension_numbers<[1], [0], [0], [1], [0, 0, 1, 1], [], []>, transpose_lhs_hint = false} : vector<128x128xf32>, vector<128x128xf32>, vector<128x128xf32> -> vector<128x128xf32>
    %add3A_193 = vector.broadcast %get3A_22 : vector<1x128xf32> to vector<128x128xf32>
    %add3A_194 = arith.addf %dot_general3A_192, %add3A_193 : vector<128x128xf32>
    %swap3A_195 = arith.constant 896 : index
    %swap3A_196 = arith.constant 0 : index
    %swap3A_197 = vector.load %arg5[%swap3A_195, %swap3A_196] : memref<1024x128xf32, #tpu.memory_space<vmem>>, vector<128x128xf32>
    tpu.vector_store %arg5[%swap3A_195, %swap3A_196], %add3A_194 {strides = array<i32>} : memref<1024x128xf32, #tpu.memory_space<vmem>>, vector<128x128xf32>,
    return
  }
  func.func @transform_0(%arg0: i32) -> (i32, i32, i32) {
    %c0_i32 = arith.constant 0 : i32
    %c0_i32_0 = arith.constant 0 : i32
    %c0_i32_1 = arith.constant 0 : i32
    return %c0_i32, %arg0, %c0_i32_0 : i32, i32, i32
  }
  func.func @transform_1(%arg0: i32) -> (i32, i32, i32, i32, i32) {
    %c0_i32 = arith.constant 0 : i32
    %c0_i32_0 = arith.constant 0 : i32
    %c0_i32_1 = arith.constant 0 : i32
    %c0_i32_2 = arith.constant 0 : i32
    %c0_i32_3 = arith.constant 0 : i32
    return %c0_i32, %c0_i32_0, %arg0, %c0_i32_1, %c0_i32_2 : i32, i32, i32, i32, i32
  }
  func.func @transform_2(%arg0: i32) -> (i32, i32) {
    %c0_i32 = arith.constant 0 : i32
    %c0_i32_0 = arith.constant 0 : i32
    %c0_i32_1 = arith.constant 0 : i32
    return %c0_i32, %c0_i32_0 : i32, i32
  }
  func.func @transform_3(%arg0: i32) -> (i32, i32) {
    %c0_i32 = arith.constant 0 : i32
    %c0_i32_0 = arith.constant 0 : i32
    %c0_i32_1 = arith.constant 0 : i32
    return %c0_i32, %c0_i32_0 : i32, i32
  }
  func.func @transform_4(%arg0: i32) -> (i32, i32) {
    %c0_i32 = arith.constant 0 : i32
    %c0_i32_0 = arith.constant 0 : i32
    return %arg0, %c0_i32 : i32, i32
  }
}

</mosaic_0001>

<sc_bundles>
// kernel: kernel.4.cloned.1.call-start
scs
__scs_entry_jumppad:
0x0: {  	(pc) =	sbr.rel $0x88, $3  }
0x1: {  	(tag) =	ssettag $0x0;
	lr =	simm.s32 $0x1  }
0x2: {  	[smem:$0x3F9D] =	sst lr;
	_ =	strace $0xD0000000  }
0x3: {  	_ = 	snop  }
0x4: {  	_ = 	snop  }
0x5: {  	_ = 	snop  }
0x6: {  	_ = 	snop  }
0x7: {  	_ = 	snop  }
__scs_overlays_trampoline_lowered:
0x8: {  	[smem:$0x3FAC] =	sst s0  }
0x9: {  	[smem:$0x3FAD] =	sst s1  }
0xa: {  	[smem:$0x3FAE] =	sst s2  }
0xb: {  	[smem:$0x3FAF] =	sst s3  }
0xc: {  	[smem:$0x3FB0] =	sst s4  }
0xd: {  	[smem:$0x3FB1] =	sst s5  }
0xe: {  	[smem:$0x3FB2] =	sst s6  }
0xf: {  	[smem:$0x3FB3] =	sst s7  }
0x10: {  	[smem:$0x3FB4] =	sst s8  }
0x11: {  	[smem:$0x3FB5] =	sst s9;
	s0 =	simm.s32 @!p0 $0x0  }
0x12: {  	s1 =	sld [smem:$0x3F9B];
	s0 =	simm.s32 @p0 $0x1  }
0x13: {  	[smem:$0x3FB6] =	sst s0;
	s0 =	simm.s32 @!p1 $0x0  }
0x14: {  	s2 =	sld [smem:$0x3F9A];
	s0 =	simm.s32 @p1 $0x1  }
0x15: {  	[smem:$0x3FB7] =	sst s0;
	s0 =	simm.s32 @!p2 $0x0  }
0x16: {  	s3 =	sld [smem:$0x3FDB];
	s0 =	simm.s32 @p2 $0x1  }
0x17: {  	s4 =	simm.s32 $0x1BF5;
	[smem:$0x3FB9] =	sst s0  }
0x18: {  	s0 =	sld [smem:$0x3F9C];
	_ =	swait.ge [sflag:s4], $0x0  }
0x19: {  	s7 =	sld [smem:$0x3F9D]  }
0x1a: {  	s8 =	sadd.s32 $0xFFFFE003, lr  }
0x1b: {  	s9 =	sadd.s32 $0xFFFFFEF7, lr;
	s5 =	simm.s32 $0xFFFFFFFF;
	p2 =	slt.u32 s8, $0xFFFFF086  }
0x1c: {  	p1 =	slt.u32 s9, $0xF7A;
	s5 =	simm.s32 @!p2 $0x0  }
0x1d: {  	s5 =	simm.s32 @p1 $0x1;
	p0 =	seq.s32 s7, s2  }
0x1e: {  	s7 =	smul.u32 @!p0 $0xF7A, s2;
	p2 =	seq.s32 @!p0 s5, $0x0  }
0x1f: {  	s9 =	smul.u32 $0xF7A, s1;
	s8 =	simm.s32 @!p0 $0x1BF5;
	p2 =	por !p2, p0  }
0x20: {  	[sflag:s8] =	ssyncset.s32 @!p0 $0xFFFFF086;
	s6 =	sadd.s32 @!p0 s3, s7;
	s7 =	simm.s32 @!p0 $0x108  }
0x21: {  	s3 =	sadd.s32 s3, s9;
	s6 =	sadd.s32 @!p0 $0x88, s6;
	s7 =	simm.s32 @p2 $0x1082  }
0x22: {  	[simem:s7], [sflag:s8] =	dma.local @!p0 [hbm:s6], $0xF7A  }
0x23: {  	s9 =	sor.u32 $0xD0000000, s2;
	s6 =	simm.s32 $0x108;
	_ =	swait.ge @!p0 [sflag:s8], $0x0  }
0x24: {  	s3 =	sadd.s32 $0x88, s3;
	s6 =	simm.s32 @!p1 $0x1082;
	[sflag:s4] =	ssyncset.s32 $0xFFFFF086  }
0x25: {  	[simem:s6], [sflag:s4] =	dma.local [hbm:s3], $0xF7A  }
0x26: {  	[smem:$0x3F9D] =	sst s1;
	(tag) =	ssettag s2;
	_ =	strace s9  }
0x27: {  	s1 =	sld [smem:$0x3FAD]  }
0x28: {  	s2 =	sld [smem:$0x3FAE]  }
0x29: {  	s4 =	sld [smem:$0x3FB0]  }
0x2a: {  	p0 =	seq.s32 s5, $0x0;
	s5 =	sld [smem:$0x3FB1]  }
0x2b: {  	s6 =	sld [smem:$0x3FB2]  }
0x2c: {  	s7 =	sld [smem:$0x3FB3]  }
0x2d: {  	s3 =	simm.s32 $0x108;
	s8 =	sld [smem:$0x3FB4]  }
0x2e: {  	s3 =	simm.s32 @!p0 $0x1082;
	s9 =	sld [smem:$0x3FB5]  }
0x2f: {  	lr =	sadd.s32 s0, s3;
	s0 =	sld [smem:$0x3FAC]  }
0x30: {  	s3 =	sld [smem:$0x3FAF]  }
0x31: {  	[smem:$0x3FB8] =	sst s10  }
0x32: {  	s10 =	sld [smem:$0x3FB6];
	_ =	sdelay $0x3  }
0x33: {  	p0 =	seq.s32 s10, $0x1;
	s10 =	sld [smem:$0x3FB8];
	_ =	sdelay $0x3  }
0x34: {  	[smem:$0x3FB8] =	sst s10  }
0x35: {  	s10 =	sld [smem:$0x3FB7];
	_ =	sdelay $0x3  }
0x36: {  	p1 =	seq.s32 s10, $0x1;
	s10 =	sld [smem:$0x3FB8];
	_ =	sdelay $0x3  }
0x37: {  	[smem:$0x3FB8] =	sst s10  }
0x38: {  	s10 =	sld [smem:$0x3FB9]  }
0x39: {  	_ = 	snop;
	(pc) =	sbr.ind lr, $3  }
0x3a: {  	_ = 	snop  }
0x3b: {  	_ = 	snop  }
0x3c: {  	p2 =	seq.s32 s10, $0x1;
	s10 =	sld [smem:$0x3FB8]  }
0x3d: {  	_ =	shalt  }
0x3e: {  	_ =	shalt  }
0x3f: {  	_ =	shalt  }
0x40: {  	_ =	shalt  }
0x41: {  	_ =	shalt  }
0x42: {  	_ =	shalt  }
0x43: {  	_ =	shalt  }
0x44: {  	_ =	shalt  }
0x45: {  	_ =	shalt  }
0x46: {  	_ =	shalt  }
0x47: {  	_ =	shalt  }
0x48: {  	_ =	shalt  }
0x49: {  	_ =	shalt  }
0x4a: {  	_ =	shalt  }
0x4b: {  	_ =	shalt  }
0x4c: {  	_ =	shalt  }
0x4d: {  	_ =	shalt  }
0x4e: {  	_ =	shalt  }
0x4f: {  	_ =	shalt  }
0x50: {  	_ =	shalt  }
0x51: {  	_ =	shalt  }
0x52: {  	_ =	shalt  }
0x53: {  	_ =	shalt  }
0x54: {  	_ =	shalt  }
0x55: {  	_ =	shalt  }
0x56: {  	_ =	shalt  }
0x57: {  	_ =	shalt  }
0x58: {  	_ =	shalt  }
0x59: {  	_ =	shalt  }
0x5a: {  	_ =	shalt  }
0x5b: {  	_ =	shalt  }
0x5c: {  	_ =	shalt  }
0x5d: {  	_ =	shalt  }
0x5e: {  	_ =	shalt  }
0x5f: {  	_ =	shalt  }
0x60: {  	_ =	shalt  }
0x61: {  	_ =	shalt  }
0x62: {  	_ =	shalt  }
0x63: {  	_ =	shalt  }
0x64: {  	_ =	shalt  }
0x65: {  	_ =	shalt  }
0x66: {  	_ =	shalt  }
0x67: {  	_ =	shalt  }
0x68: {  	_ =	shalt  }
0x69: {  	_ =	shalt  }
0x6a: {  	_ =	shalt  }
0x6b: {  	_ =	shalt  }
0x6c: {  	_ =	shalt  }
0x6d: {  	_ =	shalt  }
0x6e: {  	_ =	shalt  }
0x6f: {  	_ =	shalt  }
0x70: {  	_ =	shalt  }
0x71: {  	_ =	shalt  }
0x72: {  	_ =	shalt  }
0x73: {  	_ =	shalt  }
0x74: {  	_ =	shalt  }
0x75: {  	_ =	shalt  }
0x76: {  	_ =	shalt  }
0x77: {  	_ =	shalt  }
0x78: {  	_ =	shalt  }
0x79: {  	_ =	shalt  }
0x7a: {  	_ =	shalt  }
0x7b: {  	_ =	shalt  }
0x7c: {  	_ =	shalt  }
0x7d: {  	_ =	shalt  }
0x7e: {  	_ =	shalt  }
0x7f: {  	_ =	shalt  }
0x80: {  	_ =	shalt  }
0x81: {  	_ =	shalt  }
0x82: {  	_ =	shalt  }
0x83: {  	_ =	shalt  }
0x84: {  	_ =	shalt  }
0x85: {  	_ =	shalt  }
0x86: {  	_ =	shalt  }
0x87: {  	_ =	shalt  }
.Lfunc_end0:
.L_simem_size_0:
called_computation_lowered:
.L_overlay_start_0:
0x88: {  	s2 =	sld [smem:$0x3FD9]  }
0x89: {  	s3 =	sld [smem:$0x3FFE];
	_ =	sdelay $0x1  }
0x8a: {  	s1 =	srdreg.scid  }
0x8b: {  	s0 =	sand.u32 $0x1, s1  }
0x8c: {  	s17 =	sshll.u32 s0, $0xA;
	s2 =	sadd.s32 s3, s2  }
0x8d: {  	s2 =	sadd.s32 s2, s17  }
0x8e: {  	[smem:$0x3FC4] =	sst s2  }
0x8f: {  	_ = 	snop  }
0x90: {  	s2 =	sld [smem:$0x3FC9]  }
0x91: {  	s18 =	sld [smem:$0x3FD0];
	(tm) =	ssettm $0x1  }
0x92: {  	s4 =	sld [smem:$0x3FFB];
	_ =	sdelay $0x3  }
0x93: {  	_ =	strace s4  }
0x94: {  	s4 =	sld [smem:$0x3FFC];
	_ =	sdelay $0x3  }
0x95: {  	_ =	strace s4  }
0x96: {  	s4 =	sld [smem:$0x3FFD];
	_ =	sdelay $0x3  }
0x97: {  	_ =	strace s4  }
0x98: {  	_ =	strace $0x8FFFFFFF  }
0x99: {  	s19 =	sld [smem:$0x3FDB];
	_ =	sdelay $0x1  }
0x9a: {  	s5 =	simm.s32 $_scs_section_size  }
0x9b: {  	s6 =	simm.s32 $_size__tile_overlayer_lowered;
	s7 =	simm.s32 $_tile_overlayer_lowered  }
0x9c: {  	s22 =	simm.s32 $0x1BFF;
	s21 =	sshll.u32 s7, $0x1;
	s4 =	sadd.s32 s5, s19  }
0x9d: {  	s8 =	simm.s32 $0x0;
	s20 =	sshll.u32 s6, $0x1;
	s6 =	sadd.s32 s21, s4  }
0x9e: {  	[timem:s8], [sflag:s22] =	dma.local [hbm:s6], s20  }
0x9f: {  	_ =	swait.ge [sflag:s22], s20  }
0xa0: {  	s5 =	ssub.s32 $0x0, s20;
	[sflag:s22] =	ssyncset.done $0x0  }
0xa1: {  	[sflag:s22] =	ssyncadd.s32 s5;
	_ =	sdelay $0x1  }
0xa2: {  	s23 =	simm.s32 $0x1B8B  }
0xa3: {  	_ =	swait.ge [sflag:s23], $0x1  }
0xa4: {  	[sflag:s23] =	ssyncset.done $0x0  }
0xa5: {  	s25 =	simm.s32 $0x1B8E;
	s24 =	sld [smem:$0x3FFE];
	[sflag:s23] =	ssyncadd.s32 $0xFFFFFFFF  }
0xa6: {  	s26 =	simm.s32 $execute0_lowered;
	[smem:$0x3FD2] =	sst s25  }
0xa7: {  	s6 =	sshll.u32 s26, $0x1;
	_ =	strace $0x80000046;
	[dreg:$0x1] =	wrdreg $0xFFFFFFFF  }
0xa8: {  	s28 =	simm.s32 $_size_execute0_lowered;
	s4 =	sadd.s32 s4, s6;
	[dreg:$0x0] =	wrdreg $0x0  }
0xa9: {  	s6 =	sshll.u32 s28, $0x1;
	[dreg:$0x2] =	wrdreg s4  }
0xaa: {  	[dreg:$0x3] =	wrdreg s6  }
0xab: {  	[dreg:$0x4] =	wrdreg $0xC0  }
0xac: {  	_ =	task [dreg:s8], $0x5FFFF  }
0xad: {  	[dreg:$0x1] =	wrdreg $0xFFFFFFFF  }
0xae: {  	[dreg:$0x0] =	wrdreg $0x60  }
0xaf: {  	[dreg:$0x2] =	wrdreg s2  }
0xb0: {  	[dreg:$0x3] =	wrdreg s18  }
0xb1: {  	[dreg:$0x4] =	wrdreg s24  }
0xb2: {  	[dreg:$0x5] =	wrdreg $0xAE000  }
0xb3: {  	[dreg:$0x6] =	wrdreg $0x9  }
0xb4: {  	_ =	task.clear_ibuf [dreg:s8], $0x7FFFF;
	_ =	strace $0x90000046  }
0xb5: {  	s29 =	simm.s32 $0x9;
	_ =	strace $0x80000048  }
0xb6: {  	_ =	swait.ge [sflag:s29], $0x1  }
0xb7: {  	[sflag:s29] =	ssyncadd.s32 $0xFFFFFFFF  }
0xb8: {  	_ =	strace $0x90000048  }
0xb9: {  	_ =	sfence  }
0xba: {  	s30 =	sld [smem:$0x0];
	_ =	sdelay $0x2  }
0xbb: {  	s31 =	sshll.u32 s1, $0xD;
	s1 =	sshrl.u32 s1, $0x2  }
0xbc: {  	s3 =	sand.u32 $0x4000, s31;
	s1 =	sadd.s32 s1, s30  }
0xbd: {  	s0 =	sor.u32 s3, s0;
	s1 =	sshll.u32 s1, $0x11  }
0xbe: {  	s0 =	sor.u32 s1, s0  }
0xbf: {  	s0 =	sadd.s32 $0x8F2B, s0  }
0xc0: {  	[sflag:s0] =	ssyncadd.remote.s32 $0x1  }
0xc1: {  	_ =	sfence.sel $0xFFFF  }
0xc2: {  	[dreg:$0x0] =	wrdreg $0xFFFFFFFF;
	(pc) =	sbr.abs _section_cstart, $3  }
0xc3: {  	[dreg:$0x1] =	wrdreg $0xFFFFFFFF  }
0xc4: {  	_ =	task.clear_ibuf [dreg:s8], $0x2FFFF;
	_ =	strace $0x9FFFFFFF  }
0xc5: {  	(tm) =	ssettm $0x7FFFFFFF  }
tec
execute0_lowered:
.L_overlay_start_1:
0x0: {  	(tag) =	ssettag $0x1  }
0x1: {  	s1 =	rddreg [dreg:$0x0]  }
0x2: {  	s0 =	rddreg [dreg:$0x1]  }
0x3: {  	s3 =	rddreg [dreg:$0x2]  }
0x4: {  	s2 =	rddreg [dreg:$0x3]  }
0x5: {  	s4 =	srdreg.scid;
	s5 =	simm.s32 $0x0;
	s14 =	stileid.u32  }
0x6: {  	s28 =	simm.s32 $0x200;
	s31 =	simm.s32 $0x400;
	s29 =	simm.s32 $0x40  }
0x7: {  	s30 =	simm.s32 $0x4600;
	s4 =	sand.u32 $0x1, s4;
	[smem:$0x7FF] =	sst s5  }
0x8: {  	s7 =	sadd.s32 $0x1000, s3;
	s16 =	sadd.s32 $0x3800, s3;
	s13 =	smul.u32 $0x50000, s14  }
0x9: {  	s9 =	sshll.u32 s14, $0x9;
	s22 =	sshll.u32 s14, $0x6;
	s20 =	smul.u32 $0x9C0, s14  }
0xa: {  	_ =	strace $0x80000047;
	s6 =	smul.u32 $0x28000, s4;
	[dreg:$0x5] =	wrdreg s7  }
0xb: {  	s15 =	sshll.u32 s4, $0x4;
	[dreg:$0x6] =	wrdreg s16;
	s8 =	smul.u32 $0x5000, s4  }
0xc: {  	s10 =	ssub.s32 $0x2, s4;
	s9 =	sand.u32 $0x200, s9;
	[dreg:$0x7] =	wrdreg s22  }
0xd: {  	s26 =	sor.u32 $0x1C0F, s22;
	s16 =	sshll.u32 s14, $0x4;
	s4 =	smul.u32 $0x9C00, s4  }
0xe: {  	s5 =	sor.u32 s14, s15;
	s12 =	sshrl.u32 s10, $0x1;
	s21 =	sshrl.u32 s13, $0x2  }
0xf: {  	[dreg:$0x9] =	wrdreg s26;
	s19 =	sadd.s32 s16, s0;
	s26 =	simm.s32 $0x100  }
0x10: {  	s17 =	smul.u32 $0x4E00, s5;
	s6 =	sadd.s32 s6, s3;
	s3 =	sadd.s32 s8, s3  }
0x11: {  	s18 =	ssub.s32 s10, s12;
	s24 =	sadd.s32 s21, s2;
	s21 =	smul.u32 $0x500, s14  }
0x12: {  	s8 =	simm.s32 $0x9C400;
	p0 =	sgt.u32 s5, $0x7;
	s10 =	simm.s32 $0x300  }
0x13: {  	s5 =	simm.s32 $0x2600;
	s12 =	simm.s32 $0x7;
	s6 =	sadd.s32 $0x3E00, s6  }
0x14: {  	s3 =	sadd.s32 $0x53E00, s3;
	s22 =	smax.u32 s18, $0x1;
	s16 =	sshrl.u32 s24, $0x3  }
0x15: {  	s18 =	simm.s32 $0x8600;
	s11 =	sand.u32 $0xFFC00, s17;
	s7 =	sshrl.u32 s17, $0x3  }
0x16: {  	s17 =	smul.u32 $0x2800, s14;
	[dreg:$0xf] =	wrdreg s22;
	s24 =	sadd.s32 s21, s3  }
0x17: {  	s21 =	simm.s32 $0x1;
	s22 =	simm.s32 $0x2;
	[dreg:$0x10] =	wrdreg s16  }
0x18: {  	s14 =	simm.s32 $0x6600;
	s9 =	sor.u32 s9, s11;
	s7 =	sadd.s32 s0, s7  }
0x19: {  	[dreg:$0x12] =	wrdreg s24;
	s9 =	sshrl.u32 s9, $0x3;
	s7 =	sadd.s32 $0x40, s7  }
0x1a: {  	s24 =	simm.s32 $0xC;
	s23 =	sadd.s32 s0, s9;
	[dreg:$0xd] =	wrdreg s7  }
0x1b: {  	s7 =	sadd.s32 $0x13800, s19;
	s0 =	sadd.s32 s4, s0;
	s4 =	simm.s32 $0xA  }
0x1c: {  	s9 =	simm.s32 $0x0;
	s19 =	simm.s32 $0x6;
	[dreg:$0x8] =	wrdreg s23  }
0x1d: {  	s11 =	sadd.s32 $0x10, s23;
	s13 =	sadd.s32 $0x20, s23;
	[dreg:$0xe] =	wrdreg s7  }
0x1e: {  	s15 =	sadd.s32 $0x30, s23;
	s25 =	sadd.s32 s20, s0;
	[dreg:$0xa] =	wrdreg s11  }
0x1f: {  	s23 =	sadd.s32 s17, s6;
	s0 =	simm.s32 $0x600;
	[dreg:$0xb] =	wrdreg s13  }
0x20: {  	s7 =	simm.s32 $0xB;
	s6 =	simm.s32 $0x9;
	[dreg:$0xc] =	wrdreg s15  }
0x21: {  	s17 =	simm.s32 $0xD;
	s20 =	simm.s32 $0x4600;
	[dreg:$0x11] =	wrdreg s23  }
0x22: {  	v0 =	vimm.f32 $1.000000000e+00;
	s15 =	simm.s32 $0x8;
	s13 =	simm.s32 $0x80;
	s23 =	simm.s32 $0x5  }
.LBB2_1:
0x23: {  	[dreg:$0x13] =	wrdreg s9  }
0x24: {  	s3 =	rddreg [dreg:$0x5]  }
0x25: {  	s11 =	rddreg [dreg:$0x9]  }
0x26: {  	[spmem:s16], [sflag:s11] =	dma.local [hbm:s3], $0x2800  }
0x27: {  	s3 =	simm.s32 $0x0;
	s9 =	rddreg [dreg:$0x6]  }
0x28: {  	[tilespmem:s18], [sflag:$0x10] =	stream.linear.gather [hbm4b:s9+s3], $0x2800, $0x38;
	[tilespmem:$0x1EE00] =	vst v63  }
0x29: {  	s11 =	simm.s32 $0x80;
	s16 =	rddreg [dreg:$0x8]  }
0x2a: {  	[tilespmem:s3], [sflag:$0x1] =	stream.strided.gather [hbm4b:s16+s11], $0x100, s8, s11, $0x38;
	[tilespmem:$0x1EE00] =	vst v63  }
0x2b: {  	s16 =	rddreg [dreg:$0xa]  }
0x2c: {  	[tilespmem:s26], [sflag:$0x2] =	stream.strided.gather [hbm4b:s16+s11], $0x100, s8, s11, $0x38;
	[tilespmem:$0x1EE00] =	vst v63  }
0x2d: {  	s16 =	rddreg [dreg:$0xb]  }
0x2e: {  	[tilespmem:s28], [sflag:$0x3] =	stream.strided.gather [hbm4b:s16+s11], $0x100, s8, s11, $0x38;
	[tilespmem:$0x1EE00] =	vst v63  }
0x2f: {  	s16 =	rddreg [dreg:$0xc]  }
0x30: {  	[tilespmem:s10], [sflag:$0x4] =	stream.strided.gather [hbm4b:s16+s11], $0x100, s8, s11, $0x38;
	[tilespmem:$0x1EE00] =	vst v63  }
0x31: {  	s16 =	rddreg [dreg:$0xd]  }
0x32: {  	[tilespmem:s31], [sflag:$0x5] =	stream.strided.gather [hbm4b:s16+s11], $0x100, s8, s11, $0x38;
	[tilespmem:$0x1EE00] =	vst v63  }
0x33: {  	_ =	swait.ge [sflag:s21], $0x100  }
0x34: {  	[sflag:s21] =	ssyncset.done $0x0  }
0x35: {  	[sflag:s21] =	ssyncadd.s32 $0xFFFFFF00  }
0x36: {  	[tilespmem:s0], [sflag:$0x7] =	stream.indirect.gather [hbm4b:s1+s29], $0x80, s3, s29, $0xb8;
	[tilespmem:$0x1EE00] =	vst v63  }
0x37: {  	_ =	swait.ge [sflag:s22], $0x100  }
0x38: {  	[sflag:s22] =	ssyncset.done $0x0  }
0x39: {  	s21 =	simm.s32 $0x3;
	[sflag:s22] =	ssyncadd.s32 $0xFFFFFF00  }
0x3a: {  	[tilespmem:s5], [sflag:$0x8] =	stream.indirect.gather [hbm4b:s1+s29], $0x80, s26, s29, $0xb8;
	[tilespmem:$0x1EE00] =	vst v63  }
0x3b: {  	_ =	swait.ge [sflag:s21], $0x100  }
0x3c: {  	[sflag:s21] =	ssyncset.done $0x0  }
0x3d: {  	s22 =	simm.s32 $0xF;
	[sflag:s21] =	ssyncadd.s32 $0xFFFFFF00  }
0x3e: {  	[tilespmem:s30], [sflag:$0x9] =	stream.indirect.gather [hbm4b:s1+s29], $0x80, s28, s29, $0xb8;
	[tilespmem:$0x1EE00] =	vst v63  }
0x3f: {  	_ =	swait.ge [sflag:s22], $0x2800  }
0x40: {  	[sflag:s22] =	ssyncset.done $0x0  }
0x41: {  	s30 =	simm.s32 $0x10;
	[sflag:s22] =	ssyncadd.s32 $0xFFFFD800  }
0x42: {  	_ =	swait.ge [sflag:s30], $0x2800  }
0x43: {  	s8 =	simm.s32 $0x80;
	[sflag:s30] =	ssyncset.done $0x0  }
0x44: {  	s16 =	simm.s32 $0x580;
	s3 =	simm.s32 $0x6600;
	[sflag:s30] =	ssyncadd.s32 $0xFFFFD800  }
0x45: {  	s0 =	simm.s32 $0x9C400;
	s21 =	simm.s32 $0x0;
	[bflag:$0x0] =	sbarrier.arrive $0xFFFF  }
.LBB2_2:
0x46: {  	p1 =	seq.s32 s21, $0x0  }
0x47: {  	s9 =	simm.s32 @!p1 $0xE  }
0x48: {  	_ =	swait.ge @!p1 [sflag:s9], $0x2000  }
0x49: {  	s22 =	sadd.s32 s21, s25;
	[sflag:s9] =	ssyncset.done @!p1 $0x0  }
0x4a: {  	s11 =	simm.s32 $0x500;
	s5 =	sadd.s32 $0x50, s22;
	[sflag:s9] =	ssyncadd.s32 @!p1 $0xFFFFE000  }
0x4b: {  	[tilespmem:s11], [sflag:$0x6] =	stream.strided.gather [hbm4b:s5+s8], $0x100, s0, s8, $0x38;
	[tilespmem:$0x1EE00] =	vst v63  }
0x4c: {  	s8 =	simm.s32 $0x4  }
0x4d: {  	_ =	swait.ge [sflag:s8], $0x100  }
0x4e: {  	[sflag:s8] =	ssyncset.done $0x0  }
0x4f: {  	[sflag:s8] =	ssyncadd.s32 $0xFFFFFF00  }
0x50: {  	[tilespmem:s3], [sflag:$0xA] =	stream.indirect.gather [hbm4b:s1+s29], $0x80, s10, s29, $0xb8;
	[tilespmem:$0x1EE00] =	vst v63  }
0x51: {  	_ =	swait.ge [sflag:s12], $0x2000  }
0x52: {  	[sflag:s12] =	ssyncset.done $0x0  }
0x53: {  	s5 =	simm.s32 $0x600;
	[sflag:s12] =	ssyncadd.s32 $0xFFFFE000  }
0x54: {  	[spmem:s2] =	stream.indirect.scatter.add.f32 [tilespmem:s5], [sflag:$0xB], $0x80, s13, s29, $0xb8;
	[tilespmem:$0x1EE00] =	vst v63  }
0x55: {  	v1 =	vld [tilespmem:$0x80];
	_ =	sdelay $0x7  }
0x56: {  	[tilespmem:v1+s18+$0x0] =	vst.idx.add.f32.msk $0xffff, v0  }
0x57: {  	v1 =	vld [tilespmem:$0x90];
	_ =	sdelay $0x7  }
0x58: {  	[tilespmem:v1+s18+$0x0] =	vst.idx.add.f32.msk $0xffff, v0  }
0x59: {  	v1 =	vld [tilespmem:$0xA0];
	_ =	sdelay $0x7  }
0x5a: {  	[tilespmem:v1+s18+$0x0] =	vst.idx.add.f32.msk $0xffff, v0  }
0x5b: {  	v1 =	vld [tilespmem:$0xB0];
	_ =	sdelay $0x7  }
0x5c: {  	[tilespmem:v1+s18+$0x0] =	vst.idx.add.f32.msk $0xffff, v0  }
0x5d: {  	_ =	swait.ge [sflag:s7], $0x2000  }
0x5e: {  	[sflag:s7] =	ssyncset.done $0x0  }
0x5f: {  	s3 =	simm.s32 $0x0;
	[sflag:s7] =	ssyncadd.s32 $0xFFFFE000;
	s7 =	sadd.s32 $0x60, s22  }
0x60: {  	[tilespmem:s3], [sflag:$0x1] =	stream.strided.gather [hbm4b:s7+s13], $0x100, s0, s13, $0x38;
	[tilespmem:$0x1EE00] =	vst v63  }
0x61: {  	_ =	swait.ge [sflag:s23], $0x100  }
0x62: {  	[sflag:s23] =	ssyncset.done $0x0  }
0x63: {  	[sflag:s23] =	ssyncadd.s32 $0xFFFFFF00  }
0x64: {  	[tilespmem:s5], [sflag:$0x7] =	stream.indirect.gather [hbm4b:s1+s29], $0x80, s31, s29, $0xb8;
	[tilespmem:$0x1EE00] =	vst v63  }
0x65: {  	_ =	swait.ge [sflag:s15], $0x2000  }
0x66: {  	[sflag:s15] =	ssyncset.done $0x0  }
0x67: {  	s30 =	simm.s32 $0x2600;
	s12 =	simm.s32 $0x180;
	[sflag:s15] =	ssyncadd.s32 $0xFFFFE000  }
0x68: {  	[spmem:s2] =	stream.indirect.scatter.add.f32 [tilespmem:s30], [sflag:$0xC], $0x80, s12, s29, $0xb8;
	[tilespmem:$0x1EE00] =	vst v63  }
0x69: {  	v1 =	vld [tilespmem:$0x180];
	_ =	sdelay $0x7  }
0x6a: {  	[tilespmem:v1+s18+$0x0] =	vst.idx.add.f32.msk $0xffff, v0  }
0x6b: {  	v1 =	vld [tilespmem:$0x190];
	_ =	sdelay $0x7  }
0x6c: {  	[tilespmem:v1+s18+$0x0] =	vst.idx.add.f32.msk $0xffff, v0  }
0x6d: {  	v1 =	vld [tilespmem:$0x1A0];
	_ =	sdelay $0x7  }
0x6e: {  	[tilespmem:v1+s18+$0x0] =	vst.idx.add.f32.msk $0xffff, v0  }
0x6f: {  	v1 =	vld [tilespmem:$0x1B0];
	_ =	sdelay $0x7  }
0x70: {  	[tilespmem:v1+s18+$0x0] =	vst.idx.add.f32.msk $0xffff, v0  }
0x71: {  	_ =	swait.ge [sflag:s24], $0x2000  }
0x72: {  	[sflag:s24] =	ssyncset.done $0x0  }
0x73: {  	s7 =	sadd.s32 $0x70, s22;
	[sflag:s24] =	ssyncadd.s32 $0xFFFFE000  }
0x74: {  	[tilespmem:s26], [sflag:$0x2] =	stream.strided.gather [hbm4b:s7+s13], $0x100, s0, s13, $0x38;
	[tilespmem:$0x1EE00] =	vst v63  }
0x75: {  	_ =	swait.ge [sflag:s19], $0x100  }
0x76: {  	[sflag:s19] =	ssyncset.done $0x0  }
0x77: {  	[sflag:s19] =	ssyncadd.s32 $0xFFFFFF00  }
0x78: {  	[tilespmem:s30], [sflag:$0x8] =	stream.indirect.gather [hbm4b:s1+s29], $0x80, s11, s29, $0xb8;
	[tilespmem:$0x1EE00] =	vst v63  }
0x79: {  	_ =	swait.ge [sflag:s6], $0x2000  }
0x7a: {  	[sflag:s6] =	ssyncset.done $0x0  }
0x7b: {  	s9 =	simm.s32 $0x280;
	[sflag:s6] =	ssyncadd.s32 $0xFFFFE000  }
0x7c: {  	[spmem:s2] =	stream.indirect.scatter.add.f32 [tilespmem:s20], [sflag:$0xD], $0x80, s9, s29, $0xb8;
	[tilespmem:$0x1EE00] =	vst v63  }
0x7d: {  	v1 =	vld [tilespmem:$0x280];
	_ =	sdelay $0x7  }
0x7e: {  	[tilespmem:v1+s18+$0x0] =	vst.idx.add.f32.msk $0xffff, v0  }
0x7f: {  	v1 =	vld [tilespmem:$0x290];
	_ =	sdelay $0x7  }
0x80: {  	[tilespmem:v1+s18+$0x0] =	vst.idx.add.f32.msk $0xffff, v0  }
0x81: {  	v1 =	vld [tilespmem:$0x2A0];
	_ =	sdelay $0x7  }
0x82: {  	[tilespmem:v1+s18+$0x0] =	vst.idx.add.f32.msk $0xffff, v0  }
0x83: {  	v1 =	vld [tilespmem:$0x2B0];
	_ =	sdelay $0x7  }
0x84: {  	[tilespmem:v1+s18+$0x0] =	vst.idx.add.f32.msk $0xffff, v0  }
0x85: {  	_ =	swait.ge [sflag:s17], $0x2000  }
0x86: {  	[sflag:s17] =	ssyncset.done $0x0  }
0x87: {  	s12 =	sadd.s32 $0x80, s22;
	s7 =	simm.s32 $0x1;
	[sflag:s17] =	ssyncadd.s32 $0xFFFFE000  }
0x88: {  	[tilespmem:s28], [sflag:$0x3] =	stream.strided.gather [hbm4b:s12+s13], $0x100, s0, s13, $0x38;
	[tilespmem:$0x1EE00] =	vst v63  }
0x89: {  	_ =	swait.ge [sflag:s7], $0x100  }
0x8a: {  	[sflag:s7] =	ssyncset.done $0x0  }
0x8b: {  	[sflag:s7] =	ssyncadd.s32 $0xFFFFFF00  }
0x8c: {  	[tilespmem:s20], [sflag:$0x9] =	stream.indirect.gather [hbm4b:s1+s29], $0x80, s3, s29, $0xb8;
	[tilespmem:$0x1EE00] =	vst v63  }
0x8d: {  	_ =	swait.ge [sflag:s4], $0x2000  }
0x8e: {  	[sflag:s4] =	ssyncset.done $0x0  }
0x8f: {  	s12 =	simm.s32 $0x380;
	[sflag:s4] =	ssyncadd.s32 $0xFFFFE000  }
0x90: {  	[spmem:s2] =	stream.indirect.scatter.add.f32 [tilespmem:s14], [sflag:$0xE], $0x80, s12, s29, $0xb8;
	[tilespmem:$0x1EE00] =	vst v63  }
0x91: {  	v1 =	vld [tilespmem:$0x380];
	_ =	sdelay $0x7  }
0x92: {  	[tilespmem:v1+s18+$0x0] =	vst.idx.add.f32.msk $0xffff, v0  }
0x93: {  	v1 =	vld [tilespmem:$0x390];
	_ =	sdelay $0x7  }
0x94: {  	[tilespmem:v1+s18+$0x0] =	vst.idx.add.f32.msk $0xffff, v0  }
0x95: {  	v1 =	vld [tilespmem:$0x3A0];
	_ =	sdelay $0x7  }
0x96: {  	[tilespmem:v1+s18+$0x0] =	vst.idx.add.f32.msk $0xffff, v0  }
0x97: {  	v1 =	vld [tilespmem:$0x3B0];
	_ =	sdelay $0x7  }
0x98: {  	s12 =	simm.s32 $0xE;
	[tilespmem:v1+s18+$0x0] =	vst.idx.add.f32.msk $0xffff, v0  }
0x99: {  	_ =	swait.ge [sflag:s12], $0x2000  }
0x9a: {  	[sflag:s12] =	ssyncset.done $0x0  }
0x9b: {  	s9 =	simm.s32 $0x2;
	s3 =	sadd.s32 $0x90, s22;
	[sflag:s12] =	ssyncadd.s32 $0xFFFFE000  }
0x9c: {  	[tilespmem:s10], [sflag:$0x4] =	stream.strided.gather [hbm4b:s3+s13], $0x100, s0, s13, $0x38;
	[tilespmem:$0x1EE00] =	vst v63  }
0x9d: {  	_ =	swait.ge [sflag:s9], $0x100  }
0x9e: {  	[sflag:s9] =	ssyncset.done $0x0  }
0x9f: {  	s7 =	simm.s32 $0x7;
	[sflag:s9] =	ssyncadd.s32 $0xFFFFFF00  }
0xa0: {  	[tilespmem:s14], [sflag:$0xA] =	stream.indirect.gather [hbm4b:s1+s29], $0x80, s26, s29, $0xb8;
	[tilespmem:$0x1EE00] =	vst v63  }
0xa1: {  	_ =	swait.ge [sflag:s7], $0x2000  }
0xa2: {  	[sflag:s7] =	ssyncset.done $0x0  }
0xa3: {  	s26 =	simm.s32 $0x480;
	[sflag:s7] =	ssyncadd.s32 $0xFFFFE000  }
0xa4: {  	[spmem:s2] =	stream.indirect.scatter.add.f32 [tilespmem:s5], [sflag:$0xB], $0x80, s26, s29, $0xb8;
	[tilespmem:$0x1EE00] =	vst v63  }
0xa5: {  	v1 =	vld [tilespmem:$0x480];
	_ =	sdelay $0x7  }
0xa6: {  	[tilespmem:v1+s18+$0x0] =	vst.idx.add.f32.msk $0xffff, v0  }
0xa7: {  	v1 =	vld [tilespmem:$0x490];
	_ =	sdelay $0x7  }
0xa8: {  	[tilespmem:v1+s18+$0x0] =	vst.idx.add.f32.msk $0xffff, v0  }
0xa9: {  	v1 =	vld [tilespmem:$0x4A0];
	_ =	sdelay $0x7  }
0xaa: {  	[tilespmem:v1+s18+$0x0] =	vst.idx.add.f32.msk $0xffff, v0  }
0xab: {  	v1 =	vld [tilespmem:$0x4B0];
	_ =	sdelay $0x7  }
0xac: {  	s7 =	simm.s32 $0xB;
	[tilespmem:v1+s18+$0x0] =	vst.idx.add.f32.msk $0xffff, v0  }
0xad: {  	_ =	swait.ge [sflag:s7], $0x2000  }
0xae: {  	[sflag:s7] =	ssyncset.done $0x0  }
0xaf: {  	s3 =	sadd.s32 $0xA0, s22;
	s9 =	simm.s32 $0x3;
	[sflag:s7] =	ssyncadd.s32 $0xFFFFE000  }
0xb0: {  	[tilespmem:s31], [sflag:$0x5] =	stream.strided.gather [hbm4b:s3+s13], $0x100, s0, s13, $0x38;
	[tilespmem:$0x1EE00] =	vst v63  }
0xb1: {  	_ =	swait.ge [sflag:s9], $0x100  }
0xb2: {  	[sflag:s9] =	ssyncset.done $0x0  }
0xb3: {  	[sflag:s9] =	ssyncadd.s32 $0xFFFFFF00  }
0xb4: {  	[tilespmem:s5], [sflag:$0x7] =	stream.indirect.gather [hbm4b:s1+s29], $0x80, s28, s29, $0xb8;
	[tilespmem:$0x1EE00] =	vst v63  }
0xb5: {  	_ =	swait.ge [sflag:s15], $0x2000  }
0xb6: {  	[sflag:s15] =	ssyncset.done $0x0  }
0xb7: {  	[sflag:s15] =	ssyncadd.s32 $0xFFFFE000  }
0xb8: {  	[spmem:s2] =	stream.indirect.scatter.add.f32 [tilespmem:s30], [sflag:$0xC], $0x80, s16, s29, $0xb8;
	[tilespmem:$0x1EE00] =	vst v63  }
0xb9: {  	v1 =	vld [tilespmem:$0x580];
	_ =	sdelay $0x7  }
0xba: {  	[tilespmem:v1+s18+$0x0] =	vst.idx.add.f32.msk $0xffff, v0  }
0xbb: {  	v1 =	vld [tilespmem:$0x590];
	_ =	sdelay $0x7  }
0xbc: {  	[tilespmem:v1+s18+$0x0] =	vst.idx.add.f32.msk $0xffff, v0  }
0xbd: {  	v1 =	vld [tilespmem:$0x5A0];
	_ =	sdelay $0x7  }
0xbe: {  	[tilespmem:v1+s18+$0x0] =	vst.idx.add.f32.msk $0xffff, v0  }
0xbf: {  	v1 =	vld [tilespmem:$0x5B0];
	_ =	sdelay $0x7  }
0xc0: {  	[tilespmem:v1+s18+$0x0] =	vst.idx.add.f32.msk $0xffff, v0  }
0xc1: {  	_ =	swait.ge [sflag:s24], $0x2000  }
0xc2: {  	[sflag:s24] =	ssyncset.done $0x0  }
0xc3: {  	s22 =	sadd.s32 $0xB0, s22;
	[sflag:s24] =	ssyncadd.s32 $0xFFFFE000  }
0xc4: {  	[tilespmem:s11], [sflag:$0x6] =	stream.strided.gather [hbm4b:s22+s13], $0x100, s0, s13, $0x38;
	[tilespmem:$0x1EE00] =	vst v63  }
0xc5: {  	_ =	swait.ge [sflag:s8], $0x100  }
0xc6: {  	[sflag:s8] =	ssyncset.done $0x0  }
0xc7: {  	[sflag:s8] =	ssyncadd.s32 $0xFFFFFF00  }
0xc8: {  	[tilespmem:s30], [sflag:$0x8] =	stream.indirect.gather [hbm4b:s1+s29], $0x80, s10, s29, $0xb8;
	[tilespmem:$0x1EE00] =	vst v63  }
0xc9: {  	_ =	swait.ge [sflag:s6], $0x2000  }
0xca: {  	[sflag:s6] =	ssyncset.done $0x0  }
0xcb: {  	s8 =	simm.s32 $0x80;
	[sflag:s6] =	ssyncadd.s32 $0xFFFFE000  }
0xcc: {  	[spmem:s2] =	stream.indirect.scatter.add.f32 [tilespmem:s20], [sflag:$0xD], $0x80, s8, s29, $0xb8;
	[tilespmem:$0x1EE00] =	vst v63  }
0xcd: {  	v1 =	vld [tilespmem:$0x80];
	_ =	sdelay $0x7  }
0xce: {  	[tilespmem:v1+s18+$0x0] =	vst.idx.add.f32.msk $0xffff, v0  }
0xcf: {  	v1 =	vld [tilespmem:$0x90];
	_ =	sdelay $0x7  }
0xd0: {  	[tilespmem:v1+s18+$0x0] =	vst.idx.add.f32.msk $0xffff, v0  }
0xd1: {  	v1 =	vld [tilespmem:$0xA0];
	_ =	sdelay $0x7  }
0xd2: {  	[tilespmem:v1+s18+$0x0] =	vst.idx.add.f32.msk $0xffff, v0  }
0xd3: {  	v1 =	vld [tilespmem:$0xB0];
	_ =	sdelay $0x7  }
0xd4: {  	p1 =	seq.s32 s21, $0x900;
	[tilespmem:v1+s18+$0x0] =	vst.idx.add.f32.msk $0xffff, v0  }
0xd5: {  	s9 =	simm.s32 @!p1 $0x80;
	s22 =	sadd.s32 @!p1 s21, s25;
	_ =	swait.ge [sflag:s17], $0x2000  }
0xd6: {  	s28 =	simm.s32 @!p1 $0x0;
	s26 =	sadd.s32 @!p1 $0xC0, s22;
	[sflag:s17] =	ssyncset.done $0x0  }
0xd7: {  	s10 =	smov.u32 s25;
	s25 =	simm.s32 @!p1 $0x9C400;
	[sflag:s17] =	ssyncadd.s32 $0xFFFFE000  }
0xd8: {  	[tilespmem:s28], [sflag:$0x1] =	stream.strided.gather @!p1 [hbm4b:s26+s9], $0x100, s25, s9, $0x38;
	[tilespmem:$0x1EE00] =	vst v63  }
0xd9: {  	_ =	swait.ge [sflag:s23], $0x100  }
0xda: {  	[sflag:s23] =	ssyncset.done $0x0  }
0xdb: {  	[sflag:s23] =	ssyncadd.s32 $0xFFFFFF00  }
0xdc: {  	[tilespmem:s20], [sflag:$0x9] =	stream.indirect.gather [hbm4b:s1+s29], $0x80, s31, s29, $0xb8;
	[tilespmem:$0x1EE00] =	vst v63  }
0xdd: {  	_ =	swait.ge [sflag:s4], $0x2000  }
0xde: {  	[sflag:s4] =	ssyncset.done $0x0  }
0xdf: {  	s26 =	simm.s32 $0x180;
	[sflag:s4] =	ssyncadd.s32 $0xFFFFE000  }
0xe0: {  	[spmem:s2] =	stream.indirect.scatter.add.f32 [tilespmem:s14], [sflag:$0xE], $0x80, s26, s29, $0xb8;
	[tilespmem:$0x1EE00] =	vst v63  }
0xe1: {  	v1 =	vld [tilespmem:$0x180];
	_ =	sdelay $0x7  }
0xe2: {  	[tilespmem:v1+s18+$0x0] =	vst.idx.add.f32.msk $0xffff, v0  }
0xe3: {  	v1 =	vld [tilespmem:$0x190];
	_ =	sdelay $0x7  }
0xe4: {  	[tilespmem:v1+s18+$0x0] =	vst.idx.add.f32.msk $0xffff, v0  }
0xe5: {  	v1 =	vld [tilespmem:$0x1A0];
	_ =	sdelay $0x7  }
0xe6: {  	[tilespmem:v1+s18+$0x0] =	vst.idx.add.f32.msk $0xffff, v0  }
0xe7: {  	v1 =	vld [tilespmem:$0x1B0];
	_ =	sdelay $0x7  }
0xe8: {  	[tilespmem:v1+s18+$0x0] =	vst.idx.add.f32.msk $0xffff, v0  }
0xe9: {  	_ =	swait.ge [sflag:s12], $0x2000  }
0xea: {  	[sflag:s12] =	ssyncset.done $0x0  }
0xeb: {  	s31 =	simm.s32 @!p1 $0x100;
	s26 =	sadd.s32 @!p1 $0xD0, s22;
	[sflag:s12] =	ssyncadd.s32 $0xFFFFE000  }
0xec: {  	[tilespmem:s31], [sflag:$0x2] =	stream.strided.gather @!p1 [hbm4b:s26+s9], $0x100, s25, s9, $0x38;
	[tilespmem:$0x1EE00] =	vst v63  }
0xed: {  	_ =	swait.ge [sflag:s19], $0x100  }
0xee: {  	[sflag:s19] =	ssyncset.done $0x0  }
0xef: {  	s12 =	simm.s32 $0x7;
	[sflag:s19] =	ssyncadd.s32 $0xFFFFFF00  }
0xf0: {  	[tilespmem:s14], [sflag:$0xA] =	stream.indirect.gather [hbm4b:s1+s29], $0x80, s11, s29, $0xb8;
	[tilespmem:$0x1EE00] =	vst v63  }
0xf1: {  	_ =	swait.ge [sflag:s12], $0x2000  }
0xf2: {  	[sflag:s12] =	ssyncset.done $0x0  }
0xf3: {  	s11 =	simm.s32 $0x280;
	[sflag:s12] =	ssyncadd.s32 $0xFFFFE000  }
0xf4: {  	[spmem:s2] =	stream.indirect.scatter.add.f32 [tilespmem:s5], [sflag:$0xB], $0x80, s11, s29, $0xb8;
	[tilespmem:$0x1EE00] =	vst v63  }
0xf5: {  	v1 =	vld [tilespmem:$0x280];
	_ =	sdelay $0x7  }
0xf6: {  	[tilespmem:v1+s18+$0x0] =	vst.idx.add.f32.msk $0xffff, v0  }
0xf7: {  	v1 =	vld [tilespmem:$0x290];
	_ =	sdelay $0x7  }
0xf8: {  	[tilespmem:v1+s18+$0x0] =	vst.idx.add.f32.msk $0xffff, v0  }
0xf9: {  	v1 =	vld [tilespmem:$0x2A0];
	_ =	sdelay $0x7  }
0xfa: {  	[tilespmem:v1+s18+$0x0] =	vst.idx.add.f32.msk $0xffff, v0  }
0xfb: {  	v1 =	vld [tilespmem:$0x2B0];
	_ =	sdelay $0x7  }
0xfc: {  	[tilespmem:v1+s18+$0x0] =	vst.idx.add.f32.msk $0xffff, v0  }
0xfd: {  	_ =	swait.ge [sflag:s7], $0x2000  }
0xfe: {  	[sflag:s7] =	ssyncset.done $0x0  }
0xff: {  	s3 =	simm.s32 @!p1 $0x200;
	s26 =	sadd.s32 @!p1 $0xE0, s22;
	[sflag:s7] =	ssyncadd.s32 $0xFFFFE000  }
0x100: {  	[tilespmem:s3], [sflag:$0x3] =	stream.strided.gather @!p1 [hbm4b:s26+s9], $0x100, s25, s9, $0x38;
	[tilespmem:$0x1EE00] =	vst v63  }
0x101: {  	s26 =	simm.s32 @!p1 $0x1  }
0x102: {  	_ =	swait.ge @!p1 [sflag:s26], $0x100  }
0x103: {  	[sflag:s26] =	ssyncset.done @!p1 $0x0  }
0x104: {  	s16 =	simm.s32 @!p1 $0x600;
	[sflag:s26] =	ssyncadd.s32 @!p1 $0xFFFFFF00;
	s26 =	simm.s32 @!p1 $0x40  }
0x105: {  	[tilespmem:s16], [sflag:$0x7] =	stream.indirect.gather @!p1 [hbm4b:s1+s26], $0x80, s28, s26, $0xb8;
	[tilespmem:$0x1EE00] =	vst v63  }
0x106: {  	_ =	swait.ge [sflag:s15], $0x2000  }
0x107: {  	[sflag:s15] =	ssyncset.done $0x0  }
0x108: {  	s16 =	simm.s32 $0x380;
	[sflag:s15] =	ssyncadd.s32 $0xFFFFE000  }
0x109: {  	[spmem:s2] =	stream.indirect.scatter.add.f32 [tilespmem:s30], [sflag:$0xC], $0x80, s16, s29, $0xb8;
	[tilespmem:$0x1EE00] =	vst v63  }
0x10a: {  	v1 =	vld [tilespmem:$0x380];
	_ =	sdelay $0x7  }
0x10b: {  	[tilespmem:v1+s18+$0x0] =	vst.idx.add.f32.msk $0xffff, v0  }
0x10c: {  	v1 =	vld [tilespmem:$0x390];
	_ =	sdelay $0x7  }
0x10d: {  	[tilespmem:v1+s18+$0x0] =	vst.idx.add.f32.msk $0xffff, v0  }
0x10e: {  	v1 =	vld [tilespmem:$0x3A0];
	_ =	sdelay $0x7  }
0x10f: {  	[tilespmem:v1+s18+$0x0] =	vst.idx.add.f32.msk $0xffff, v0  }
0x110: {  	v1 =	vld [tilespmem:$0x3B0];
	_ =	sdelay $0x7  }
0x111: {  	[tilespmem:v1+s18+$0x0] =	vst.idx.add.f32.msk $0xffff, v0  }
0x112: {  	_ =	swait.ge [sflag:s24], $0x2000  }
0x113: {  	[sflag:s24] =	ssyncset.done $0x0  }
0x114: {  	s28 =	simm.s32 @!p1 $0x300;
	s16 =	sadd.s32 @!p1 $0xF0, s22;
	[sflag:s24] =	ssyncadd.s32 $0xFFFFE000  }
0x115: {  	[tilespmem:s28], [sflag:$0x4] =	stream.strided.gather @!p1 [hbm4b:s16+s9], $0x100, s25, s9, $0x38;
	[tilespmem:$0x1EE00] =	vst v63  }
0x116: {  	s16 =	simm.s32 @!p1 $0x2  }
0x117: {  	_ =	swait.ge @!p1 [sflag:s16], $0x100  }
0x118: {  	[sflag:s16] =	ssyncset.done @!p1 $0x0  }
0x119: {  	[sflag:s16] =	ssyncadd.s32 @!p1 $0xFFFFFF00;
	s16 =	simm.s32 @!p1 $0x2600  }
0x11a: {  	[tilespmem:s16], [sflag:$0x8] =	stream.indirect.gather @!p1 [hbm4b:s1+s26], $0x80, s31, s26, $0xb8;
	[tilespmem:$0x1EE00] =	vst v63  }
0x11b: {  	_ =	swait.ge [sflag:s6], $0x2000  }
0x11c: {  	[sflag:s6] =	ssyncset.done $0x0  }
0x11d: {  	s30 =	simm.s32 $0x480;
	[sflag:s6] =	ssyncadd.s32 $0xFFFFE000  }
0x11e: {  	[spmem:s2] =	stream.indirect.scatter.add.f32 [tilespmem:s20], [sflag:$0xD], $0x80, s30, s29, $0xb8;
	[tilespmem:$0x1EE00] =	vst v63  }
0x11f: {  	v1 =	vld [tilespmem:$0x480];
	_ =	sdelay $0x7  }
0x120: {  	[tilespmem:v1+s18+$0x0] =	vst.idx.add.f32.msk $0xffff, v0  }
0x121: {  	v1 =	vld [tilespmem:$0x490];
	_ =	sdelay $0x7  }
0x122: {  	[tilespmem:v1+s18+$0x0] =	vst.idx.add.f32.msk $0xffff, v0  }
0x123: {  	v1 =	vld [tilespmem:$0x4A0];
	_ =	sdelay $0x7  }
0x124: {  	[tilespmem:v1+s18+$0x0] =	vst.idx.add.f32.msk $0xffff, v0  }
0x125: {  	v1 =	vld [tilespmem:$0x4B0];
	_ =	sdelay $0x7  }
0x126: {  	[tilespmem:v1+s18+$0x0] =	vst.idx.add.f32.msk $0xffff, v0  }
0x127: {  	_ =	swait.ge [sflag:s17], $0x2000  }
0x128: {  	[sflag:s17] =	ssyncset.done $0x0  }
0x129: {  	s16 =	sadd.s32 @!p1 $0x100, s22;
	s22 =	simm.s32 @!p1 $0x400;
	[sflag:s17] =	ssyncadd.s32 $0xFFFFE000  }
0x12a: {  	[tilespmem:s22], [sflag:$0x5] =	stream.strided.gather @!p1 [hbm4b:s16+s9], $0x100, s25, s9, $0x38;
	[tilespmem:$0x1EE00] =	vst v63  }
0x12b: {  	s9 =	simm.s32 @!p1 $0x3  }
0x12c: {  	_ =	swait.ge @!p1 [sflag:s9], $0x100  }
0x12d: {  	[sflag:s9] =	ssyncset.done @!p1 $0x0  }
0x12e: {  	[sflag:s9] =	ssyncadd.s32 @!p1 $0xFFFFFF00;
	s9 =	simm.s32 @!p1 $0x4600  }
0x12f: {  	[tilespmem:s9], [sflag:$0x9] =	stream.indirect.gather @!p1 [hbm4b:s1+s26], $0x80, s3, s26, $0xb8;
	[tilespmem:$0x1EE00] =	vst v63  }
0x130: {  	_ =	swait.ge [sflag:s4], $0x2000  }
0x131: {  	[sflag:s4] =	ssyncset.done $0x0  }
0x132: {  	s16 =	simm.s32 $0x580;
	s3 =	simm.s32 $0x6600;
	[sflag:s4] =	ssyncadd.s32 $0xFFFFE000  }
0x133: {  	[spmem:s2] =	stream.indirect.scatter.add.f32 [tilespmem:s3], [sflag:$0xE], $0x80, s16, s29, $0xb8;
	[tilespmem:$0x1EE00] =	vst v63  }
0x134: {  	v1 =	vld [tilespmem:$0x580];
	_ =	sdelay $0x7  }
0x135: {  	[tilespmem:v1+s18+$0x0] =	vst.idx.add.f32.msk $0xffff, v0  }
0x136: {  	v1 =	vld [tilespmem:$0x590];
	_ =	sdelay $0x7  }
0x137: {  	[tilespmem:v1+s18+$0x0] =	vst.idx.add.f32.msk $0xffff, v0  }
0x138: {  	v1 =	vld [tilespmem:$0x5A0];
	_ =	sdelay $0x7  }
0x139: {  	[tilespmem:v1+s18+$0x0] =	vst.idx.add.f32.msk $0xffff, v0  }
0x13a: {  	v1 =	vld [tilespmem:$0x5B0];
	_ =	sdelay $0x1  }
0x13b: {  	s21 =	sadd.s32 $0xC0, s21  }
0x13c: {  	p1 =	sne.s32 s21, $0x9C0  }
.Ltmp0:
0x13d: {  	_ = 	snop;
	(pc) =	sbr.rel @p1 .LBB2_2-.Ltmp0, $3  }
0x13e: {  	_ =	sdelay $0x1  }
0x13f: {  	s28 =	simm.s32 $0x200;
	s31 =	simm.s32 $0x400  }
0x140: {  	s25 =	smov.u32 s10;
	s10 =	simm.s32 $0x300;
	s26 =	simm.s32 $0x100;
	[tilespmem:v1+s18+$0x0] =	vst.idx.add.f32.msk $0xffff, v0  }
0x141: {  	s0 =	simm.s32 $0xE  }
0x142: {  	_ =	swait.ge [sflag:s0], $0x2000  }
0x143: {  	s3 =	simm.s32 @!p0 $0x80;
	s9 =	simm.s32 @!p0 $0x9C400;
	[sflag:s0] =	ssyncset.done $0x0  }
0x144: {  	s16 =	simm.s32 @!p0 $0x0;
	s21 =	rddreg [dreg:$0xe];
	[sflag:s0] =	ssyncadd.s32 $0xFFFFE000  }
0x145: {  	[tilespmem:s16], [sflag:$0x1] =	stream.strided.gather @!p0 [hbm4b:s21+s3], $0x100, s9, s3, $0x38;
	[tilespmem:$0x1EE00] =	vst v63  }
0x146: {  	s9 =	simm.s32 @!p0 $0x1  }
0x147: {  	_ =	swait.ge @!p0 [sflag:s9], $0x100  }
0x148: {  	[sflag:s9] =	ssyncset.done @!p0 $0x0  }
0x149: {  	s21 =	simm.s32 @!p0 $0x600;
	[sflag:s9] =	ssyncadd.s32 @!p0 $0xFFFFFF00;
	s9 =	simm.s32 @!p0 $0x40  }
0x14a: {  	[tilespmem:s21], [sflag:$0x7] =	stream.indirect.gather @!p0 [hbm4b:s1+s9], $0x80, s16, s9, $0xb8;
	[tilespmem:$0x1EE00] =	vst v63  }
0x14b: {  	s16 =	simm.s32 @!p0 $0x7  }
0x14c: {  	_ =	swait.ge @!p0 [sflag:s16], $0x2000  }
0x14d: {  	[sflag:s16] =	ssyncset.done @!p0 $0x0  }
0x14e: {  	[sflag:s16] =	ssyncadd.s32 @!p0 $0xFFFFE000  }
0x14f: {  	[spmem:s2] =	stream.indirect.scatter.add.f32 @!p0 [tilespmem:s21], [sflag:$0x11], $0x80, s3, s9, $0xb8;
	[tilespmem:$0x1EE00] =	vst v63  }
0x150: {  	s3 =	simm.s32 @!p0 $0x11  }
0x151: {  	_ =	swait.ge @!p0 [sflag:s3], $0x2000  }
0x152: {  	[sflag:s3] =	ssyncset.done @!p0 $0x0  }
0x153: {  	[sflag:s3] =	ssyncadd.s32 @!p0 $0xFFFFE000  }
0x154: {  	v1 =	vld @!p0 [tilespmem:$0x80];
	_ =	sdelay $0x6  }
0x155: {  	v2 =	vimm.f32 @!p0 $1.000000000e+00;
	s3 =	simm.s32 @!p0 $0x8600  }
0x156: {  	[tilespmem:v1+s3+$0x0] =	vst.idx.add.f32.msk @!p0 $0xffff, v2  }
0x157: {  	v1 =	vld @!p0 [tilespmem:$0x90];
	_ =	sdelay $0x7  }
0x158: {  	[tilespmem:v1+s3+$0x0] =	vst.idx.add.f32.msk @!p0 $0xffff, v2  }
0x159: {  	v1 =	vld @!p0 [tilespmem:$0xA0];
	_ =	sdelay $0x7  }
0x15a: {  	[tilespmem:v1+s3+$0x0] =	vst.idx.add.f32.msk @!p0 $0xffff, v2  }
0x15b: {  	v1 =	vld @!p0 [tilespmem:$0xB0];
	_ =	sdelay $0x7  }
0x15c: {  	[tilespmem:v1+s3+$0x0] =	vst.idx.add.f32.msk @!p0 $0xffff, v2  }
0x15d: {  	[bflag:$0x0] =	sbarrier.arrive $0xFFFF  }
0x15e: {  	s0 =	rddreg [dreg:$0x7]  }
0x15f: {  	s16 =	rddreg [dreg:$0x10]  }
0x160: {  	s8 =	simm.s32 $0x11;
	s5 =	rddreg [dreg:$0x11];
	s3 =	sor.u32 $0x1C11, s0  }
0x161: {  	[hbm:s5], [sflag:s3] =	dma.local [spmem:s16], $0x2800  }
0x162: {  	_ =	swait.ge [sflag:s8], $0x2800  }
0x163: {  	[sflag:s8] =	ssyncset.done $0x0  }
0x164: {  	s9 =	simm.s32 $0x0;
	s11 =	rddreg [dreg:$0x12];
	[sflag:s8] =	ssyncadd.s32 $0xFFFFD800  }
0x165: {  	[hbm4b:s11+s9] =	stream.linear.scatter [tilespmem:s18], [sflag:$0x11], $0x2800, $0x38;
	[tilespmem:$0x1EE00] =	vst v63  }
0x166: {  	_ =	swait.ge [sflag:s8], $0x2800  }
0x167: {  	s21 =	rddreg [dreg:$0x13]  }
0x168: {  	s22 =	rddreg [dreg:$0xf];
	s9 =	sadd.s32 $0x1, s21  }
0x169: {  	p1 =	sne.s32 s9, s22  }
.Ltmp1:
0x16a: {  	_ = 	snop;
	(pc) =	sbr.rel @p1 .LBB2_1-.Ltmp1, $4  }
0x16b: {  	_ = 	snop  }
0x16c: {  	s30 =	simm.s32 $0x4600;
	[sflag:s8] =	ssyncset.done $0x0  }
0x16d: {  	s0 =	simm.s32 $0x600;
	s5 =	simm.s32 $0x2600;
	[sflag:s8] =	ssyncadd.s32 $0xFFFFD800  }
0x16e: {  	s21 =	simm.s32 $0x1;
	s8 =	simm.s32 $0x9C400;
	s22 =	simm.s32 $0x2  }
0x16f: {  	_ =	sfence.sel $0x180000  }
0x170: {  	[bflag:$0x0] =	sbarrier.arrive $0xFFFF  }
0x171: {  	_ =	strace $0x90000047  }
0x172: {  	s0 =	stileid.u32;
	[bflag:$0x2] =	sbarrier.arrive $0xFFFF  }
0x173: {  	p0 =	sne.s32 s0, $0x0;
	s0 =	rddreg [dreg:$0x4]  }
0x174: {  	s0 =	sadd.s32 @!p0 $0x100000, s0  }
0x175: {  	[sflag:s0] =	ssyncadd.tile.s32 @!p0 $0x1;
	_ =	shalt  }
.Lfunc_end2:
_tile_overlayer_lowered:
.L_overlay_start_2:
0x176: {  	(tag) =	ssettag $0x2  }
0x177: {  	s0 =	rddreg [dreg:$0x0];
	s2 =	stileid.u32  }
0x178: {  	s1 =	rddreg [dreg:$0x1];
	p0 =	sne.s32 s2, $0x0  }
0x179: {  	s3 =	rddreg [dreg:$0x2];
	[bflag:$0x3] =	sbarrier.arrive $0xFFFF;
	s2 =	simm.s32 @!p0 $0x1C11  }
0x17a: {  	[timem:s3], [sflag:s2] =	dma.local @!p0 [hbm:s0], s1  }
0x17b: {  	s0 =	simm.s32 @!p0 $0x11  }
0x17c: {  	_ =	swait.ge @!p0 [sflag:s0], s1  }
0x17d: {  	s1 =	ssub.s32 @!p0 $0x0, s1;
	[sflag:s0] =	ssyncset.done @!p0 $0x0  }
0x17e: {  	[sflag:s0] =	ssyncadd.s32 @!p0 s1  }
0x17f: {  	[bflag:$0x3] =	sbarrier.arrive $0xFFFF  }
0x180: {  	_ =	shalt  }

</sc_bundles>
